<compile_context>
chip_gen: v7x
topology: tpu7x:2x2x1
jax: 0.10.2.dev20260603
libtpu: 0.0.44.dev20260713+nightly
codegen_flags: <defaults>
</compile_context>

<pallas_src>
import functools

import jax
import jax.numpy as jnp
from jax import lax
from jax.experimental import pallas as pl
from jax.experimental.pallas import tpu as pltpu
from jax.experimental.pallas import tpu_sc as plsc

_L = 16
_NW = 32
_NCHAIN = 4
_UNROLL = 2


def _sc_argmax_sample(loc_hbm, scale_hbm, eps_hbm, out_hbm,
                      eps_v0, eps_v1, loc_v0, loc_v1, scale_v0, scale_v1,
                      out_v, sem0, sem1, *, n_k, n_el, per_w, chunk):
    wid = lax.axis_index("s") * 2 + lax.axis_index("c")
    base = wid * per_w
    nchunk = per_w // chunk
    groups = chunk // _L

    eps_bufs = (eps_v0, eps_v1)
    loc_bufs = (loc_v0, loc_v1)
    scale_bufs = (scale_v0, scale_v1)
    sems = (sem0, sem1)

    def start_chunk(ch, par):
        off = base + ch * chunk
        for kk in range(n_k):
            pltpu.async_copy(eps_hbm.at[pl.ds(kk * n_el + off, chunk)],
                             eps_bufs[par].at[pl.ds(kk * chunk, chunk)],
                             sems[par])
        pltpu.async_copy(loc_hbm.at[pl.ds(off, chunk)], loc_bufs[par],
                         sems[par])
        pltpu.async_copy(scale_hbm.at[pl.ds(off, chunk)], scale_bufs[par],
                         sems[par])

    def drain_chunk(ch, par):
        off = base + ch * chunk
        pltpu.make_async_copy(eps_hbm.at[pl.ds(off, n_k * chunk)],
                              eps_bufs[par], sems[par]).wait()
        pltpu.make_async_copy(loc_hbm.at[pl.ds(off, chunk)], loc_bufs[par],
                              sems[par]).wait()
        pltpu.make_async_copy(scale_hbm.at[pl.ds(off, chunk)],
                              scale_bufs[par], sems[par]).wait()

    start_chunk(0, 0)

    for ch in range(nchunk):
        par = ch % 2
        cur = eps_bufs[par]
        lv = loc_bufs[par]
        sv = scale_bufs[par]
        off = base + ch * chunk
        if ch + 1 < nchunk:
            start_chunk(ch + 1, 1 - par)
        drain_chunk(ch, par)

        @plsc.parallel_loop(0, groups, 1, unroll=_UNROLL)
        def group_body(g, cur=cur, lv=lv, sv=sv):
            o = g * _L
            per_chain = n_k // _NCHAIN
            best_d2 = [None] * _NCHAIN
            best_e = [None] * _NCHAIN
            for c in range(_NCHAIN):
                for j in range(per_chain):
                    kk = c * per_chain + j
                    e = cur[pl.ds(kk * chunk + o, _L)]
                    d2 = e * e
                    if j == 0:
                        best_d2[c], best_e[c] = d2, e
                    else:
                        m = d2 < best_d2[c]
                        best_e[c] = jnp.where(m, e, best_e[c])
                        best_d2[c] = jnp.minimum(best_d2[c], d2)
            d2_acc, e_acc = best_d2[0], best_e[0]
            for c in range(1, _NCHAIN):
                m = best_d2[c] < d2_acc
                e_acc = jnp.where(m, best_e[c], e_acc)
                d2_acc = jnp.minimum(best_d2[c], d2_acc)
            lc = lv[pl.ds(o, _L)]
            sc = sv[pl.ds(o, _L)]
            out_v[pl.ds(o, _L)] = lc + sc * e_acc

        pltpu.sync_copy(out_v, out_hbm.at[pl.ds(off, chunk)])


def _tc_argmax_sample(eps_ref, loc_ref, scale_ref, out_ref):
    n_k = eps_ref.shape[0]
    e = eps_ref[0]
    best_e = e
    best_d2 = e * e
    for kk in range(1, n_k):
        e = eps_ref[kk]
        d2 = e * e
        m = d2 < best_d2
        best_e = jnp.where(m, e, best_e)
        best_d2 = jnp.minimum(best_d2, d2)
    out_ref[...] = loc_ref[...] + scale_ref[...] * best_e


def _make_tc_call(n_k, rows, row0, block_rows):
    grid = ((rows - row0) // block_rows,)
    return pl.pallas_call(
        _tc_argmax_sample,
        grid=grid,
        in_specs=[
            pl.BlockSpec((n_k, block_rows, 128),
                         lambda i: (0, i + row0 // block_rows, 0)),
            pl.BlockSpec((block_rows, 128), lambda i: (i + row0 // block_rows, 0)),
            pl.BlockSpec((block_rows, 128), lambda i: (i + row0 // block_rows, 0)),
        ],
        out_specs=pl.BlockSpec((block_rows, 128),
                               lambda i: (i + row0 // block_rows, 0)),
        out_shape=jax.ShapeDtypeStruct((rows, 128), jnp.float32),

    )


def _make_sc_call(n_k, n_el, n_sc):
    per_w = n_sc // _NW
    chunk = min(per_w, 1024)
    mesh = plsc.VectorSubcoreMesh(core_axis_name="c", subcore_axis_name="s")
    body = functools.partial(_sc_argmax_sample, n_k=n_k, n_el=n_el,
                             per_w=per_w, chunk=chunk)
    return pl.kernel(
        body,
        out_type=jax.ShapeDtypeStruct((n_sc,), jnp.float32),
        mesh=mesh,
        scratch_types=[
            pltpu.VMEM((n_k * chunk,), jnp.float32),
            pltpu.VMEM((n_k * chunk,), jnp.float32),
            pltpu.VMEM((chunk,), jnp.float32),
            pltpu.VMEM((chunk,), jnp.float32),
            pltpu.VMEM((chunk,), jnp.float32),
            pltpu.VMEM((chunk,), jnp.float32),
            pltpu.VMEM((chunk,), jnp.float32),
            pltpu.SemaphoreType.DMA,
            pltpu.SemaphoreType.DMA,
        ],
    )


_SC_SHARE_NUM, _SC_SHARE_DEN = 1, 4


def kernel(loc, scale, eps, k, i):
    del k, i
    n_k, b, t, _ = eps.shape
    n_el = b * t
    rows = n_el // 128
    n_sc = (n_el * _SC_SHARE_NUM // _SC_SHARE_DEN) // (_NW * 1024) * (_NW * 1024)
    row0 = n_sc // 128
    loc1 = loc.reshape(n_el)
    scale1 = scale.reshape(n_el)
    eps1 = eps.reshape(n_k * n_el)
    out_sc = _make_sc_call(n_k, n_el, n_sc)(loc1, scale1, eps1)
    out_tc = _make_tc_call(n_k, rows, row0, 128)(
        eps.reshape(n_k, rows, 128), loc.reshape(rows, 128),
        scale.reshape(rows, 128))
    out = lax.dynamic_update_slice(out_tc.reshape(n_el), out_sc, (0,))
    return out.reshape(b, t, 1)

# --- scband reference (transcript-rebuilt; emitter-appended) ---
"""Pipeline reference for scband-gen-sampling-layer-23682449670896 (READ-ONLY COPY).

The authoritative reference and input builder live on the scoring server;
editing this copy changes nothing except your own understanding.
"""

import jax, jax.numpy as jnp
import numpy as np


def setup_inputs(seed: int = 0) -> dict:
    key = jax.random.key(seed)
    k1, k2, k3 = jax.random.split(key, 3)
    B, T, K = 64, 4096, 32
    loc = jax.random.normal(k1, (B, T, 1), dtype=jnp.float32)
    scale = jax.random.uniform(k2, (B, T, 1), dtype=jnp.float32, minval=0.5, maxval=1.5)
    eps = jax.random.normal(k3, (K, B, T, 1), dtype=jnp.float32)
    return {"loc": loc, "scale": scale, "eps": eps, "k": K, "i": 5}


def reference(loc, scale, eps, k, i):
    # GenSamplingLayer.call(x) with x = (out, k, i), where `out` is a Normal
    # distribution parameterized by (loc, scale). Sampling is made deterministic
    # via the pre-drawn standard-normal noise `eps` (reparameterization).
    resolution = 11
    ki = jnp.where(jnp.logical_or(i == 0, i == resolution - 1), k * 3, k)
    n = eps.shape[0]
    e = eps
    # out.sample(ki): shape [ki, B, T, 1]
    samples = loc[None] + scale[None] * e
    # out.log_prob(samples): elementwise Normal log-density, shape [ki, B, T, 1]
    z = (samples - loc[None]) / scale[None]
    log_prob = -0.5 * z * z - jnp.log(scale[None]) - 0.5 * jnp.log(2.0 * jnp.pi)
    # tf.squeeze(..., axis=-1) -> [ki, B, T]
    prob = jnp.squeeze(log_prob, axis=-1)
    valid = jnp.arange(n) < ki
    masked_prob = jnp.where(valid[:, None, None], prob, -jnp.inf)
    # argmax over the sample dimension -> [B, T]
    idx_max_prob = jnp.argmax(masked_prob, axis=0)
    # tf.transpose(samples, perm=(1, 2, 3, 0)) -> [B, T, 1, ki]
    samples_t = jnp.transpose(samples, (1, 2, 3, 0))
    # batched gather of the best sample per (batch, position) -> [B, T, 1, 1]
    out = jnp.take_along_axis(samples_t, idx_max_prob[:, :, None, None], axis=-1)
    # tf.squeeze(..., axis=-1) -> [B, T, 1]
    out = jnp.squeeze(out, axis=-1)
    return out

if __name__ == "__main__":
    import jax
    _d = setup_inputs()
    print(jax.jit(kernel)(*tuple(_d.values())))

</pallas_src>

<mosaic_0001>
#map = affine_map<(d0, d1) -> (0)>
module attributes {stable_mosaic.version = 14 : i64} {
  func.func @_sc_argmax_sample(%arg0: i32, %arg1: i32, %arg2: memref<262144xf32, #tpu.memory_space<hbm>>, %arg3: memref<262144xf32, #tpu.memory_space<hbm>>, %arg4: memref<8388608xf32, #tpu.memory_space<hbm>>, %arg5: memref<65536xf32, #tpu.memory_space<hbm>>, %arg6: memref<32768xf32, #tpu.memory_space<vmem>>, %arg7: memref<32768xf32, #tpu.memory_space<vmem>>, %arg8: memref<1024xf32, #tpu.memory_space<vmem>>, %arg9: memref<1024xf32, #tpu.memory_space<vmem>>, %arg10: memref<1024xf32, #tpu.memory_space<vmem>>, %arg11: memref<1024xf32, #tpu.memory_space<vmem>>, %arg12: memref<1024xf32, #tpu.memory_space<vmem>>, %arg13: memref<!tpu.dma_semaphore, #tpu.memory_space<semaphore_mem>>, %arg14: memref<!tpu.dma_semaphore, #tpu.memory_space<semaphore_mem>>) attributes {dimension_semantics = [#tpu.dimension_semantics<core_parallel>, #tpu.dimension_semantics<subcore_parallel>], iteration_bounds = array<i64: 2, 16>, scalar_prefetch = 0 : i64, scratch_operands = 9 : i64, tpu.core_type = #tpu.core_type<sc_vector_subcore>, window_params = [{transform_indices = #map}, {transform_indices = #map}, {transform_indices = #map}, {transform_indices = #map}]} {
    %mul3A = arith.constant 2 : i32
    %mul3A_0 = arith.muli %arg1, %mul3A : i32
    %add3A = arith.addi %mul3A_0, %arg0 : i32
    %mul3A_1 = arith.constant 2048 : i32
    %mul3A_2 = arith.muli %add3A, %mul3A_1 : i32
    %add3A_3 = arith.constant 0 : i32
    %add3A_4 = arith.addi %mul3A_2, %add3A_3 : i32
    %add3A_5 = arith.constant 0 : i32
    %add3A_6 = arith.addi %add3A_5, %add3A_4 : i32
    %dma_start3A = arith.constant 0 : i32
    %dma_start3A_7 = tpu.memref_slice %arg6[%dma_start3A] : memref<32768xf32, #tpu.memory_space<vmem>> -> memref<1024xf32, #tpu.memory_space<vmem>>
    %dma_start3A_8 = tpu.memref_slice %arg4[%add3A_6] : memref<8388608xf32, #tpu.memory_space<hbm>> -> memref<1024xf32, #tpu.memory_space<hbm>>
    %dma_start3A_9 = arith.constant 0 : i32
    %dma_start3A_10 = tpu.memref_slice %arg6[%dma_start3A_9] : memref<32768xf32, #tpu.memory_space<vmem>> -> memref<1024xf32, #tpu.memory_space<vmem>>
    %dma_start3A_11 = tpu.memref_slice %arg4[%add3A_6] : memref<8388608xf32, #tpu.memory_space<hbm>> -> memref<1024xf32, #tpu.memory_space<hbm>>
    tpu.enqueue_dma source(%dma_start3A_11 : memref<1024xf32, #tpu.memory_space<hbm>>) target(%dma_start3A_10 : memref<1024xf32, #tpu.memory_space<vmem>>) target_semaphore(%arg13 : memref<!tpu.dma_semaphore, #tpu.memory_space<semaphore_mem>>)
    %add3A_12 = arith.constant 262144 : i32
    %add3A_13 = arith.addi %add3A_12, %add3A_4 : i32
    %dma_start3A_14 = arith.constant 1024 : i32
    %dma_start3A_15 = tpu.memref_slice %arg6[%dma_start3A_14] : memref<32768xf32, #tpu.memory_space<vmem>> -> memref<1024xf32, #tpu.memory_space<vmem>>
    %dma_start3A_16 = tpu.memref_slice %arg4[%add3A_13] : memref<8388608xf32, #tpu.memory_space<hbm>> -> memref<1024xf32, #tpu.memory_space<hbm>>
    %dma_start3A_17 = arith.constant 1024 : i32
    %dma_start3A_18 = tpu.memref_slice %arg6[%dma_start3A_17] : memref<32768xf32, #tpu.memory_space<vmem>> -> memref<1024xf32, #tpu.memory_space<vmem>>
    %dma_start3A_19 = tpu.memref_slice %arg4[%add3A_13] : memref<8388608xf32, #tpu.memory_space<hbm>> -> memref<1024xf32, #tpu.memory_space<hbm>>
    tpu.enqueue_dma source(%dma_start3A_19 : memref<1024xf32, #tpu.memory_space<hbm>>) target(%dma_start3A_18 : memref<1024xf32, #tpu.memory_space<vmem>>) target_semaphore(%arg13 : memref<!tpu.dma_semaphore, #tpu.memory_space<semaphore_mem>>)
    %add3A_20 = arith.constant 524288 : i32
    %add3A_21 = arith.addi %add3A_20, %add3A_4 : i32
    %dma_start3A_22 = arith.constant 2048 : i32
    %dma_start3A_23 = tpu.memref_slice %arg6[%dma_start3A_22] : memref<32768xf32, #tpu.memory_space<vmem>> -> memref<1024xf32, #tpu.memory_space<vmem>>
    %dma_start3A_24 = tpu.memref_slice %arg4[%add3A_21] : memref<8388608xf32, #tpu.memory_space<hbm>> -> memref<1024xf32, #tpu.memory_space<hbm>>
    %dma_start3A_25 = arith.constant 2048 : i32
    %dma_start3A_26 = tpu.memref_slice %arg6[%dma_start3A_25] : memref<32768xf32, #tpu.memory_space<vmem>> -> memref<1024xf32, #tpu.memory_space<vmem>>
    %dma_start3A_27 = tpu.memref_slice %arg4[%add3A_21] : memref<8388608xf32, #tpu.memory_space<hbm>> -> memref<1024xf32, #tpu.memory_space<hbm>>
    tpu.enqueue_dma source(%dma_start3A_27 : memref<1024xf32, #tpu.memory_space<hbm>>) target(%dma_start3A_26 : memref<1024xf32, #tpu.memory_space<vmem>>) target_semaphore(%arg13 : memref<!tpu.dma_semaphore, #tpu.memory_space<semaphore_mem>>)
    %add3A_28 = arith.constant 786432 : i32
    %add3A_29 = arith.addi %add3A_28, %add3A_4 : i32
    %dma_start3A_30 = arith.constant 3072 : i32
    %dma_start3A_31 = tpu.memref_slice %arg6[%dma_start3A_30] : memref<32768xf32, #tpu.memory_space<vmem>> -> memref<1024xf32, #tpu.memory_space<vmem>>
    %dma_start3A_32 = tpu.memref_slice %arg4[%add3A_29] : memref<8388608xf32, #tpu.memory_space<hbm>> -> memref<1024xf32, #tpu.memory_space<hbm>>
    %dma_start3A_33 = arith.constant 3072 : i32
    %dma_start3A_34 = tpu.memref_slice %arg6[%dma_start3A_33] : memref<32768xf32, #tpu.memory_space<vmem>> -> memref<1024xf32, #tpu.memory_space<vmem>>
    %dma_start3A_35 = tpu.memref_slice %arg4[%add3A_29] : memref<8388608xf32, #tpu.memory_space<hbm>> -> memref<1024xf32, #tpu.memory_space<hbm>>
    tpu.enqueue_dma source(%dma_start3A_35 : memref<1024xf32, #tpu.memory_space<hbm>>) target(%dma_start3A_34 : memref<1024xf32, #tpu.memory_space<vmem>>) target_semaphore(%arg13 : memref<!tpu.dma_semaphore, #tpu.memory_space<semaphore_mem>>)
    %add3A_36 = arith.constant 1048576 : i32
    %add3A_37 = arith.addi %add3A_36, %add3A_4 : i32
    %dma_start3A_38 = arith.constant 4096 : i32
    %dma_start3A_39 = tpu.memref_slice %arg6[%dma_start3A_38] : memref<32768xf32, #tpu.memory_space<vmem>> -> memref<1024xf32, #tpu.memory_space<vmem>>
    %dma_start3A_40 = tpu.memref_slice %arg4[%add3A_37] : memref<8388608xf32, #tpu.memory_space<hbm>> -> memref<1024xf32, #tpu.memory_space<hbm>>
    %dma_start3A_41 = arith.constant 4096 : i32
    %dma_start3A_42 = tpu.memref_slice %arg6[%dma_start3A_41] : memref<32768xf32, #tpu.memory_space<vmem>> -> memref<1024xf32, #tpu.memory_space<vmem>>
    %dma_start3A_43 = tpu.memref_slice %arg4[%add3A_37] : memref<8388608xf32, #tpu.memory_space<hbm>> -> memref<1024xf32, #tpu.memory_space<hbm>>
    tpu.enqueue_dma source(%dma_start3A_43 : memref<1024xf32, #tpu.memory_space<hbm>>) target(%dma_start3A_42 : memref<1024xf32, #tpu.memory_space<vmem>>) target_semaphore(%arg13 : memref<!tpu.dma_semaphore, #tpu.memory_space<semaphore_mem>>)
    %add3A_44 = arith.constant 1310720 : i32
    %add3A_45 = arith.addi %add3A_44, %add3A_4 : i32
    %dma_start3A_46 = arith.constant 5120 : i32
    %dma_start3A_47 = tpu.memref_slice %arg6[%dma_start3A_46] : memref<32768xf32, #tpu.memory_space<vmem>> -> memref<1024xf32, #tpu.memory_space<vmem>>
    %dma_start3A_48 = tpu.memref_slice %arg4[%add3A_45] : memref<8388608xf32, #tpu.memory_space<hbm>> -> memref<1024xf32, #tpu.memory_space<hbm>>
    %dma_start3A_49 = arith.constant 5120 : i32
    %dma_start3A_50 = tpu.memref_slice %arg6[%dma_start3A_49] : memref<32768xf32, #tpu.memory_space<vmem>> -> memref<1024xf32, #tpu.memory_space<vmem>>
    %dma_start3A_51 = tpu.memref_slice %arg4[%add3A_45] : memref<8388608xf32, #tpu.memory_space<hbm>> -> memref<1024xf32, #tpu.memory_space<hbm>>
    tpu.enqueue_dma source(%dma_start3A_51 : memref<1024xf32, #tpu.memory_space<hbm>>) target(%dma_start3A_50 : memref<1024xf32, #tpu.memory_space<vmem>>) target_semaphore(%arg13 : memref<!tpu.dma_semaphore, #tpu.memory_space<semaphore_mem>>)
    %add3A_52 = arith.constant 1572864 : i32
    %add3A_53 = arith.addi %add3A_52, %add3A_4 : i32
    %dma_start3A_54 = arith.constant 6144 : i32
    %dma_start3A_55 = tpu.memref_slice %arg6[%dma_start3A_54] : memref<32768xf32, #tpu.memory_space<vmem>> -> memref<1024xf32, #tpu.memory_space<vmem>>
    %dma_start3A_56 = tpu.memref_slice %arg4[%add3A_53] : memref<8388608xf32, #tpu.memory_space<hbm>> -> memref<1024xf32, #tpu.memory_space<hbm>>
    %dma_start3A_57 = arith.constant 6144 : i32
    %dma_start3A_58 = tpu.memref_slice %arg6[%dma_start3A_57] : memref<32768xf32, #tpu.memory_space<vmem>> -> memref<1024xf32, #tpu.memory_space<vmem>>
    %dma_start3A_59 = tpu.memref_slice %arg4[%add3A_53] : memref<8388608xf32, #tpu.memory_space<hbm>> -> memref<1024xf32, #tpu.memory_space<hbm>>
    tpu.enqueue_dma source(%dma_start3A_59 : memref<1024xf32, #tpu.memory_space<hbm>>) target(%dma_start3A_58 : memref<1024xf32, #tpu.memory_space<vmem>>) target_semaphore(%arg13 : memref<!tpu.dma_semaphore, #tpu.memory_space<semaphore_mem>>)
    %add3A_60 = arith.constant 1835008 : i32
    %add3A_61 = arith.addi %add3A_60, %add3A_4 : i32
    %dma_start3A_62 = arith.constant 7168 : i32
    %dma_start3A_63 = tpu.memref_slice %arg6[%dma_start3A_62] : memref<32768xf32, #tpu.memory_space<vmem>> -> memref<1024xf32, #tpu.memory_space<vmem>>
    %dma_start3A_64 = tpu.memref_slice %arg4[%add3A_61] : memref<8388608xf32, #tpu.memory_space<hbm>> -> memref<1024xf32, #tpu.memory_space<hbm>>
    %dma_start3A_65 = arith.constant 7168 : i32
    %dma_start3A_66 = tpu.memref_slice %arg6[%dma_start3A_65] : memref<32768xf32, #tpu.memory_space<vmem>> -> memref<1024xf32, #tpu.memory_space<vmem>>
    %dma_start3A_67 = tpu.memref_slice %arg4[%add3A_61] : memref<8388608xf32, #tpu.memory_space<hbm>> -> memref<1024xf32, #tpu.memory_space<hbm>>
    tpu.enqueue_dma source(%dma_start3A_67 : memref<1024xf32, #tpu.memory_space<hbm>>) target(%dma_start3A_66 : memref<1024xf32, #tpu.memory_space<vmem>>) target_semaphore(%arg13 : memref<!tpu.dma_semaphore, #tpu.memory_space<semaphore_mem>>)
    %add3A_68 = arith.constant 2097152 : i32
    %add3A_69 = arith.addi %add3A_68, %add3A_4 : i32
    %dma_start3A_70 = arith.constant 8192 : i32
    %dma_start3A_71 = tpu.memref_slice %arg6[%dma_start3A_70] : memref<32768xf32, #tpu.memory_space<vmem>> -> memref<1024xf32, #tpu.memory_space<vmem>>
    %dma_start3A_72 = tpu.memref_slice %arg4[%add3A_69] : memref<8388608xf32, #tpu.memory_space<hbm>> -> memref<1024xf32, #tpu.memory_space<hbm>>
    %dma_start3A_73 = arith.constant 8192 : i32
    %dma_start3A_74 = tpu.memref_slice %arg6[%dma_start3A_73] : memref<32768xf32, #tpu.memory_space<vmem>> -> memref<1024xf32, #tpu.memory_space<vmem>>
    %dma_start3A_75 = tpu.memref_slice %arg4[%add3A_69] : memref<8388608xf32, #tpu.memory_space<hbm>> -> memref<1024xf32, #tpu.memory_space<hbm>>
    tpu.enqueue_dma source(%dma_start3A_75 : memref<1024xf32, #tpu.memory_space<hbm>>) target(%dma_start3A_74 : memref<1024xf32, #tpu.memory_space<vmem>>) target_semaphore(%arg13 : memref<!tpu.dma_semaphore, #tpu.memory_space<semaphore_mem>>)
    %add3A_76 = arith.constant 2359296 : i32
    %add3A_77 = arith.addi %add3A_76, %add3A_4 : i32
    %dma_start3A_78 = arith.constant 9216 : i32
    %dma_start3A_79 = tpu.memref_slice %arg6[%dma_start3A_78] : memref<32768xf32, #tpu.memory_space<vmem>> -> memref<1024xf32, #tpu.memory_space<vmem>>
    %dma_start3A_80 = tpu.memref_slice %arg4[%add3A_77] : memref<8388608xf32, #tpu.memory_space<hbm>> -> memref<1024xf32, #tpu.memory_space<hbm>>
    %dma_start3A_81 = arith.constant 9216 : i32
    %dma_start3A_82 = tpu.memref_slice %arg6[%dma_start3A_81] : memref<32768xf32, #tpu.memory_space<vmem>> -> memref<1024xf32, #tpu.memory_space<vmem>>
    %dma_start3A_83 = tpu.memref_slice %arg4[%add3A_77] : memref<8388608xf32, #tpu.memory_space<hbm>> -> memref<1024xf32, #tpu.memory_space<hbm>>
    tpu.enqueue_dma source(%dma_start3A_83 : memref<1024xf32, #tpu.memory_space<hbm>>) target(%dma_start3A_82 : memref<1024xf32, #tpu.memory_space<vmem>>) target_semaphore(%arg13 : memref<!tpu.dma_semaphore, #tpu.memory_space<semaphore_mem>>)
    %add3A_84 = arith.constant 2621440 : i32
    %add3A_85 = arith.addi %add3A_84, %add3A_4 : i32
    %dma_start3A_86 = arith.constant 10240 : i32
    %dma_start3A_87 = tpu.memref_slice %arg6[%dma_start3A_86] : memref<32768xf32, #tpu.memory_space<vmem>> -> memref<1024xf32, #tpu.memory_space<vmem>>
    %dma_start3A_88 = tpu.memref_slice %arg4[%add3A_85] : memref<8388608xf32, #tpu.memory_space<hbm>> -> memref<1024xf32, #tpu.memory_space<hbm>>
    %dma_start3A_89 = arith.constant 10240 : i32
    %dma_start3A_90 = tpu.memref_slice %arg6[%dma_start3A_89] : memref<32768xf32, #tpu.memory_space<vmem>> -> memref<1024xf32, #tpu.memory_space<vmem>>
    %dma_start3A_91 = tpu.memref_slice %arg4[%add3A_85] : memref<8388608xf32, #tpu.memory_space<hbm>> -> memref<1024xf32, #tpu.memory_space<hbm>>
    tpu.enqueue_dma source(%dma_start3A_91 : memref<1024xf32, #tpu.memory_space<hbm>>) target(%dma_start3A_90 : memref<1024xf32, #tpu.memory_space<vmem>>) target_semaphore(%arg13 : memref<!tpu.dma_semaphore, #tpu.memory_space<semaphore_mem>>)
    %add3A_92 = arith.constant 2883584 : i32
    %add3A_93 = arith.addi %add3A_92, %add3A_4 : i32
    %dma_start3A_94 = arith.constant 11264 : i32
    %dma_start3A_95 = tpu.memref_slice %arg6[%dma_start3A_94] : memref<32768xf32, #tpu.memory_space<vmem>> -> memref<1024xf32, #tpu.memory_space<vmem>>
    %dma_start3A_96 = tpu.memref_slice %arg4[%add3A_93] : memref<8388608xf32, #tpu.memory_space<hbm>> -> memref<1024xf32, #tpu.memory_space<hbm>>
    %dma_start3A_97 = arith.constant 11264 : i32
    %dma_start3A_98 = tpu.memref_slice %arg6[%dma_start3A_97] : memref<32768xf32, #tpu.memory_space<vmem>> -> memref<1024xf32, #tpu.memory_space<vmem>>
    %dma_start3A_99 = tpu.memref_slice %arg4[%add3A_93] : memref<8388608xf32, #tpu.memory_space<hbm>> -> memref<1024xf32, #tpu.memory_space<hbm>>
    tpu.enqueue_dma source(%dma_start3A_99 : memref<1024xf32, #tpu.memory_space<hbm>>) target(%dma_start3A_98 : memref<1024xf32, #tpu.memory_space<vmem>>) target_semaphore(%arg13 : memref<!tpu.dma_semaphore, #tpu.memory_space<semaphore_mem>>)
    %add3A_100 = arith.constant 3145728 : i32
    %add3A_101 = arith.addi %add3A_100, %add3A_4 : i32
    %dma_start3A_102 = arith.constant 12288 : i32
    %dma_start3A_103 = tpu.memref_slice %arg6[%dma_start3A_102] : memref<32768xf32, #tpu.memory_space<vmem>> -> memref<1024xf32, #tpu.memory_space<vmem>>
    %dma_start3A_104 = tpu.memref_slice %arg4[%add3A_101] : memref<8388608xf32, #tpu.memory_space<hbm>> -> memref<1024xf32, #tpu.memory_space<hbm>>
    %dma_start3A_105 = arith.constant 12288 : i32
    %dma_start3A_106 = tpu.memref_slice %arg6[%dma_start3A_105] : memref<32768xf32, #tpu.memory_space<vmem>> -> memref<1024xf32, #tpu.memory_space<vmem>>
    %dma_start3A_107 = tpu.memref_slice %arg4[%add3A_101] : memref<8388608xf32, #tpu.memory_space<hbm>> -> memref<1024xf32, #tpu.memory_space<hbm>>
    tpu.enqueue_dma source(%dma_start3A_107 : memref<1024xf32, #tpu.memory_space<hbm>>) target(%dma_start3A_106 : memref<1024xf32, #tpu.memory_space<vmem>>) target_semaphore(%arg13 : memref<!tpu.dma_semaphore, #tpu.memory_space<semaphore_mem>>)
    %add3A_108 = arith.constant 3407872 : i32
    %add3A_109 = arith.addi %add3A_108, %add3A_4 : i32
    %dma_start3A_110 = arith.constant 13312 : i32
    %dma_start3A_111 = tpu.memref_slice %arg6[%dma_start3A_110] : memref<32768xf32, #tpu.memory_space<vmem>> -> memref<1024xf32, #tpu.memory_space<vmem>>
    %dma_start3A_112 = tpu.memref_slice %arg4[%add3A_109] : memref<8388608xf32, #tpu.memory_space<hbm>> -> memref<1024xf32, #tpu.memory_space<hbm>>
    %dma_start3A_113 = arith.constant 13312 : i32
    %dma_start3A_114 = tpu.memref_slice %arg6[%dma_start3A_113] : memref<32768xf32, #tpu.memory_space<vmem>> -> memref<1024xf32, #tpu.memory_space<vmem>>
    %dma_start3A_115 = tpu.memref_slice %arg4[%add3A_109] : memref<8388608xf32, #tpu.memory_space<hbm>> -> memref<1024xf32, #tpu.memory_space<hbm>>
    tpu.enqueue_dma source(%dma_start3A_115 : memref<1024xf32, #tpu.memory_space<hbm>>) target(%dma_start3A_114 : memref<1024xf32, #tpu.memory_space<vmem>>) target_semaphore(%arg13 : memref<!tpu.dma_semaphore, #tpu.memory_space<semaphore_mem>>)
    %add3A_116 = arith.constant 3670016 : i32
    %add3A_117 = arith.addi %add3A_116, %add3A_4 : i32
    %dma_start3A_118 = arith.constant 14336 : i32
    %dma_start3A_119 = tpu.memref_slice %arg6[%dma_start3A_118] : memref<32768xf32, #tpu.memory_space<vmem>> -> memref<1024xf32, #tpu.memory_space<vmem>>
    %dma_start3A_120 = tpu.memref_slice %arg4[%add3A_117] : memref<8388608xf32, #tpu.memory_space<hbm>> -> memref<1024xf32, #tpu.memory_space<hbm>>
    %dma_start3A_121 = arith.constant 14336 : i32
    %dma_start3A_122 = tpu.memref_slice %arg6[%dma_start3A_121] : memref<32768xf32, #tpu.memory_space<vmem>> -> memref<1024xf32, #tpu.memory_space<vmem>>
    %dma_start3A_123 = tpu.memref_slice %arg4[%add3A_117] : memref<8388608xf32, #tpu.memory_space<hbm>> -> memref<1024xf32, #tpu.memory_space<hbm>>
    tpu.enqueue_dma source(%dma_start3A_123 : memref<1024xf32, #tpu.memory_space<hbm>>) target(%dma_start3A_122 : memref<1024xf32, #tpu.memory_space<vmem>>) target_semaphore(%arg13 : memref<!tpu.dma_semaphore, #tpu.memory_space<semaphore_mem>>)
    %add3A_124 = arith.constant 3932160 : i32
    %add3A_125 = arith.addi %add3A_124, %add3A_4 : i32
    %dma_start3A_126 = arith.constant 15360 : i32
    %dma_start3A_127 = tpu.memref_slice %arg6[%dma_start3A_126] : memref<32768xf32, #tpu.memory_space<vmem>> -> memref<1024xf32, #tpu.memory_space<vmem>>
    %dma_start3A_128 = tpu.memref_slice %arg4[%add3A_125] : memref<8388608xf32, #tpu.memory_space<hbm>> -> memref<1024xf32, #tpu.memory_space<hbm>>
    %dma_start3A_129 = arith.constant 15360 : i32
    %dma_start3A_130 = tpu.memref_slice %arg6[%dma_start3A_129] : memref<32768xf32, #tpu.memory_space<vmem>> -> memref<1024xf32, #tpu.memory_space<vmem>>
    %dma_start3A_131 = tpu.memref_slice %arg4[%add3A_125] : memref<8388608xf32, #tpu.memory_space<hbm>> -> memref<1024xf32, #tpu.memory_space<hbm>>
    tpu.enqueue_dma source(%dma_start3A_131 : memref<1024xf32, #tpu.memory_space<hbm>>) target(%dma_start3A_130 : memref<1024xf32, #tpu.memory_space<vmem>>) target_semaphore(%arg13 : memref<!tpu.dma_semaphore, #tpu.memory_space<semaphore_mem>>)
    %add3A_132 = arith.constant 4194304 : i32
    %add3A_133 = arith.addi %add3A_132, %add3A_4 : i32
    %dma_start3A_134 = arith.constant 16384 : i32
    %dma_start3A_135 = tpu.memref_slice %arg6[%dma_start3A_134] : memref<32768xf32, #tpu.memory_space<vmem>> -> memref<1024xf32, #tpu.memory_space<vmem>>
    %dma_start3A_136 = tpu.memref_slice %arg4[%add3A_133] : memref<8388608xf32, #tpu.memory_space<hbm>> -> memref<1024xf32, #tpu.memory_space<hbm>>
    %dma_start3A_137 = arith.constant 16384 : i32
    %dma_start3A_138 = tpu.memref_slice %arg6[%dma_start3A_137] : memref<32768xf32, #tpu.memory_space<vmem>> -> memref<1024xf32, #tpu.memory_space<vmem>>
    %dma_start3A_139 = tpu.memref_slice %arg4[%add3A_133] : memref<8388608xf32, #tpu.memory_space<hbm>> -> memref<1024xf32, #tpu.memory_space<hbm>>
    tpu.enqueue_dma source(%dma_start3A_139 : memref<1024xf32, #tpu.memory_space<hbm>>) target(%dma_start3A_138 : memref<1024xf32, #tpu.memory_space<vmem>>) target_semaphore(%arg13 : memref<!tpu.dma_semaphore, #tpu.memory_space<semaphore_mem>>)
    %add3A_140 = arith.constant 4456448 : i32
    %add3A_141 = arith.addi %add3A_140, %add3A_4 : i32
    %dma_start3A_142 = arith.constant 17408 : i32
    %dma_start3A_143 = tpu.memref_slice %arg6[%dma_start3A_142] : memref<32768xf32, #tpu.memory_space<vmem>> -> memref<1024xf32, #tpu.memory_space<vmem>>
    %dma_start3A_144 = tpu.memref_slice %arg4[%add3A_141] : memref<8388608xf32, #tpu.memory_space<hbm>> -> memref<1024xf32, #tpu.memory_space<hbm>>
    %dma_start3A_145 = arith.constant 17408 : i32
    %dma_start3A_146 = tpu.memref_slice %arg6[%dma_start3A_145] : memref<32768xf32, #tpu.memory_space<vmem>> -> memref<1024xf32, #tpu.memory_space<vmem>>
    %dma_start3A_147 = tpu.memref_slice %arg4[%add3A_141] : memref<8388608xf32, #tpu.memory_space<hbm>> -> memref<1024xf32, #tpu.memory_space<hbm>>
    tpu.enqueue_dma source(%dma_start3A_147 : memref<1024xf32, #tpu.memory_space<hbm>>) target(%dma_start3A_146 : memref<1024xf32, #tpu.memory_space<vmem>>) target_semaphore(%arg13 : memref<!tpu.dma_semaphore, #tpu.memory_space<semaphore_mem>>)
    %add3A_148 = arith.constant 4718592 : i32
    %add3A_149 = arith.addi %add3A_148, %add3A_4 : i32
    %dma_start3A_150 = arith.constant 18432 : i32
    %dma_start3A_151 = tpu.memref_slice %arg6[%dma_start3A_150] : memref<32768xf32, #tpu.memory_space<vmem>> -> memref<1024xf32, #tpu.memory_space<vmem>>
    %dma_start3A_152 = tpu.memref_slice %arg4[%add3A_149] : memref<8388608xf32, #tpu.memory_space<hbm>> -> memref<1024xf32, #tpu.memory_space<hbm>>
    %dma_start3A_153 = arith.constant 18432 : i32
    %dma_start3A_154 = tpu.memref_slice %arg6[%dma_start3A_153] : memref<32768xf32, #tpu.memory_space<vmem>> -> memref<1024xf32, #tpu.memory_space<vmem>>
    %dma_start3A_155 = tpu.memref_slice %arg4[%add3A_149] : memref<8388608xf32, #tpu.memory_space<hbm>> -> memref<1024xf32, #tpu.memory_space<hbm>>
    tpu.enqueue_dma source(%dma_start3A_155 : memref<1024xf32, #tpu.memory_space<hbm>>) target(%dma_start3A_154 : memref<1024xf32, #tpu.memory_space<vmem>>) target_semaphore(%arg13 : memref<!tpu.dma_semaphore, #tpu.memory_space<semaphore_mem>>)
    %add3A_156 = arith.constant 4980736 : i32
    %add3A_157 = arith.addi %add3A_156, %add3A_4 : i32
    %dma_start3A_158 = arith.constant 19456 : i32
    %dma_start3A_159 = tpu.memref_slice %arg6[%dma_start3A_158] : memref<32768xf32, #tpu.memory_space<vmem>> -> memref<1024xf32, #tpu.memory_space<vmem>>
    %dma_start3A_160 = tpu.memref_slice %arg4[%add3A_157] : memref<8388608xf32, #tpu.memory_space<hbm>> -> memref<1024xf32, #tpu.memory_space<hbm>>
    %dma_start3A_161 = arith.constant 19456 : i32
    %dma_start3A_162 = tpu.memref_slice %arg6[%dma_start3A_161] : memref<32768xf32, #tpu.memory_space<vmem>> -> memref<1024xf32, #tpu.memory_space<vmem>>
    %dma_start3A_163 = tpu.memref_slice %arg4[%add3A_157] : memref<8388608xf32, #tpu.memory_space<hbm>> -> memref<1024xf32, #tpu.memory_space<hbm>>
    tpu.enqueue_dma source(%dma_start3A_163 : memref<1024xf32, #tpu.memory_space<hbm>>) target(%dma_start3A_162 : memref<1024xf32, #tpu.memory_space<vmem>>) target_semaphore(%arg13 : memref<!tpu.dma_semaphore, #tpu.memory_space<semaphore_mem>>)
    %add3A_164 = arith.constant 5242880 : i32
    %add3A_165 = arith.addi %add3A_164, %add3A_4 : i32
    %dma_start3A_166 = arith.constant 20480 : i32
    %dma_start3A_167 = tpu.memref_slice %arg6[%dma_start3A_166] : memref<32768xf32, #tpu.memory_space<vmem>> -> memref<1024xf32, #tpu.memory_space<vmem>>
    %dma_start3A_168 = tpu.memref_slice %arg4[%add3A_165] : memref<8388608xf32, #tpu.memory_space<hbm>> -> memref<1024xf32, #tpu.memory_space<hbm>>
    %dma_start3A_169 = arith.constant 20480 : i32
    %dma_start3A_170 = tpu.memref_slice %arg6[%dma_start3A_169] : memref<32768xf32, #tpu.memory_space<vmem>> -> memref<1024xf32, #tpu.memory_space<vmem>>
    %dma_start3A_171 = tpu.memref_slice %arg4[%add3A_165] : memref<8388608xf32, #tpu.memory_space<hbm>> -> memref<1024xf32, #tpu.memory_space<hbm>>
    tpu.enqueue_dma source(%dma_start3A_171 : memref<1024xf32, #tpu.memory_space<hbm>>) target(%dma_start3A_170 : memref<1024xf32, #tpu.memory_space<vmem>>) target_semaphore(%arg13 : memref<!tpu.dma_semaphore, #tpu.memory_space<semaphore_mem>>)
    %add3A_172 = arith.constant 5505024 : i32
    %add3A_173 = arith.addi %add3A_172, %add3A_4 : i32
    %dma_start3A_174 = arith.constant 21504 : i32
    %dma_start3A_175 = tpu.memref_slice %arg6[%dma_start3A_174] : memref<32768xf32, #tpu.memory_space<vmem>> -> memref<1024xf32, #tpu.memory_space<vmem>>
    %dma_start3A_176 = tpu.memref_slice %arg4[%add3A_173] : memref<8388608xf32, #tpu.memory_space<hbm>> -> memref<1024xf32, #tpu.memory_space<hbm>>
    %dma_start3A_177 = arith.constant 21504 : i32
    %dma_start3A_178 = tpu.memref_slice %arg6[%dma_start3A_177] : memref<32768xf32, #tpu.memory_space<vmem>> -> memref<1024xf32, #tpu.memory_space<vmem>>
    %dma_start3A_179 = tpu.memref_slice %arg4[%add3A_173] : memref<8388608xf32, #tpu.memory_space<hbm>> -> memref<1024xf32, #tpu.memory_space<hbm>>
    tpu.enqueue_dma source(%dma_start3A_179 : memref<1024xf32, #tpu.memory_space<hbm>>) target(%dma_start3A_178 : memref<1024xf32, #tpu.memory_space<vmem>>) target_semaphore(%arg13 : memref<!tpu.dma_semaphore, #tpu.memory_space<semaphore_mem>>)
    %add3A_180 = arith.constant 5767168 : i32
    %add3A_181 = arith.addi %add3A_180, %add3A_4 : i32
    %dma_start3A_182 = arith.constant 22528 : i32
    %dma_start3A_183 = tpu.memref_slice %arg6[%dma_start3A_182] : memref<32768xf32, #tpu.memory_space<vmem>> -> memref<1024xf32, #tpu.memory_space<vmem>>
    %dma_start3A_184 = tpu.memref_slice %arg4[%add3A_181] : memref<8388608xf32, #tpu.memory_space<hbm>> -> memref<1024xf32, #tpu.memory_space<hbm>>
    %dma_start3A_185 = arith.constant 22528 : i32
    %dma_start3A_186 = tpu.memref_slice %arg6[%dma_start3A_185] : memref<32768xf32, #tpu.memory_space<vmem>> -> memref<1024xf32, #tpu.memory_space<vmem>>
    %dma_start3A_187 = tpu.memref_slice %arg4[%add3A_181] : memref<8388608xf32, #tpu.memory_space<hbm>> -> memref<1024xf32, #tpu.memory_space<hbm>>
    tpu.enqueue_dma source(%dma_start3A_187 : memref<1024xf32, #tpu.memory_space<hbm>>) target(%dma_start3A_186 : memref<1024xf32, #tpu.memory_space<vmem>>) target_semaphore(%arg13 : memref<!tpu.dma_semaphore, #tpu.memory_space<semaphore_mem>>)
    %add3A_188 = arith.constant 6029312 : i32
    %add3A_189 = arith.addi %add3A_188, %add3A_4 : i32
    %dma_start3A_190 = arith.constant 23552 : i32
    %dma_start3A_191 = tpu.memref_slice %arg6[%dma_start3A_190] : memref<32768xf32, #tpu.memory_space<vmem>> -> memref<1024xf32, #tpu.memory_space<vmem>>
    %dma_start3A_192 = tpu.memref_slice %arg4[%add3A_189] : memref<8388608xf32, #tpu.memory_space<hbm>> -> memref<1024xf32, #tpu.memory_space<hbm>>
    %dma_start3A_193 = arith.constant 23552 : i32
    %dma_start3A_194 = tpu.memref_slice %arg6[%dma_start3A_193] : memref<32768xf32, #tpu.memory_space<vmem>> -> memref<1024xf32, #tpu.memory_space<vmem>>
    %dma_start3A_195 = tpu.memref_slice %arg4[%add3A_189] : memref<8388608xf32, #tpu.memory_space<hbm>> -> memref<1024xf32, #tpu.memory_space<hbm>>
    tpu.enqueue_dma source(%dma_start3A_195 : memref<1024xf32, #tpu.memory_space<hbm>>) target(%dma_start3A_194 : memref<1024xf32, #tpu.memory_space<vmem>>) target_semaphore(%arg13 : memref<!tpu.dma_semaphore, #tpu.memory_space<semaphore_mem>>)
    %add3A_196 = arith.constant 6291456 : i32
    %add3A_197 = arith.addi %add3A_196, %add3A_4 : i32
    %dma_start3A_198 = arith.constant 24576 : i32
    %dma_start3A_199 = tpu.memref_slice %arg6[%dma_start3A_198] : memref<32768xf32, #tpu.memory_space<vmem>> -> memref<1024xf32, #tpu.memory_space<vmem>>
    %dma_start3A_200 = tpu.memref_slice %arg4[%add3A_197] : memref<8388608xf32, #tpu.memory_space<hbm>> -> memref<1024xf32, #tpu.memory_space<hbm>>
    %dma_start3A_201 = arith.constant 24576 : i32
    %dma_start3A_202 = tpu.memref_slice %arg6[%dma_start3A_201] : memref<32768xf32, #tpu.memory_space<vmem>> -> memref<1024xf32, #tpu.memory_space<vmem>>
    %dma_start3A_203 = tpu.memref_slice %arg4[%add3A_197] : memref<8388608xf32, #tpu.memory_space<hbm>> -> memref<1024xf32, #tpu.memory_space<hbm>>
    tpu.enqueue_dma source(%dma_start3A_203 : memref<1024xf32, #tpu.memory_space<hbm>>) target(%dma_start3A_202 : memref<1024xf32, #tpu.memory_space<vmem>>) target_semaphore(%arg13 : memref<!tpu.dma_semaphore, #tpu.memory_space<semaphore_mem>>)
    %add3A_204 = arith.constant 6553600 : i32
    %add3A_205 = arith.addi %add3A_204, %add3A_4 : i32
    %dma_start3A_206 = arith.constant 25600 : i32
    %dma_start3A_207 = tpu.memref_slice %arg6[%dma_start3A_206] : memref<32768xf32, #tpu.memory_space<vmem>> -> memref<1024xf32, #tpu.memory_space<vmem>>
    %dma_start3A_208 = tpu.memref_slice %arg4[%add3A_205] : memref<8388608xf32, #tpu.memory_space<hbm>> -> memref<1024xf32, #tpu.memory_space<hbm>>
    %dma_start3A_209 = arith.constant 25600 : i32
    %dma_start3A_210 = tpu.memref_slice %arg6[%dma_start3A_209] : memref<32768xf32, #tpu.memory_space<vmem>> -> memref<1024xf32, #tpu.memory_space<vmem>>
    %dma_start3A_211 = tpu.memref_slice %arg4[%add3A_205] : memref<8388608xf32, #tpu.memory_space<hbm>> -> memref<1024xf32, #tpu.memory_space<hbm>>
    tpu.enqueue_dma source(%dma_start3A_211 : memref<1024xf32, #tpu.memory_space<hbm>>) target(%dma_start3A_210 : memref<1024xf32, #tpu.memory_space<vmem>>) target_semaphore(%arg13 : memref<!tpu.dma_semaphore, #tpu.memory_space<semaphore_mem>>)
    %add3A_212 = arith.constant 6815744 : i32
    %add3A_213 = arith.addi %add3A_212, %add3A_4 : i32
    %dma_start3A_214 = arith.constant 26624 : i32
    %dma_start3A_215 = tpu.memref_slice %arg6[%dma_start3A_214] : memref<32768xf32, #tpu.memory_space<vmem>> -> memref<1024xf32, #tpu.memory_space<vmem>>
    %dma_start3A_216 = tpu.memref_slice %arg4[%add3A_213] : memref<8388608xf32, #tpu.memory_space<hbm>> -> memref<1024xf32, #tpu.memory_space<hbm>>
    %dma_start3A_217 = arith.constant 26624 : i32
    %dma_start3A_218 = tpu.memref_slice %arg6[%dma_start3A_217] : memref<32768xf32, #tpu.memory_space<vmem>> -> memref<1024xf32, #tpu.memory_space<vmem>>
    %dma_start3A_219 = tpu.memref_slice %arg4[%add3A_213] : memref<8388608xf32, #tpu.memory_space<hbm>> -> memref<1024xf32, #tpu.memory_space<hbm>>
    tpu.enqueue_dma source(%dma_start3A_219 : memref<1024xf32, #tpu.memory_space<hbm>>) target(%dma_start3A_218 : memref<1024xf32, #tpu.memory_space<vmem>>) target_semaphore(%arg13 : memref<!tpu.dma_semaphore, #tpu.memory_space<semaphore_mem>>)
    %add3A_220 = arith.constant 7077888 : i32
    %add3A_221 = arith.addi %add3A_220, %add3A_4 : i32
    %dma_start3A_222 = arith.constant 27648 : i32
    %dma_start3A_223 = tpu.memref_slice %arg6[%dma_start3A_222] : memref<32768xf32, #tpu.memory_space<vmem>> -> memref<1024xf32, #tpu.memory_space<vmem>>
    %dma_start3A_224 = tpu.memref_slice %arg4[%add3A_221] : memref<8388608xf32, #tpu.memory_space<hbm>> -> memref<1024xf32, #tpu.memory_space<hbm>>
    %dma_start3A_225 = arith.constant 27648 : i32
    %dma_start3A_226 = tpu.memref_slice %arg6[%dma_start3A_225] : memref<32768xf32, #tpu.memory_space<vmem>> -> memref<1024xf32, #tpu.memory_space<vmem>>
    %dma_start3A_227 = tpu.memref_slice %arg4[%add3A_221] : memref<8388608xf32, #tpu.memory_space<hbm>> -> memref<1024xf32, #tpu.memory_space<hbm>>
    tpu.enqueue_dma source(%dma_start3A_227 : memref<1024xf32, #tpu.memory_space<hbm>>) target(%dma_start3A_226 : memref<1024xf32, #tpu.memory_space<vmem>>) target_semaphore(%arg13 : memref<!tpu.dma_semaphore, #tpu.memory_space<semaphore_mem>>)
    %add3A_228 = arith.constant 7340032 : i32
    %add3A_229 = arith.addi %add3A_228, %add3A_4 : i32
    %dma_start3A_230 = arith.constant 28672 : i32
    %dma_start3A_231 = tpu.memref_slice %arg6[%dma_start3A_230] : memref<32768xf32, #tpu.memory_space<vmem>> -> memref<1024xf32, #tpu.memory_space<vmem>>
    %dma_start3A_232 = tpu.memref_slice %arg4[%add3A_229] : memref<8388608xf32, #tpu.memory_space<hbm>> -> memref<1024xf32, #tpu.memory_space<hbm>>
    %dma_start3A_233 = arith.constant 28672 : i32
    %dma_start3A_234 = tpu.memref_slice %arg6[%dma_start3A_233] : memref<32768xf32, #tpu.memory_space<vmem>> -> memref<1024xf32, #tpu.memory_space<vmem>>
    %dma_start3A_235 = tpu.memref_slice %arg4[%add3A_229] : memref<8388608xf32, #tpu.memory_space<hbm>> -> memref<1024xf32, #tpu.memory_space<hbm>>
    tpu.enqueue_dma source(%dma_start3A_235 : memref<1024xf32, #tpu.memory_space<hbm>>) target(%dma_start3A_234 : memref<1024xf32, #tpu.memory_space<vmem>>) target_semaphore(%arg13 : memref<!tpu.dma_semaphore, #tpu.memory_space<semaphore_mem>>)
    %add3A_236 = arith.constant 7602176 : i32
    %add3A_237 = arith.addi %add3A_236, %add3A_4 : i32
    %dma_start3A_238 = arith.constant 29696 : i32
    %dma_start3A_239 = tpu.memref_slice %arg6[%dma_start3A_238] : memref<32768xf32, #tpu.memory_space<vmem>> -> memref<1024xf32, #tpu.memory_space<vmem>>
    %dma_start3A_240 = tpu.memref_slice %arg4[%add3A_237] : memref<8388608xf32, #tpu.memory_space<hbm>> -> memref<1024xf32, #tpu.memory_space<hbm>>
    %dma_start3A_241 = arith.constant 29696 : i32
    %dma_start3A_242 = tpu.memref_slice %arg6[%dma_start3A_241] : memref<32768xf32, #tpu.memory_space<vmem>> -> memref<1024xf32, #tpu.memory_space<vmem>>
    %dma_start3A_243 = tpu.memref_slice %arg4[%add3A_237] : memref<8388608xf32, #tpu.memory_space<hbm>> -> memref<1024xf32, #tpu.memory_space<hbm>>
    tpu.enqueue_dma source(%dma_start3A_243 : memref<1024xf32, #tpu.memory_space<hbm>>) target(%dma_start3A_242 : memref<1024xf32, #tpu.memory_space<vmem>>) target_semaphore(%arg13 : memref<!tpu.dma_semaphore, #tpu.memory_space<semaphore_mem>>)
    %add3A_244 = arith.constant 7864320 : i32
    %add3A_245 = arith.addi %add3A_244, %add3A_4 : i32
    %dma_start3A_246 = arith.constant 30720 : i32
    %dma_start3A_247 = tpu.memref_slice %arg6[%dma_start3A_246] : memref<32768xf32, #tpu.memory_space<vmem>> -> memref<1024xf32, #tpu.memory_space<vmem>>
    %dma_start3A_248 = tpu.memref_slice %arg4[%add3A_245] : memref<8388608xf32, #tpu.memory_space<hbm>> -> memref<1024xf32, #tpu.memory_space<hbm>>
    %dma_start3A_249 = arith.constant 30720 : i32
    %dma_start3A_250 = tpu.memref_slice %arg6[%dma_start3A_249] : memref<32768xf32, #tpu.memory_space<vmem>> -> memref<1024xf32, #tpu.memory_space<vmem>>
    %dma_start3A_251 = tpu.memref_slice %arg4[%add3A_245] : memref<8388608xf32, #tpu.memory_space<hbm>> -> memref<1024xf32, #tpu.memory_space<hbm>>
    tpu.enqueue_dma source(%dma_start3A_251 : memref<1024xf32, #tpu.memory_space<hbm>>) target(%dma_start3A_250 : memref<1024xf32, #tpu.memory_space<vmem>>) target_semaphore(%arg13 : memref<!tpu.dma_semaphore, #tpu.memory_space<semaphore_mem>>)
    %add3A_252 = arith.constant 8126464 : i32
    %add3A_253 = arith.addi %add3A_252, %add3A_4 : i32
    %dma_start3A_254 = arith.constant 31744 : i32
    %dma_start3A_255 = tpu.memref_slice %arg6[%dma_start3A_254] : memref<32768xf32, #tpu.memory_space<vmem>> -> memref<1024xf32, #tpu.memory_space<vmem>>
    %dma_start3A_256 = tpu.memref_slice %arg4[%add3A_253] : memref<8388608xf32, #tpu.memory_space<hbm>> -> memref<1024xf32, #tpu.memory_space<hbm>>
    %dma_start3A_257 = arith.constant 31744 : i32
    %dma_start3A_258 = tpu.memref_slice %arg6[%dma_start3A_257] : memref<32768xf32, #tpu.memory_space<vmem>> -> memref<1024xf32, #tpu.memory_space<vmem>>
    %dma_start3A_259 = tpu.memref_slice %arg4[%add3A_253] : memref<8388608xf32, #tpu.memory_space<hbm>> -> memref<1024xf32, #tpu.memory_space<hbm>>
    tpu.enqueue_dma source(%dma_start3A_259 : memref<1024xf32, #tpu.memory_space<hbm>>) target(%dma_start3A_258 : memref<1024xf32, #tpu.memory_space<vmem>>) target_semaphore(%arg13 : memref<!tpu.dma_semaphore, #tpu.memory_space<semaphore_mem>>)
    %dma_start3A_260 = tpu.memref_slice %arg2[%add3A_4] : memref<262144xf32, #tpu.memory_space<hbm>> -> memref<1024xf32, #tpu.memory_space<hbm>>
    %dma_start3A_261 = tpu.memref_slice %arg2[%add3A_4] : memref<262144xf32, #tpu.memory_space<hbm>> -> memref<1024xf32, #tpu.memory_space<hbm>>
    tpu.enqueue_dma source(%dma_start3A_261 : memref<1024xf32, #tpu.memory_space<hbm>>) target(%arg8 : memref<1024xf32, #tpu.memory_space<vmem>>) target_semaphore(%arg13 : memref<!tpu.dma_semaphore, #tpu.memory_space<semaphore_mem>>)
    %dma_start3A_262 = tpu.memref_slice %arg3[%add3A_4] : memref<262144xf32, #tpu.memory_space<hbm>> -> memref<1024xf32, #tpu.memory_space<hbm>>
    %dma_start3A_263 = tpu.memref_slice %arg3[%add3A_4] : memref<262144xf32, #tpu.memory_space<hbm>> -> memref<1024xf32, #tpu.memory_space<hbm>>
    tpu.enqueue_dma source(%dma_start3A_263 : memref<1024xf32, #tpu.memory_space<hbm>>) target(%arg10 : memref<1024xf32, #tpu.memory_space<vmem>>) target_semaphore(%arg13 : memref<!tpu.dma_semaphore, #tpu.memory_space<semaphore_mem>>)
    %add3A_264 = arith.constant 0 : i32
    %add3A_265 = arith.addi %mul3A_2, %add3A_264 : i32
    %add3A_266 = arith.constant 1024 : i32
    %add3A_267 = arith.addi %mul3A_2, %add3A_266 : i32
    %add3A_268 = arith.constant 0 : i32
    %add3A_269 = arith.addi %add3A_268, %add3A_267 : i32
    %dma_start3A_270 = arith.constant 0 : i32
    %dma_start3A_271 = tpu.memref_slice %arg7[%dma_start3A_270] : memref<32768xf32, #tpu.memory_space<vmem>> -> memref<1024xf32, #tpu.memory_space<vmem>>
    %dma_start3A_272 = tpu.memref_slice %arg4[%add3A_269] : memref<8388608xf32, #tpu.memory_space<hbm>> -> memref<1024xf32, #tpu.memory_space<hbm>>
    %dma_start3A_273 = arith.constant 0 : i32
    %dma_start3A_274 = tpu.memref_slice %arg7[%dma_start3A_273] : memref<32768xf32, #tpu.memory_space<vmem>> -> memref<1024xf32, #tpu.memory_space<vmem>>
    %dma_start3A_275 = tpu.memref_slice %arg4[%add3A_269] : memref<8388608xf32, #tpu.memory_space<hbm>> -> memref<1024xf32, #tpu.memory_space<hbm>>
    tpu.enqueue_dma source(%dma_start3A_275 : memref<1024xf32, #tpu.memory_space<hbm>>) target(%dma_start3A_274 : memref<1024xf32, #tpu.memory_space<vmem>>) target_semaphore(%arg14 : memref<!tpu.dma_semaphore, #tpu.memory_space<semaphore_mem>>)
    %add3A_276 = arith.constant 262144 : i32
    %add3A_277 = arith.addi %add3A_276, %add3A_267 : i32
    %dma_start3A_278 = arith.constant 1024 : i32
    %dma_start3A_279 = tpu.memref_slice %arg7[%dma_start3A_278] : memref<32768xf32, #tpu.memory_space<vmem>> -> memref<1024xf32, #tpu.memory_space<vmem>>
    %dma_start3A_280 = tpu.memref_slice %arg4[%add3A_277] : memref<8388608xf32, #tpu.memory_space<hbm>> -> memref<1024xf32, #tpu.memory_space<hbm>>
    %dma_start3A_281 = arith.constant 1024 : i32
    %dma_start3A_282 = tpu.memref_slice %arg7[%dma_start3A_281] : memref<32768xf32, #tpu.memory_space<vmem>> -> memref<1024xf32, #tpu.memory_space<vmem>>
    %dma_start3A_283 = tpu.memref_slice %arg4[%add3A_277] : memref<8388608xf32, #tpu.memory_space<hbm>> -> memref<1024xf32, #tpu.memory_space<hbm>>
    tpu.enqueue_dma source(%dma_start3A_283 : memref<1024xf32, #tpu.memory_space<hbm>>) target(%dma_start3A_282 : memref<1024xf32, #tpu.memory_space<vmem>>) target_semaphore(%arg14 : memref<!tpu.dma_semaphore, #tpu.memory_space<semaphore_mem>>)
    %add3A_284 = arith.constant 524288 : i32
    %add3A_285 = arith.addi %add3A_284, %add3A_267 : i32
    %dma_start3A_286 = arith.constant 2048 : i32
    %dma_start3A_287 = tpu.memref_slice %arg7[%dma_start3A_286] : memref<32768xf32, #tpu.memory_space<vmem>> -> memref<1024xf32, #tpu.memory_space<vmem>>
    %dma_start3A_288 = tpu.memref_slice %arg4[%add3A_285] : memref<8388608xf32, #tpu.memory_space<hbm>> -> memref<1024xf32, #tpu.memory_space<hbm>>
    %dma_start3A_289 = arith.constant 2048 : i32
    %dma_start3A_290 = tpu.memref_slice %arg7[%dma_start3A_289] : memref<32768xf32, #tpu.memory_space<vmem>> -> memref<1024xf32, #tpu.memory_space<vmem>>
    %dma_start3A_291 = tpu.memref_slice %arg4[%add3A_285] : memref<8388608xf32, #tpu.memory_space<hbm>> -> memref<1024xf32, #tpu.memory_space<hbm>>
    tpu.enqueue_dma source(%dma_start3A_291 : memref<1024xf32, #tpu.memory_space<hbm>>) target(%dma_start3A_290 : memref<1024xf32, #tpu.memory_space<vmem>>) target_semaphore(%arg14 : memref<!tpu.dma_semaphore, #tpu.memory_space<semaphore_mem>>)
    %add3A_292 = arith.constant 786432 : i32
    %add3A_293 = arith.addi %add3A_292, %add3A_267 : i32
    %dma_start3A_294 = arith.constant 3072 : i32
    %dma_start3A_295 = tpu.memref_slice %arg7[%dma_start3A_294] : memref<32768xf32, #tpu.memory_space<vmem>> -> memref<1024xf32, #tpu.memory_space<vmem>>
    %dma_start3A_296 = tpu.memref_slice %arg4[%add3A_293] : memref<8388608xf32, #tpu.memory_space<hbm>> -> memref<1024xf32, #tpu.memory_space<hbm>>
    %dma_start3A_297 = arith.constant 3072 : i32
    %dma_start3A_298 = tpu.memref_slice %arg7[%dma_start3A_297] : memref<32768xf32, #tpu.memory_space<vmem>> -> memref<1024xf32, #tpu.memory_space<vmem>>
    %dma_start3A_299 = tpu.memref_slice %arg4[%add3A_293] : memref<8388608xf32, #tpu.memory_space<hbm>> -> memref<1024xf32, #tpu.memory_space<hbm>>
    tpu.enqueue_dma source(%dma_start3A_299 : memref<1024xf32, #tpu.memory_space<hbm>>) target(%dma_start3A_298 : memref<1024xf32, #tpu.memory_space<vmem>>) target_semaphore(%arg14 : memref<!tpu.dma_semaphore, #tpu.memory_space<semaphore_mem>>)
    %add3A_300 = arith.constant 1048576 : i32
    %add3A_301 = arith.addi %add3A_300, %add3A_267 : i32
    %dma_start3A_302 = arith.constant 4096 : i32
    %dma_start3A_303 = tpu.memref_slice %arg7[%dma_start3A_302] : memref<32768xf32, #tpu.memory_space<vmem>> -> memref<1024xf32, #tpu.memory_space<vmem>>
    %dma_start3A_304 = tpu.memref_slice %arg4[%add3A_301] : memref<8388608xf32, #tpu.memory_space<hbm>> -> memref<1024xf32, #tpu.memory_space<hbm>>
    %dma_start3A_305 = arith.constant 4096 : i32
    %dma_start3A_306 = tpu.memref_slice %arg7[%dma_start3A_305] : memref<32768xf32, #tpu.memory_space<vmem>> -> memref<1024xf32, #tpu.memory_space<vmem>>
    %dma_start3A_307 = tpu.memref_slice %arg4[%add3A_301] : memref<8388608xf32, #tpu.memory_space<hbm>> -> memref<1024xf32, #tpu.memory_space<hbm>>
    tpu.enqueue_dma source(%dma_start3A_307 : memref<1024xf32, #tpu.memory_space<hbm>>) target(%dma_start3A_306 : memref<1024xf32, #tpu.memory_space<vmem>>) target_semaphore(%arg14 : memref<!tpu.dma_semaphore, #tpu.memory_space<semaphore_mem>>)
    %add3A_308 = arith.constant 1310720 : i32
    %add3A_309 = arith.addi %add3A_308, %add3A_267 : i32
    %dma_start3A_310 = arith.constant 5120 : i32
    %dma_start3A_311 = tpu.memref_slice %arg7[%dma_start3A_310] : memref<32768xf32, #tpu.memory_space<vmem>> -> memref<1024xf32, #tpu.memory_space<vmem>>
    %dma_start3A_312 = tpu.memref_slice %arg4[%add3A_309] : memref<8388608xf32, #tpu.memory_space<hbm>> -> memref<1024xf32, #tpu.memory_space<hbm>>
    %dma_start3A_313 = arith.constant 5120 : i32
    %dma_start3A_314 = tpu.memref_slice %arg7[%dma_start3A_313] : memref<32768xf32, #tpu.memory_space<vmem>> -> memref<1024xf32, #tpu.memory_space<vmem>>
    %dma_start3A_315 = tpu.memref_slice %arg4[%add3A_309] : memref<8388608xf32, #tpu.memory_space<hbm>> -> memref<1024xf32, #tpu.memory_space<hbm>>
    tpu.enqueue_dma source(%dma_start3A_315 : memref<1024xf32, #tpu.memory_space<hbm>>) target(%dma_start3A_314 : memref<1024xf32, #tpu.memory_space<vmem>>) target_semaphore(%arg14 : memref<!tpu.dma_semaphore, #tpu.memory_space<semaphore_mem>>)
    %add3A_316 = arith.constant 1572864 : i32
    %add3A_317 = arith.addi %add3A_316, %add3A_267 : i32
    %dma_start3A_318 = arith.constant 6144 : i32
    %dma_start3A_319 = tpu.memref_slice %arg7[%dma_start3A_318] : memref<32768xf32, #tpu.memory_space<vmem>> -> memref<1024xf32, #tpu.memory_space<vmem>>
    %dma_start3A_320 = tpu.memref_slice %arg4[%add3A_317] : memref<8388608xf32, #tpu.memory_space<hbm>> -> memref<1024xf32, #tpu.memory_space<hbm>>
    %dma_start3A_321 = arith.constant 6144 : i32
    %dma_start3A_322 = tpu.memref_slice %arg7[%dma_start3A_321] : memref<32768xf32, #tpu.memory_space<vmem>> -> memref<1024xf32, #tpu.memory_space<vmem>>
    %dma_start3A_323 = tpu.memref_slice %arg4[%add3A_317] : memref<8388608xf32, #tpu.memory_space<hbm>> -> memref<1024xf32, #tpu.memory_space<hbm>>
    tpu.enqueue_dma source(%dma_start3A_323 : memref<1024xf32, #tpu.memory_space<hbm>>) target(%dma_start3A_322 : memref<1024xf32, #tpu.memory_space<vmem>>) target_semaphore(%arg14 : memref<!tpu.dma_semaphore, #tpu.memory_space<semaphore_mem>>)
    %add3A_324 = arith.constant 1835008 : i32
    %add3A_325 = arith.addi %add3A_324, %add3A_267 : i32
    %dma_start3A_326 = arith.constant 7168 : i32
    %dma_start3A_327 = tpu.memref_slice %arg7[%dma_start3A_326] : memref<32768xf32, #tpu.memory_space<vmem>> -> memref<1024xf32, #tpu.memory_space<vmem>>
    %dma_start3A_328 = tpu.memref_slice %arg4[%add3A_325] : memref<8388608xf32, #tpu.memory_space<hbm>> -> memref<1024xf32, #tpu.memory_space<hbm>>
    %dma_start3A_329 = arith.constant 7168 : i32
    %dma_start3A_330 = tpu.memref_slice %arg7[%dma_start3A_329] : memref<32768xf32, #tpu.memory_space<vmem>> -> memref<1024xf32, #tpu.memory_space<vmem>>
    %dma_start3A_331 = tpu.memref_slice %arg4[%add3A_325] : memref<8388608xf32, #tpu.memory_space<hbm>> -> memref<1024xf32, #tpu.memory_space<hbm>>
    tpu.enqueue_dma source(%dma_start3A_331 : memref<1024xf32, #tpu.memory_space<hbm>>) target(%dma_start3A_330 : memref<1024xf32, #tpu.memory_space<vmem>>) target_semaphore(%arg14 : memref<!tpu.dma_semaphore, #tpu.memory_space<semaphore_mem>>)
    %add3A_332 = arith.constant 2097152 : i32
    %add3A_333 = arith.addi %add3A_332, %add3A_267 : i32
    %dma_start3A_334 = arith.constant 8192 : i32
    %dma_start3A_335 = tpu.memref_slice %arg7[%dma_start3A_334] : memref<32768xf32, #tpu.memory_space<vmem>> -> memref<1024xf32, #tpu.memory_space<vmem>>
    %dma_start3A_336 = tpu.memref_slice %arg4[%add3A_333] : memref<8388608xf32, #tpu.memory_space<hbm>> -> memref<1024xf32, #tpu.memory_space<hbm>>
    %dma_start3A_337 = arith.constant 8192 : i32
    %dma_start3A_338 = tpu.memref_slice %arg7[%dma_start3A_337] : memref<32768xf32, #tpu.memory_space<vmem>> -> memref<1024xf32, #tpu.memory_space<vmem>>
    %dma_start3A_339 = tpu.memref_slice %arg4[%add3A_333] : memref<8388608xf32, #tpu.memory_space<hbm>> -> memref<1024xf32, #tpu.memory_space<hbm>>
    tpu.enqueue_dma source(%dma_start3A_339 : memref<1024xf32, #tpu.memory_space<hbm>>) target(%dma_start3A_338 : memref<1024xf32, #tpu.memory_space<vmem>>) target_semaphore(%arg14 : memref<!tpu.dma_semaphore, #tpu.memory_space<semaphore_mem>>)
    %add3A_340 = arith.constant 2359296 : i32
    %add3A_341 = arith.addi %add3A_340, %add3A_267 : i32
    %dma_start3A_342 = arith.constant 9216 : i32
    %dma_start3A_343 = tpu.memref_slice %arg7[%dma_start3A_342] : memref<32768xf32, #tpu.memory_space<vmem>> -> memref<1024xf32, #tpu.memory_space<vmem>>
    %dma_start3A_344 = tpu.memref_slice %arg4[%add3A_341] : memref<8388608xf32, #tpu.memory_space<hbm>> -> memref<1024xf32, #tpu.memory_space<hbm>>
    %dma_start3A_345 = arith.constant 9216 : i32
    %dma_start3A_346 = tpu.memref_slice %arg7[%dma_start3A_345] : memref<32768xf32, #tpu.memory_space<vmem>> -> memref<1024xf32, #tpu.memory_space<vmem>>
    %dma_start3A_347 = tpu.memref_slice %arg4[%add3A_341] : memref<8388608xf32, #tpu.memory_space<hbm>> -> memref<1024xf32, #tpu.memory_space<hbm>>
    tpu.enqueue_dma source(%dma_start3A_347 : memref<1024xf32, #tpu.memory_space<hbm>>) target(%dma_start3A_346 : memref<1024xf32, #tpu.memory_space<vmem>>) target_semaphore(%arg14 : memref<!tpu.dma_semaphore, #tpu.memory_space<semaphore_mem>>)
    %add3A_348 = arith.constant 2621440 : i32
    %add3A_349 = arith.addi %add3A_348, %add3A_267 : i32
    %dma_start3A_350 = arith.constant 10240 : i32
    %dma_start3A_351 = tpu.memref_slice %arg7[%dma_start3A_350] : memref<32768xf32, #tpu.memory_space<vmem>> -> memref<1024xf32, #tpu.memory_space<vmem>>
    %dma_start3A_352 = tpu.memref_slice %arg4[%add3A_349] : memref<8388608xf32, #tpu.memory_space<hbm>> -> memref<1024xf32, #tpu.memory_space<hbm>>
    %dma_start3A_353 = arith.constant 10240 : i32
    %dma_start3A_354 = tpu.memref_slice %arg7[%dma_start3A_353] : memref<32768xf32, #tpu.memory_space<vmem>> -> memref<1024xf32, #tpu.memory_space<vmem>>
    %dma_start3A_355 = tpu.memref_slice %arg4[%add3A_349] : memref<8388608xf32, #tpu.memory_space<hbm>> -> memref<1024xf32, #tpu.memory_space<hbm>>
    tpu.enqueue_dma source(%dma_start3A_355 : memref<1024xf32, #tpu.memory_space<hbm>>) target(%dma_start3A_354 : memref<1024xf32, #tpu.memory_space<vmem>>) target_semaphore(%arg14 : memref<!tpu.dma_semaphore, #tpu.memory_space<semaphore_mem>>)
    %add3A_356 = arith.constant 2883584 : i32
    %add3A_357 = arith.addi %add3A_356, %add3A_267 : i32
    %dma_start3A_358 = arith.constant 11264 : i32
    %dma_start3A_359 = tpu.memref_slice %arg7[%dma_start3A_358] : memref<32768xf32, #tpu.memory_space<vmem>> -> memref<1024xf32, #tpu.memory_space<vmem>>
    %dma_start3A_360 = tpu.memref_slice %arg4[%add3A_357] : memref<8388608xf32, #tpu.memory_space<hbm>> -> memref<1024xf32, #tpu.memory_space<hbm>>
    %dma_start3A_361 = arith.constant 11264 : i32
    %dma_start3A_362 = tpu.memref_slice %arg7[%dma_start3A_361] : memref<32768xf32, #tpu.memory_space<vmem>> -> memref<1024xf32, #tpu.memory_space<vmem>>
    %dma_start3A_363 = tpu.memref_slice %arg4[%add3A_357] : memref<8388608xf32, #tpu.memory_space<hbm>> -> memref<1024xf32, #tpu.memory_space<hbm>>
    tpu.enqueue_dma source(%dma_start3A_363 : memref<1024xf32, #tpu.memory_space<hbm>>) target(%dma_start3A_362 : memref<1024xf32, #tpu.memory_space<vmem>>) target_semaphore(%arg14 : memref<!tpu.dma_semaphore, #tpu.memory_space<semaphore_mem>>)
    %add3A_364 = arith.constant 3145728 : i32
    %add3A_365 = arith.addi %add3A_364, %add3A_267 : i32
    %dma_start3A_366 = arith.constant 12288 : i32
    %dma_start3A_367 = tpu.memref_slice %arg7[%dma_start3A_366] : memref<32768xf32, #tpu.memory_space<vmem>> -> memref<1024xf32, #tpu.memory_space<vmem>>
    %dma_start3A_368 = tpu.memref_slice %arg4[%add3A_365] : memref<8388608xf32, #tpu.memory_space<hbm>> -> memref<1024xf32, #tpu.memory_space<hbm>>
    %dma_start3A_369 = arith.constant 12288 : i32
    %dma_start3A_370 = tpu.memref_slice %arg7[%dma_start3A_369] : memref<32768xf32, #tpu.memory_space<vmem>> -> memref<1024xf32, #tpu.memory_space<vmem>>
    %dma_start3A_371 = tpu.memref_slice %arg4[%add3A_365] : memref<8388608xf32, #tpu.memory_space<hbm>> -> memref<1024xf32, #tpu.memory_space<hbm>>
    tpu.enqueue_dma source(%dma_start3A_371 : memref<1024xf32, #tpu.memory_space<hbm>>) target(%dma_start3A_370 : memref<1024xf32, #tpu.memory_space<vmem>>) target_semaphore(%arg14 : memref<!tpu.dma_semaphore, #tpu.memory_space<semaphore_mem>>)
    %add3A_372 = arith.constant 3407872 : i32
    %add3A_373 = arith.addi %add3A_372, %add3A_267 : i32
    %dma_start3A_374 = arith.constant 13312 : i32
    %dma_start3A_375 = tpu.memref_slice %arg7[%dma_start3A_374] : memref<32768xf32, #tpu.memory_space<vmem>> -> memref<1024xf32, #tpu.memory_space<vmem>>
    %dma_start3A_376 = tpu.memref_slice %arg4[%add3A_373] : memref<8388608xf32, #tpu.memory_space<hbm>> -> memref<1024xf32, #tpu.memory_space<hbm>>
    %dma_start3A_377 = arith.constant 13312 : i32
    %dma_start3A_378 = tpu.memref_slice %arg7[%dma_start3A_377] : memref<32768xf32, #tpu.memory_space<vmem>> -> memref<1024xf32, #tpu.memory_space<vmem>>
    %dma_start3A_379 = tpu.memref_slice %arg4[%add3A_373] : memref<8388608xf32, #tpu.memory_space<hbm>> -> memref<1024xf32, #tpu.memory_space<hbm>>
    tpu.enqueue_dma source(%dma_start3A_379 : memref<1024xf32, #tpu.memory_space<hbm>>) target(%dma_start3A_378 : memref<1024xf32, #tpu.memory_space<vmem>>) target_semaphore(%arg14 : memref<!tpu.dma_semaphore, #tpu.memory_space<semaphore_mem>>)
    %add3A_380 = arith.constant 3670016 : i32
    %add3A_381 = arith.addi %add3A_380, %add3A_267 : i32
    %dma_start3A_382 = arith.constant 14336 : i32
    %dma_start3A_383 = tpu.memref_slice %arg7[%dma_start3A_382] : memref<32768xf32, #tpu.memory_space<vmem>> -> memref<1024xf32, #tpu.memory_space<vmem>>
    %dma_start3A_384 = tpu.memref_slice %arg4[%add3A_381] : memref<8388608xf32, #tpu.memory_space<hbm>> -> memref<1024xf32, #tpu.memory_space<hbm>>
    %dma_start3A_385 = arith.constant 14336 : i32
    %dma_start3A_386 = tpu.memref_slice %arg7[%dma_start3A_385] : memref<32768xf32, #tpu.memory_space<vmem>> -> memref<1024xf32, #tpu.memory_space<vmem>>
    %dma_start3A_387 = tpu.memref_slice %arg4[%add3A_381] : memref<8388608xf32, #tpu.memory_space<hbm>> -> memref<1024xf32, #tpu.memory_space<hbm>>
    tpu.enqueue_dma source(%dma_start3A_387 : memref<1024xf32, #tpu.memory_space<hbm>>) target(%dma_start3A_386 : memref<1024xf32, #tpu.memory_space<vmem>>) target_semaphore(%arg14 : memref<!tpu.dma_semaphore, #tpu.memory_space<semaphore_mem>>)
    %add3A_388 = arith.constant 3932160 : i32
    %add3A_389 = arith.addi %add3A_388, %add3A_267 : i32
    %dma_start3A_390 = arith.constant 15360 : i32
    %dma_start3A_391 = tpu.memref_slice %arg7[%dma_start3A_390] : memref<32768xf32, #tpu.memory_space<vmem>> -> memref<1024xf32, #tpu.memory_space<vmem>>
    %dma_start3A_392 = tpu.memref_slice %arg4[%add3A_389] : memref<8388608xf32, #tpu.memory_space<hbm>> -> memref<1024xf32, #tpu.memory_space<hbm>>
    %dma_start3A_393 = arith.constant 15360 : i32
    %dma_start3A_394 = tpu.memref_slice %arg7[%dma_start3A_393] : memref<32768xf32, #tpu.memory_space<vmem>> -> memref<1024xf32, #tpu.memory_space<vmem>>
    %dma_start3A_395 = tpu.memref_slice %arg4[%add3A_389] : memref<8388608xf32, #tpu.memory_space<hbm>> -> memref<1024xf32, #tpu.memory_space<hbm>>
    tpu.enqueue_dma source(%dma_start3A_395 : memref<1024xf32, #tpu.memory_space<hbm>>) target(%dma_start3A_394 : memref<1024xf32, #tpu.memory_space<vmem>>) target_semaphore(%arg14 : memref<!tpu.dma_semaphore, #tpu.memory_space<semaphore_mem>>)
    %add3A_396 = arith.constant 4194304 : i32
    %add3A_397 = arith.addi %add3A_396, %add3A_267 : i32
    %dma_start3A_398 = arith.constant 16384 : i32
    %dma_start3A_399 = tpu.memref_slice %arg7[%dma_start3A_398] : memref<32768xf32, #tpu.memory_space<vmem>> -> memref<1024xf32, #tpu.memory_space<vmem>>
    %dma_start3A_400 = tpu.memref_slice %arg4[%add3A_397] : memref<8388608xf32, #tpu.memory_space<hbm>> -> memref<1024xf32, #tpu.memory_space<hbm>>
    %dma_start3A_401 = arith.constant 16384 : i32
    %dma_start3A_402 = tpu.memref_slice %arg7[%dma_start3A_401] : memref<32768xf32, #tpu.memory_space<vmem>> -> memref<1024xf32, #tpu.memory_space<vmem>>
    %dma_start3A_403 = tpu.memref_slice %arg4[%add3A_397] : memref<8388608xf32, #tpu.memory_space<hbm>> -> memref<1024xf32, #tpu.memory_space<hbm>>
    tpu.enqueue_dma source(%dma_start3A_403 : memref<1024xf32, #tpu.memory_space<hbm>>) target(%dma_start3A_402 : memref<1024xf32, #tpu.memory_space<vmem>>) target_semaphore(%arg14 : memref<!tpu.dma_semaphore, #tpu.memory_space<semaphore_mem>>)
    %add3A_404 = arith.constant 4456448 : i32
    %add3A_405 = arith.addi %add3A_404, %add3A_267 : i32
    %dma_start3A_406 = arith.constant 17408 : i32
    %dma_start3A_407 = tpu.memref_slice %arg7[%dma_start3A_406] : memref<32768xf32, #tpu.memory_space<vmem>> -> memref<1024xf32, #tpu.memory_space<vmem>>
    %dma_start3A_408 = tpu.memref_slice %arg4[%add3A_405] : memref<8388608xf32, #tpu.memory_space<hbm>> -> memref<1024xf32, #tpu.memory_space<hbm>>
    %dma_start3A_409 = arith.constant 17408 : i32
    %dma_start3A_410 = tpu.memref_slice %arg7[%dma_start3A_409] : memref<32768xf32, #tpu.memory_space<vmem>> -> memref<1024xf32, #tpu.memory_space<vmem>>
    %dma_start3A_411 = tpu.memref_slice %arg4[%add3A_405] : memref<8388608xf32, #tpu.memory_space<hbm>> -> memref<1024xf32, #tpu.memory_space<hbm>>
    tpu.enqueue_dma source(%dma_start3A_411 : memref<1024xf32, #tpu.memory_space<hbm>>) target(%dma_start3A_410 : memref<1024xf32, #tpu.memory_space<vmem>>) target_semaphore(%arg14 : memref<!tpu.dma_semaphore, #tpu.memory_space<semaphore_mem>>)
    %add3A_412 = arith.constant 4718592 : i32
    %add3A_413 = arith.addi %add3A_412, %add3A_267 : i32
    %dma_start3A_414 = arith.constant 18432 : i32
    %dma_start3A_415 = tpu.memref_slice %arg7[%dma_start3A_414] : memref<32768xf32, #tpu.memory_space<vmem>> -> memref<1024xf32, #tpu.memory_space<vmem>>
    %dma_start3A_416 = tpu.memref_slice %arg4[%add3A_413] : memref<8388608xf32, #tpu.memory_space<hbm>> -> memref<1024xf32, #tpu.memory_space<hbm>>
    %dma_start3A_417 = arith.constant 18432 : i32
    %dma_start3A_418 = tpu.memref_slice %arg7[%dma_start3A_417] : memref<32768xf32, #tpu.memory_space<vmem>> -> memref<1024xf32, #tpu.memory_space<vmem>>
    %dma_start3A_419 = tpu.memref_slice %arg4[%add3A_413] : memref<8388608xf32, #tpu.memory_space<hbm>> -> memref<1024xf32, #tpu.memory_space<hbm>>
    tpu.enqueue_dma source(%dma_start3A_419 : memref<1024xf32, #tpu.memory_space<hbm>>) target(%dma_start3A_418 : memref<1024xf32, #tpu.memory_space<vmem>>) target_semaphore(%arg14 : memref<!tpu.dma_semaphore, #tpu.memory_space<semaphore_mem>>)
    %add3A_420 = arith.constant 4980736 : i32
    %add3A_421 = arith.addi %add3A_420, %add3A_267 : i32
    %dma_start3A_422 = arith.constant 19456 : i32
    %dma_start3A_423 = tpu.memref_slice %arg7[%dma_start3A_422] : memref<32768xf32, #tpu.memory_space<vmem>> -> memref<1024xf32, #tpu.memory_space<vmem>>
    %dma_start3A_424 = tpu.memref_slice %arg4[%add3A_421] : memref<8388608xf32, #tpu.memory_space<hbm>> -> memref<1024xf32, #tpu.memory_space<hbm>>
    %dma_start3A_425 = arith.constant 19456 : i32
    %dma_start3A_426 = tpu.memref_slice %arg7[%dma_start3A_425] : memref<32768xf32, #tpu.memory_space<vmem>> -> memref<1024xf32, #tpu.memory_space<vmem>>
    %dma_start3A_427 = tpu.memref_slice %arg4[%add3A_421] : memref<8388608xf32, #tpu.memory_space<hbm>> -> memref<1024xf32, #tpu.memory_space<hbm>>
    tpu.enqueue_dma source(%dma_start3A_427 : memref<1024xf32, #tpu.memory_space<hbm>>) target(%dma_start3A_426 : memref<1024xf32, #tpu.memory_space<vmem>>) target_semaphore(%arg14 : memref<!tpu.dma_semaphore, #tpu.memory_space<semaphore_mem>>)
    %add3A_428 = arith.constant 5242880 : i32
    %add3A_429 = arith.addi %add3A_428, %add3A_267 : i32
    %dma_start3A_430 = arith.constant 20480 : i32
    %dma_start3A_431 = tpu.memref_slice %arg7[%dma_start3A_430] : memref<32768xf32, #tpu.memory_space<vmem>> -> memref<1024xf32, #tpu.memory_space<vmem>>
    %dma_start3A_432 = tpu.memref_slice %arg4[%add3A_429] : memref<8388608xf32, #tpu.memory_space<hbm>> -> memref<1024xf32, #tpu.memory_space<hbm>>
    %dma_start3A_433 = arith.constant 20480 : i32
    %dma_start3A_434 = tpu.memref_slice %arg7[%dma_start3A_433] : memref<32768xf32, #tpu.memory_space<vmem>> -> memref<1024xf32, #tpu.memory_space<vmem>>
    %dma_start3A_435 = tpu.memref_slice %arg4[%add3A_429] : memref<8388608xf32, #tpu.memory_space<hbm>> -> memref<1024xf32, #tpu.memory_space<hbm>>
    tpu.enqueue_dma source(%dma_start3A_435 : memref<1024xf32, #tpu.memory_space<hbm>>) target(%dma_start3A_434 : memref<1024xf32, #tpu.memory_space<vmem>>) target_semaphore(%arg14 : memref<!tpu.dma_semaphore, #tpu.memory_space<semaphore_mem>>)
    %add3A_436 = arith.constant 5505024 : i32
    %add3A_437 = arith.addi %add3A_436, %add3A_267 : i32
    %dma_start3A_438 = arith.constant 21504 : i32
    %dma_start3A_439 = tpu.memref_slice %arg7[%dma_start3A_438] : memref<32768xf32, #tpu.memory_space<vmem>> -> memref<1024xf32, #tpu.memory_space<vmem>>
    %dma_start3A_440 = tpu.memref_slice %arg4[%add3A_437] : memref<8388608xf32, #tpu.memory_space<hbm>> -> memref<1024xf32, #tpu.memory_space<hbm>>
    %dma_start3A_441 = arith.constant 21504 : i32
    %dma_start3A_442 = tpu.memref_slice %arg7[%dma_start3A_441] : memref<32768xf32, #tpu.memory_space<vmem>> -> memref<1024xf32, #tpu.memory_space<vmem>>
    %dma_start3A_443 = tpu.memref_slice %arg4[%add3A_437] : memref<8388608xf32, #tpu.memory_space<hbm>> -> memref<1024xf32, #tpu.memory_space<hbm>>
    tpu.enqueue_dma source(%dma_start3A_443 : memref<1024xf32, #tpu.memory_space<hbm>>) target(%dma_start3A_442 : memref<1024xf32, #tpu.memory_space<vmem>>) target_semaphore(%arg14 : memref<!tpu.dma_semaphore, #tpu.memory_space<semaphore_mem>>)
    %add3A_444 = arith.constant 5767168 : i32
    %add3A_445 = arith.addi %add3A_444, %add3A_267 : i32
    %dma_start3A_446 = arith.constant 22528 : i32
    %dma_start3A_447 = tpu.memref_slice %arg7[%dma_start3A_446] : memref<32768xf32, #tpu.memory_space<vmem>> -> memref<1024xf32, #tpu.memory_space<vmem>>
    %dma_start3A_448 = tpu.memref_slice %arg4[%add3A_445] : memref<8388608xf32, #tpu.memory_space<hbm>> -> memref<1024xf32, #tpu.memory_space<hbm>>
    %dma_start3A_449 = arith.constant 22528 : i32
    %dma_start3A_450 = tpu.memref_slice %arg7[%dma_start3A_449] : memref<32768xf32, #tpu.memory_space<vmem>> -> memref<1024xf32, #tpu.memory_space<vmem>>
    %dma_start3A_451 = tpu.memref_slice %arg4[%add3A_445] : memref<8388608xf32, #tpu.memory_space<hbm>> -> memref<1024xf32, #tpu.memory_space<hbm>>
    tpu.enqueue_dma source(%dma_start3A_451 : memref<1024xf32, #tpu.memory_space<hbm>>) target(%dma_start3A_450 : memref<1024xf32, #tpu.memory_space<vmem>>) target_semaphore(%arg14 : memref<!tpu.dma_semaphore, #tpu.memory_space<semaphore_mem>>)
    %add3A_452 = arith.constant 6029312 : i32
    %add3A_453 = arith.addi %add3A_452, %add3A_267 : i32
    %dma_start3A_454 = arith.constant 23552 : i32
    %dma_start3A_455 = tpu.memref_slice %arg7[%dma_start3A_454] : memref<32768xf32, #tpu.memory_space<vmem>> -> memref<1024xf32, #tpu.memory_space<vmem>>
    %dma_start3A_456 = tpu.memref_slice %arg4[%add3A_453] : memref<8388608xf32, #tpu.memory_space<hbm>> -> memref<1024xf32, #tpu.memory_space<hbm>>
    %dma_start3A_457 = arith.constant 23552 : i32
    %dma_start3A_458 = tpu.memref_slice %arg7[%dma_start3A_457] : memref<32768xf32, #tpu.memory_space<vmem>> -> memref<1024xf32, #tpu.memory_space<vmem>>
    %dma_start3A_459 = tpu.memref_slice %arg4[%add3A_453] : memref<8388608xf32, #tpu.memory_space<hbm>> -> memref<1024xf32, #tpu.memory_space<hbm>>
    tpu.enqueue_dma source(%dma_start3A_459 : memref<1024xf32, #tpu.memory_space<hbm>>) target(%dma_start3A_458 : memref<1024xf32, #tpu.memory_space<vmem>>) target_semaphore(%arg14 : memref<!tpu.dma_semaphore, #tpu.memory_space<semaphore_mem>>)
    %add3A_460 = arith.constant 6291456 : i32
    %add3A_461 = arith.addi %add3A_460, %add3A_267 : i32
    %dma_start3A_462 = arith.constant 24576 : i32
    %dma_start3A_463 = tpu.memref_slice %arg7[%dma_start3A_462] : memref<32768xf32, #tpu.memory_space<vmem>> -> memref<1024xf32, #tpu.memory_space<vmem>>
    %dma_start3A_464 = tpu.memref_slice %arg4[%add3A_461] : memref<8388608xf32, #tpu.memory_space<hbm>> -> memref<1024xf32, #tpu.memory_space<hbm>>
    %dma_start3A_465 = arith.constant 24576 : i32
    %dma_start3A_466 = tpu.memref_slice %arg7[%dma_start3A_465] : memref<32768xf32, #tpu.memory_space<vmem>> -> memref<1024xf32, #tpu.memory_space<vmem>>
    %dma_start3A_467 = tpu.memref_slice %arg4[%add3A_461] : memref<8388608xf32, #tpu.memory_space<hbm>> -> memref<1024xf32, #tpu.memory_space<hbm>>
    tpu.enqueue_dma source(%dma_start3A_467 : memref<1024xf32, #tpu.memory_space<hbm>>) target(%dma_start3A_466 : memref<1024xf32, #tpu.memory_space<vmem>>) target_semaphore(%arg14 : memref<!tpu.dma_semaphore, #tpu.memory_space<semaphore_mem>>)
    %add3A_468 = arith.constant 6553600 : i32
    %add3A_469 = arith.addi %add3A_468, %add3A_267 : i32
    %dma_start3A_470 = arith.constant 25600 : i32
    %dma_start3A_471 = tpu.memref_slice %arg7[%dma_start3A_470] : memref<32768xf32, #tpu.memory_space<vmem>> -> memref<1024xf32, #tpu.memory_space<vmem>>
    %dma_start3A_472 = tpu.memref_slice %arg4[%add3A_469] : memref<8388608xf32, #tpu.memory_space<hbm>> -> memref<1024xf32, #tpu.memory_space<hbm>>
    %dma_start3A_473 = arith.constant 25600 : i32
    %dma_start3A_474 = tpu.memref_slice %arg7[%dma_start3A_473] : memref<32768xf32, #tpu.memory_space<vmem>> -> memref<1024xf32, #tpu.memory_space<vmem>>
    %dma_start3A_475 = tpu.memref_slice %arg4[%add3A_469] : memref<8388608xf32, #tpu.memory_space<hbm>> -> memref<1024xf32, #tpu.memory_space<hbm>>
    tpu.enqueue_dma source(%dma_start3A_475 : memref<1024xf32, #tpu.memory_space<hbm>>) target(%dma_start3A_474 : memref<1024xf32, #tpu.memory_space<vmem>>) target_semaphore(%arg14 : memref<!tpu.dma_semaphore, #tpu.memory_space<semaphore_mem>>)
    %add3A_476 = arith.constant 6815744 : i32
    %add3A_477 = arith.addi %add3A_476, %add3A_267 : i32
    %dma_start3A_478 = arith.constant 26624 : i32
    %dma_start3A_479 = tpu.memref_slice %arg7[%dma_start3A_478] : memref<32768xf32, #tpu.memory_space<vmem>> -> memref<1024xf32, #tpu.memory_space<vmem>>
    %dma_start3A_480 = tpu.memref_slice %arg4[%add3A_477] : memref<8388608xf32, #tpu.memory_space<hbm>> -> memref<1024xf32, #tpu.memory_space<hbm>>
    %dma_start3A_481 = arith.constant 26624 : i32
    %dma_start3A_482 = tpu.memref_slice %arg7[%dma_start3A_481] : memref<32768xf32, #tpu.memory_space<vmem>> -> memref<1024xf32, #tpu.memory_space<vmem>>
    %dma_start3A_483 = tpu.memref_slice %arg4[%add3A_477] : memref<8388608xf32, #tpu.memory_space<hbm>> -> memref<1024xf32, #tpu.memory_space<hbm>>
    tpu.enqueue_dma source(%dma_start3A_483 : memref<1024xf32, #tpu.memory_space<hbm>>) target(%dma_start3A_482 : memref<1024xf32, #tpu.memory_space<vmem>>) target_semaphore(%arg14 : memref<!tpu.dma_semaphore, #tpu.memory_space<semaphore_mem>>)
    %add3A_484 = arith.constant 7077888 : i32
    %add3A_485 = arith.addi %add3A_484, %add3A_267 : i32
    %dma_start3A_486 = arith.constant 27648 : i32
    %dma_start3A_487 = tpu.memref_slice %arg7[%dma_start3A_486] : memref<32768xf32, #tpu.memory_space<vmem>> -> memref<1024xf32, #tpu.memory_space<vmem>>
    %dma_start3A_488 = tpu.memref_slice %arg4[%add3A_485] : memref<8388608xf32, #tpu.memory_space<hbm>> -> memref<1024xf32, #tpu.memory_space<hbm>>
    %dma_start3A_489 = arith.constant 27648 : i32
    %dma_start3A_490 = tpu.memref_slice %arg7[%dma_start3A_489] : memref<32768xf32, #tpu.memory_space<vmem>> -> memref<1024xf32, #tpu.memory_space<vmem>>
    %dma_start3A_491 = tpu.memref_slice %arg4[%add3A_485] : memref<8388608xf32, #tpu.memory_space<hbm>> -> memref<1024xf32, #tpu.memory_space<hbm>>
    tpu.enqueue_dma source(%dma_start3A_491 : memref<1024xf32, #tpu.memory_space<hbm>>) target(%dma_start3A_490 : memref<1024xf32, #tpu.memory_space<vmem>>) target_semaphore(%arg14 : memref<!tpu.dma_semaphore, #tpu.memory_space<semaphore_mem>>)
    %add3A_492 = arith.constant 7340032 : i32
    %add3A_493 = arith.addi %add3A_492, %add3A_267 : i32
    %dma_start3A_494 = arith.constant 28672 : i32
    %dma_start3A_495 = tpu.memref_slice %arg7[%dma_start3A_494] : memref<32768xf32, #tpu.memory_space<vmem>> -> memref<1024xf32, #tpu.memory_space<vmem>>
    %dma_start3A_496 = tpu.memref_slice %arg4[%add3A_493] : memref<8388608xf32, #tpu.memory_space<hbm>> -> memref<1024xf32, #tpu.memory_space<hbm>>
    %dma_start3A_497 = arith.constant 28672 : i32
    %dma_start3A_498 = tpu.memref_slice %arg7[%dma_start3A_497] : memref<32768xf32, #tpu.memory_space<vmem>> -> memref<1024xf32, #tpu.memory_space<vmem>>
    %dma_start3A_499 = tpu.memref_slice %arg4[%add3A_493] : memref<8388608xf32, #tpu.memory_space<hbm>> -> memref<1024xf32, #tpu.memory_space<hbm>>
    tpu.enqueue_dma source(%dma_start3A_499 : memref<1024xf32, #tpu.memory_space<hbm>>) target(%dma_start3A_498 : memref<1024xf32, #tpu.memory_space<vmem>>) target_semaphore(%arg14 : memref<!tpu.dma_semaphore, #tpu.memory_space<semaphore_mem>>)
    %add3A_500 = arith.constant 7602176 : i32
    %add3A_501 = arith.addi %add3A_500, %add3A_267 : i32
    %dma_start3A_502 = arith.constant 29696 : i32
    %dma_start3A_503 = tpu.memref_slice %arg7[%dma_start3A_502] : memref<32768xf32, #tpu.memory_space<vmem>> -> memref<1024xf32, #tpu.memory_space<vmem>>
    %dma_start3A_504 = tpu.memref_slice %arg4[%add3A_501] : memref<8388608xf32, #tpu.memory_space<hbm>> -> memref<1024xf32, #tpu.memory_space<hbm>>
    %dma_start3A_505 = arith.constant 29696 : i32
    %dma_start3A_506 = tpu.memref_slice %arg7[%dma_start3A_505] : memref<32768xf32, #tpu.memory_space<vmem>> -> memref<1024xf32, #tpu.memory_space<vmem>>
    %dma_start3A_507 = tpu.memref_slice %arg4[%add3A_501] : memref<8388608xf32, #tpu.memory_space<hbm>> -> memref<1024xf32, #tpu.memory_space<hbm>>
    tpu.enqueue_dma source(%dma_start3A_507 : memref<1024xf32, #tpu.memory_space<hbm>>) target(%dma_start3A_506 : memref<1024xf32, #tpu.memory_space<vmem>>) target_semaphore(%arg14 : memref<!tpu.dma_semaphore, #tpu.memory_space<semaphore_mem>>)
    %add3A_508 = arith.constant 7864320 : i32
    %add3A_509 = arith.addi %add3A_508, %add3A_267 : i32
    %dma_start3A_510 = arith.constant 30720 : i32
    %dma_start3A_511 = tpu.memref_slice %arg7[%dma_start3A_510] : memref<32768xf32, #tpu.memory_space<vmem>> -> memref<1024xf32, #tpu.memory_space<vmem>>
    %dma_start3A_512 = tpu.memref_slice %arg4[%add3A_509] : memref<8388608xf32, #tpu.memory_space<hbm>> -> memref<1024xf32, #tpu.memory_space<hbm>>
    %dma_start3A_513 = arith.constant 30720 : i32
    %dma_start3A_514 = tpu.memref_slice %arg7[%dma_start3A_513] : memref<32768xf32, #tpu.memory_space<vmem>> -> memref<1024xf32, #tpu.memory_space<vmem>>
    %dma_start3A_515 = tpu.memref_slice %arg4[%add3A_509] : memref<8388608xf32, #tpu.memory_space<hbm>> -> memref<1024xf32, #tpu.memory_space<hbm>>
    tpu.enqueue_dma source(%dma_start3A_515 : memref<1024xf32, #tpu.memory_space<hbm>>) target(%dma_start3A_514 : memref<1024xf32, #tpu.memory_space<vmem>>) target_semaphore(%arg14 : memref<!tpu.dma_semaphore, #tpu.memory_space<semaphore_mem>>)
    %add3A_516 = arith.constant 8126464 : i32
    %add3A_517 = arith.addi %add3A_516, %add3A_267 : i32
    %dma_start3A_518 = arith.constant 31744 : i32
    %dma_start3A_519 = tpu.memref_slice %arg7[%dma_start3A_518] : memref<32768xf32, #tpu.memory_space<vmem>> -> memref<1024xf32, #tpu.memory_space<vmem>>
    %dma_start3A_520 = tpu.memref_slice %arg4[%add3A_517] : memref<8388608xf32, #tpu.memory_space<hbm>> -> memref<1024xf32, #tpu.memory_space<hbm>>
    %dma_start3A_521 = arith.constant 31744 : i32
    %dma_start3A_522 = tpu.memref_slice %arg7[%dma_start3A_521] : memref<32768xf32, #tpu.memory_space<vmem>> -> memref<1024xf32, #tpu.memory_space<vmem>>
    %dma_start3A_523 = tpu.memref_slice %arg4[%add3A_517] : memref<8388608xf32, #tpu.memory_space<hbm>> -> memref<1024xf32, #tpu.memory_space<hbm>>
    tpu.enqueue_dma source(%dma_start3A_523 : memref<1024xf32, #tpu.memory_space<hbm>>) target(%dma_start3A_522 : memref<1024xf32, #tpu.memory_space<vmem>>) target_semaphore(%arg14 : memref<!tpu.dma_semaphore, #tpu.memory_space<semaphore_mem>>)
    %dma_start3A_524 = tpu.memref_slice %arg2[%add3A_267] : memref<262144xf32, #tpu.memory_space<hbm>> -> memref<1024xf32, #tpu.memory_space<hbm>>
    %dma_start3A_525 = tpu.memref_slice %arg2[%add3A_267] : memref<262144xf32, #tpu.memory_space<hbm>> -> memref<1024xf32, #tpu.memory_space<hbm>>
    tpu.enqueue_dma source(%dma_start3A_525 : memref<1024xf32, #tpu.memory_space<hbm>>) target(%arg9 : memref<1024xf32, #tpu.memory_space<vmem>>) target_semaphore(%arg14 : memref<!tpu.dma_semaphore, #tpu.memory_space<semaphore_mem>>)
    %dma_start3A_526 = tpu.memref_slice %arg3[%add3A_267] : memref<262144xf32, #tpu.memory_space<hbm>> -> memref<1024xf32, #tpu.memory_space<hbm>>
    %dma_start3A_527 = tpu.memref_slice %arg3[%add3A_267] : memref<262144xf32, #tpu.memory_space<hbm>> -> memref<1024xf32, #tpu.memory_space<hbm>>
    tpu.enqueue_dma source(%dma_start3A_527 : memref<1024xf32, #tpu.memory_space<hbm>>) target(%arg11 : memref<1024xf32, #tpu.memory_space<vmem>>) target_semaphore(%arg14 : memref<!tpu.dma_semaphore, #tpu.memory_space<semaphore_mem>>)
    %add3A_528 = arith.constant 0 : i32
    %add3A_529 = arith.addi %mul3A_2, %add3A_528 : i32
    %dma_wait3A = tpu.memref_slice %arg4[%add3A_529] : memref<8388608xf32, #tpu.memory_space<hbm>> -> memref<32768xf32, #tpu.memory_space<hbm>>
    %dma_wait3A_530 = tpu.memref_slice %arg4[%add3A_529] : memref<8388608xf32, #tpu.memory_space<hbm>> -> memref<32768xf32, #tpu.memory_space<hbm>>
    tpu.wait_dma2 semaphore(%arg13 : memref<!tpu.dma_semaphore, #tpu.memory_space<semaphore_mem>>) src(%dma_wait3A_530 : memref<32768xf32, #tpu.memory_space<hbm>>) dst(%arg6 : memref<32768xf32, #tpu.memory_space<vmem>>)
    %dma_wait3A_531 = tpu.memref_slice %arg2[%add3A_529] : memref<262144xf32, #tpu.memory_space<hbm>> -> memref<1024xf32, #tpu.memory_space<hbm>>
    %dma_wait3A_532 = tpu.memref_slice %arg2[%add3A_529] : memref<262144xf32, #tpu.memory_space<hbm>> -> memref<1024xf32, #tpu.memory_space<hbm>>
    tpu.wait_dma2 semaphore(%arg13 : memref<!tpu.dma_semaphore, #tpu.memory_space<semaphore_mem>>) src(%dma_wait3A_532 : memref<1024xf32, #tpu.memory_space<hbm>>) dst(%arg8 : memref<1024xf32, #tpu.memory_space<vmem>>)
    %dma_wait3A_533 = tpu.memref_slice %arg3[%add3A_529] : memref<262144xf32, #tpu.memory_space<hbm>> -> memref<1024xf32, #tpu.memory_space<hbm>>
    %dma_wait3A_534 = tpu.memref_slice %arg3[%add3A_529] : memref<262144xf32, #tpu.memory_space<hbm>> -> memref<1024xf32, #tpu.memory_space<hbm>>
    tpu.wait_dma2 semaphore(%arg13 : memref<!tpu.dma_semaphore, #tpu.memory_space<semaphore_mem>>) src(%dma_wait3A_534 : memref<1024xf32, #tpu.memory_space<hbm>>) dst(%arg10 : memref<1024xf32, #tpu.memory_space<vmem>>)
    %parallel_loop3A = arith.constant 0 : i32
    %parallel_loop3A_535 = arith.constant 64 : i32
    %parallel_loop3A_536 = arith.constant 1 : i32
    scf.for %parallel_loop3A_550 = %parallel_loop3A to %parallel_loop3A_535 step %parallel_loop3A_536  : i32 {
      %parallel_loop3A_551 = arith.constant 16 : i32
      %parallel_loop3A_552 = arith.muli %parallel_loop3A_550, %parallel_loop3A_551 : i32
      %parallel_loop3A_553 = arith.constant 0 : i32
      %parallel_loop3A_554 = arith.addi %parallel_loop3A_553, %parallel_loop3A_552 : i32
      %parallel_loop3A_555 = arith.index_cast %parallel_loop3A_554 : i32 to index
      %parallel_loop3A_556 = tpu.vector_load %arg6[%parallel_loop3A_555] {strides = array<i32>} : memref<32768xf32, #tpu.memory_space<vmem>>, vector<16xf32>,
      %parallel_loop3A_557 = vector.shape_cast %parallel_loop3A_556 : vector<16xf32> to vector<16xf32>
      %parallel_loop3A_558 = arith.mulf %parallel_loop3A_557, %parallel_loop3A_557 : vector<16xf32>
      %parallel_loop3A_559 = arith.constant 1024 : i32
      %parallel_loop3A_560 = arith.addi %parallel_loop3A_559, %parallel_loop3A_552 : i32
      %parallel_loop3A_561 = arith.index_cast %parallel_loop3A_560 : i32 to index
      %parallel_loop3A_562 = tpu.vector_load %arg6[%parallel_loop3A_561] {strides = array<i32>} : memref<32768xf32, #tpu.memory_space<vmem>>, vector<16xf32>,
      %parallel_loop3A_563 = vector.shape_cast %parallel_loop3A_562 : vector<16xf32> to vector<16xf32>
      %parallel_loop3A_564 = arith.mulf %parallel_loop3A_563, %parallel_loop3A_563 : vector<16xf32>
      %parallel_loop3A_565 = arith.cmpf olt, %parallel_loop3A_564, %parallel_loop3A_558 : vector<16xf32>
      %parallel_loop3A_566 = arith.select %parallel_loop3A_565, %parallel_loop3A_563, %parallel_loop3A_557 : vector<16xi1>, vector<16xf32>
      %parallel_loop3A_567 = arith.minimumf %parallel_loop3A_558, %parallel_loop3A_564 : vector<16xf32>
      %parallel_loop3A_568 = arith.constant 2048 : i32
      %parallel_loop3A_569 = arith.addi %parallel_loop3A_568, %parallel_loop3A_552 : i32
      %parallel_loop3A_570 = arith.index_cast %parallel_loop3A_569 : i32 to index
      %parallel_loop3A_571 = tpu.vector_load %arg6[%parallel_loop3A_570] {strides = array<i32>} : memref<32768xf32, #tpu.memory_space<vmem>>, vector<16xf32>,
      %parallel_loop3A_572 = vector.shape_cast %parallel_loop3A_571 : vector<16xf32> to vector<16xf32>
      %parallel_loop3A_573 = arith.mulf %parallel_loop3A_572, %parallel_loop3A_572 : vector<16xf32>
      %parallel_loop3A_574 = arith.cmpf olt, %parallel_loop3A_573, %parallel_loop3A_567 : vector<16xf32>
      %parallel_loop3A_575 = arith.select %parallel_loop3A_574, %parallel_loop3A_572, %parallel_loop3A_566 : vector<16xi1>, vector<16xf32>
      %parallel_loop3A_576 = arith.minimumf %parallel_loop3A_567, %parallel_loop3A_573 : vector<16xf32>
      %parallel_loop3A_577 = arith.constant 3072 : i32
      %parallel_loop3A_578 = arith.addi %parallel_loop3A_577, %parallel_loop3A_552 : i32
      %parallel_loop3A_579 = arith.index_cast %parallel_loop3A_578 : i32 to index
      %parallel_loop3A_580 = tpu.vector_load %arg6[%parallel_loop3A_579] {strides = array<i32>} : memref<32768xf32, #tpu.memory_space<vmem>>, vector<16xf32>,
      %parallel_loop3A_581 = vector.shape_cast %parallel_loop3A_580 : vector<16xf32> to vector<16xf32>
      %parallel_loop3A_582 = arith.mulf %parallel_loop3A_581, %parallel_loop3A_581 : vector<16xf32>
      %parallel_loop3A_583 = arith.cmpf olt, %parallel_loop3A_582, %parallel_loop3A_576 : vector<16xf32>
      %parallel_loop3A_584 = arith.select %parallel_loop3A_583, %parallel_loop3A_581, %parallel_loop3A_575 : vector<16xi1>, vector<16xf32>
      %parallel_loop3A_585 = arith.minimumf %parallel_loop3A_576, %parallel_loop3A_582 : vector<16xf32>
      %parallel_loop3A_586 = arith.constant 4096 : i32
      %parallel_loop3A_587 = arith.addi %parallel_loop3A_586, %parallel_loop3A_552 : i32
      %parallel_loop3A_588 = arith.index_cast %parallel_loop3A_587 : i32 to index
      %parallel_loop3A_589 = tpu.vector_load %arg6[%parallel_loop3A_588] {strides = array<i32>} : memref<32768xf32, #tpu.memory_space<vmem>>, vector<16xf32>,
      %parallel_loop3A_590 = vector.shape_cast %parallel_loop3A_589 : vector<16xf32> to vector<16xf32>
      %parallel_loop3A_591 = arith.mulf %parallel_loop3A_590, %parallel_loop3A_590 : vector<16xf32>
      %parallel_loop3A_592 = arith.cmpf olt, %parallel_loop3A_591, %parallel_loop3A_585 : vector<16xf32>
      %parallel_loop3A_593 = arith.select %parallel_loop3A_592, %parallel_loop3A_590, %parallel_loop3A_584 : vector<16xi1>, vector<16xf32>
      %parallel_loop3A_594 = arith.minimumf %parallel_loop3A_585, %parallel_loop3A_591 : vector<16xf32>
      %parallel_loop3A_595 = arith.constant 5120 : i32
      %parallel_loop3A_596 = arith.addi %parallel_loop3A_595, %parallel_loop3A_552 : i32
      %parallel_loop3A_597 = arith.index_cast %parallel_loop3A_596 : i32 to index
      %parallel_loop3A_598 = tpu.vector_load %arg6[%parallel_loop3A_597] {strides = array<i32>} : memref<32768xf32, #tpu.memory_space<vmem>>, vector<16xf32>,
      %parallel_loop3A_599 = vector.shape_cast %parallel_loop3A_598 : vector<16xf32> to vector<16xf32>
      %parallel_loop3A_600 = arith.mulf %parallel_loop3A_599, %parallel_loop3A_599 : vector<16xf32>
      %parallel_loop3A_601 = arith.cmpf olt, %parallel_loop3A_600, %parallel_loop3A_594 : vector<16xf32>
      %parallel_loop3A_602 = arith.select %parallel_loop3A_601, %parallel_loop3A_599, %parallel_loop3A_593 : vector<16xi1>, vector<16xf32>
      %parallel_loop3A_603 = arith.minimumf %parallel_loop3A_594, %parallel_loop3A_600 : vector<16xf32>
      %parallel_loop3A_604 = arith.constant 6144 : i32
      %parallel_loop3A_605 = arith.addi %parallel_loop3A_604, %parallel_loop3A_552 : i32
      %parallel_loop3A_606 = arith.index_cast %parallel_loop3A_605 : i32 to index
      %parallel_loop3A_607 = tpu.vector_load %arg6[%parallel_loop3A_606] {strides = array<i32>} : memref<32768xf32, #tpu.memory_space<vmem>>, vector<16xf32>,
      %parallel_loop3A_608 = vector.shape_cast %parallel_loop3A_607 : vector<16xf32> to vector<16xf32>
      %parallel_loop3A_609 = arith.mulf %parallel_loop3A_608, %parallel_loop3A_608 : vector<16xf32>
      %parallel_loop3A_610 = arith.cmpf olt, %parallel_loop3A_609, %parallel_loop3A_603 : vector<16xf32>
      %parallel_loop3A_611 = arith.select %parallel_loop3A_610, %parallel_loop3A_608, %parallel_loop3A_602 : vector<16xi1>, vector<16xf32>
      %parallel_loop3A_612 = arith.minimumf %parallel_loop3A_603, %parallel_loop3A_609 : vector<16xf32>
      %parallel_loop3A_613 = arith.constant 7168 : i32
      %parallel_loop3A_614 = arith.addi %parallel_loop3A_613, %parallel_loop3A_552 : i32
      %parallel_loop3A_615 = arith.index_cast %parallel_loop3A_614 : i32 to index
      %parallel_loop3A_616 = tpu.vector_load %arg6[%parallel_loop3A_615] {strides = array<i32>} : memref<32768xf32, #tpu.memory_space<vmem>>, vector<16xf32>,
      %parallel_loop3A_617 = vector.shape_cast %parallel_loop3A_616 : vector<16xf32> to vector<16xf32>
      %parallel_loop3A_618 = arith.mulf %parallel_loop3A_617, %parallel_loop3A_617 : vector<16xf32>
      %parallel_loop3A_619 = arith.cmpf olt, %parallel_loop3A_618, %parallel_loop3A_612 : vector<16xf32>
      %parallel_loop3A_620 = arith.select %parallel_loop3A_619, %parallel_loop3A_617, %parallel_loop3A_611 : vector<16xi1>, vector<16xf32>
      %parallel_loop3A_621 = arith.minimumf %parallel_loop3A_612, %parallel_loop3A_618 : vector<16xf32>
      %parallel_loop3A_622 = arith.constant 8192 : i32
      %parallel_loop3A_623 = arith.addi %parallel_loop3A_622, %parallel_loop3A_552 : i32
      %parallel_loop3A_624 = arith.index_cast %parallel_loop3A_623 : i32 to index
      %parallel_loop3A_625 = tpu.vector_load %arg6[%parallel_loop3A_624] {strides = array<i32>} : memref<32768xf32, #tpu.memory_space<vmem>>, vector<16xf32>,
      %parallel_loop3A_626 = vector.shape_cast %parallel_loop3A_625 : vector<16xf32> to vector<16xf32>
      %parallel_loop3A_627 = arith.mulf %parallel_loop3A_626, %parallel_loop3A_626 : vector<16xf32>
      %parallel_loop3A_628 = arith.constant 9216 : i32
      %parallel_loop3A_629 = arith.addi %parallel_loop3A_628, %parallel_loop3A_552 : i32
      %parallel_loop3A_630 = arith.index_cast %parallel_loop3A_629 : i32 to index
      %parallel_loop3A_631 = tpu.vector_load %arg6[%parallel_loop3A_630] {strides = array<i32>} : memref<32768xf32, #tpu.memory_space<vmem>>, vector<16xf32>,
      %parallel_loop3A_632 = vector.shape_cast %parallel_loop3A_631 : vector<16xf32> to vector<16xf32>
      %parallel_loop3A_633 = arith.mulf %parallel_loop3A_632, %parallel_loop3A_632 : vector<16xf32>
      %parallel_loop3A_634 = arith.cmpf olt, %parallel_loop3A_633, %parallel_loop3A_627 : vector<16xf32>
      %parallel_loop3A_635 = arith.select %parallel_loop3A_634, %parallel_loop3A_632, %parallel_loop3A_626 : vector<16xi1>, vector<16xf32>
      %parallel_loop3A_636 = arith.minimumf %parallel_loop3A_627, %parallel_loop3A_633 : vector<16xf32>
      %parallel_loop3A_637 = arith.constant 10240 : i32
      %parallel_loop3A_638 = arith.addi %parallel_loop3A_637, %parallel_loop3A_552 : i32
      %parallel_loop3A_639 = arith.index_cast %parallel_loop3A_638 : i32 to index
      %parallel_loop3A_640 = tpu.vector_load %arg6[%parallel_loop3A_639] {strides = array<i32>} : memref<32768xf32, #tpu.memory_space<vmem>>, vector<16xf32>,
      %parallel_loop3A_641 = vector.shape_cast %parallel_loop3A_640 : vector<16xf32> to vector<16xf32>
      %parallel_loop3A_642 = arith.mulf %parallel_loop3A_641, %parallel_loop3A_641 : vector<16xf32>
      %parallel_loop3A_643 = arith.cmpf olt, %parallel_loop3A_642, %parallel_loop3A_636 : vector<16xf32>
      %parallel_loop3A_644 = arith.select %parallel_loop3A_643, %parallel_loop3A_641, %parallel_loop3A_635 : vector<16xi1>, vector<16xf32>
      %parallel_loop3A_645 = arith.minimumf %parallel_loop3A_636, %parallel_loop3A_642 : vector<16xf32>
      %parallel_loop3A_646 = arith.constant 11264 : i32
      %parallel_loop3A_647 = arith.addi %parallel_loop3A_646, %parallel_loop3A_552 : i32
      %parallel_loop3A_648 = arith.index_cast %parallel_loop3A_647 : i32 to index
      %parallel_loop3A_649 = tpu.vector_load %arg6[%parallel_loop3A_648] {strides = array<i32>} : memref<32768xf32, #tpu.memory_space<vmem>>, vector<16xf32>,
      %parallel_loop3A_650 = vector.shape_cast %parallel_loop3A_649 : vector<16xf32> to vector<16xf32>
      %parallel_loop3A_651 = arith.mulf %parallel_loop3A_650, %parallel_loop3A_650 : vector<16xf32>
      %parallel_loop3A_652 = arith.cmpf olt, %parallel_loop3A_651, %parallel_loop3A_645 : vector<16xf32>
      %parallel_loop3A_653 = arith.select %parallel_loop3A_652, %parallel_loop3A_650, %parallel_loop3A_644 : vector<16xi1>, vector<16xf32>
      %parallel_loop3A_654 = arith.minimumf %parallel_loop3A_645, %parallel_loop3A_651 : vector<16xf32>
      %parallel_loop3A_655 = arith.constant 12288 : i32
      %parallel_loop3A_656 = arith.addi %parallel_loop3A_655, %parallel_loop3A_552 : i32
      %parallel_loop3A_657 = arith.index_cast %parallel_loop3A_656 : i32 to index
      %parallel_loop3A_658 = tpu.vector_load %arg6[%parallel_loop3A_657] {strides = array<i32>} : memref<32768xf32, #tpu.memory_space<vmem>>, vector<16xf32>,
      %parallel_loop3A_659 = vector.shape_cast %parallel_loop3A_658 : vector<16xf32> to vector<16xf32>
      %parallel_loop3A_660 = arith.mulf %parallel_loop3A_659, %parallel_loop3A_659 : vector<16xf32>
      %parallel_loop3A_661 = arith.cmpf olt, %parallel_loop3A_660, %parallel_loop3A_654 : vector<16xf32>
      %parallel_loop3A_662 = arith.select %parallel_loop3A_661, %parallel_loop3A_659, %parallel_loop3A_653 : vector<16xi1>, vector<16xf32>
      %parallel_loop3A_663 = arith.minimumf %parallel_loop3A_654, %parallel_loop3A_660 : vector<16xf32>
      %parallel_loop3A_664 = arith.constant 13312 : i32
      %parallel_loop3A_665 = arith.addi %parallel_loop3A_664, %parallel_loop3A_552 : i32
      %parallel_loop3A_666 = arith.index_cast %parallel_loop3A_665 : i32 to index
      %parallel_loop3A_667 = tpu.vector_load %arg6[%parallel_loop3A_666] {strides = array<i32>} : memref<32768xf32, #tpu.memory_space<vmem>>, vector<16xf32>,
      %parallel_loop3A_668 = vector.shape_cast %parallel_loop3A_667 : vector<16xf32> to vector<16xf32>
      %parallel_loop3A_669 = arith.mulf %parallel_loop3A_668, %parallel_loop3A_668 : vector<16xf32>
      %parallel_loop3A_670 = arith.cmpf olt, %parallel_loop3A_669, %parallel_loop3A_663 : vector<16xf32>
      %parallel_loop3A_671 = arith.select %parallel_loop3A_670, %parallel_loop3A_668, %parallel_loop3A_662 : vector<16xi1>, vector<16xf32>
      %parallel_loop3A_672 = arith.minimumf %parallel_loop3A_663, %parallel_loop3A_669 : vector<16xf32>
      %parallel_loop3A_673 = arith.constant 14336 : i32
      %parallel_loop3A_674 = arith.addi %parallel_loop3A_673, %parallel_loop3A_552 : i32
      %parallel_loop3A_675 = arith.index_cast %parallel_loop3A_674 : i32 to index
      %parallel_loop3A_676 = tpu.vector_load %arg6[%parallel_loop3A_675] {strides = array<i32>} : memref<32768xf32, #tpu.memory_space<vmem>>, vector<16xf32>,
      %parallel_loop3A_677 = vector.shape_cast %parallel_loop3A_676 : vector<16xf32> to vector<16xf32>
      %parallel_loop3A_678 = arith.mulf %parallel_loop3A_677, %parallel_loop3A_677 : vector<16xf32>
      %parallel_loop3A_679 = arith.cmpf olt, %parallel_loop3A_678, %parallel_loop3A_672 : vector<16xf32>
      %parallel_loop3A_680 = arith.select %parallel_loop3A_679, %parallel_loop3A_677, %parallel_loop3A_671 : vector<16xi1>, vector<16xf32>
      %parallel_loop3A_681 = arith.minimumf %parallel_loop3A_672, %parallel_loop3A_678 : vector<16xf32>
      %parallel_loop3A_682 = arith.constant 15360 : i32
      %parallel_loop3A_683 = arith.addi %parallel_loop3A_682, %parallel_loop3A_552 : i32
      %parallel_loop3A_684 = arith.index_cast %parallel_loop3A_683 : i32 to index
      %parallel_loop3A_685 = tpu.vector_load %arg6[%parallel_loop3A_684] {strides = array<i32>} : memref<32768xf32, #tpu.memory_space<vmem>>, vector<16xf32>,
      %parallel_loop3A_686 = vector.shape_cast %parallel_loop3A_685 : vector<16xf32> to vector<16xf32>
      %parallel_loop3A_687 = arith.mulf %parallel_loop3A_686, %parallel_loop3A_686 : vector<16xf32>
      %parallel_loop3A_688 = arith.cmpf olt, %parallel_loop3A_687, %parallel_loop3A_681 : vector<16xf32>
      %parallel_loop3A_689 = arith.select %parallel_loop3A_688, %parallel_loop3A_686, %parallel_loop3A_680 : vector<16xi1>, vector<16xf32>
      %parallel_loop3A_690 = arith.minimumf %parallel_loop3A_681, %parallel_loop3A_687 : vector<16xf32>
      %parallel_loop3A_691 = arith.constant 16384 : i32
      %parallel_loop3A_692 = arith.addi %parallel_loop3A_691, %parallel_loop3A_552 : i32
      %parallel_loop3A_693 = arith.index_cast %parallel_loop3A_692 : i32 to index
      %parallel_loop3A_694 = tpu.vector_load %arg6[%parallel_loop3A_693] {strides = array<i32>} : memref<32768xf32, #tpu.memory_space<vmem>>, vector<16xf32>,
      %parallel_loop3A_695 = vector.shape_cast %parallel_loop3A_694 : vector<16xf32> to vector<16xf32>
      %parallel_loop3A_696 = arith.mulf %parallel_loop3A_695, %parallel_loop3A_695 : vector<16xf32>
      %parallel_loop3A_697 = arith.constant 17408 : i32
      %parallel_loop3A_698 = arith.addi %parallel_loop3A_697, %parallel_loop3A_552 : i32
      %parallel_loop3A_699 = arith.index_cast %parallel_loop3A_698 : i32 to index
      %parallel_loop3A_700 = tpu.vector_load %arg6[%parallel_loop3A_699] {strides = array<i32>} : memref<32768xf32, #tpu.memory_space<vmem>>, vector<16xf32>,
      %parallel_loop3A_701 = vector.shape_cast %parallel_loop3A_700 : vector<16xf32> to vector<16xf32>
      %parallel_loop3A_702 = arith.mulf %parallel_loop3A_701, %parallel_loop3A_701 : vector<16xf32>
      %parallel_loop3A_703 = arith.cmpf olt, %parallel_loop3A_702, %parallel_loop3A_696 : vector<16xf32>
      %parallel_loop3A_704 = arith.select %parallel_loop3A_703, %parallel_loop3A_701, %parallel_loop3A_695 : vector<16xi1>, vector<16xf32>
      %parallel_loop3A_705 = arith.minimumf %parallel_loop3A_696, %parallel_loop3A_702 : vector<16xf32>
      %parallel_loop3A_706 = arith.constant 18432 : i32
      %parallel_loop3A_707 = arith.addi %parallel_loop3A_706, %parallel_loop3A_552 : i32
      %parallel_loop3A_708 = arith.index_cast %parallel_loop3A_707 : i32 to index
      %parallel_loop3A_709 = tpu.vector_load %arg6[%parallel_loop3A_708] {strides = array<i32>} : memref<32768xf32, #tpu.memory_space<vmem>>, vector<16xf32>,
      %parallel_loop3A_710 = vector.shape_cast %parallel_loop3A_709 : vector<16xf32> to vector<16xf32>
      %parallel_loop3A_711 = arith.mulf %parallel_loop3A_710, %parallel_loop3A_710 : vector<16xf32>
      %parallel_loop3A_712 = arith.cmpf olt, %parallel_loop3A_711, %parallel_loop3A_705 : vector<16xf32>
      %parallel_loop3A_713 = arith.select %parallel_loop3A_712, %parallel_loop3A_710, %parallel_loop3A_704 : vector<16xi1>, vector<16xf32>
      %parallel_loop3A_714 = arith.minimumf %parallel_loop3A_705, %parallel_loop3A_711 : vector<16xf32>
      %parallel_loop3A_715 = arith.constant 19456 : i32
      %parallel_loop3A_716 = arith.addi %parallel_loop3A_715, %parallel_loop3A_552 : i32
      %parallel_loop3A_717 = arith.index_cast %parallel_loop3A_716 : i32 to index
      %parallel_loop3A_718 = tpu.vector_load %arg6[%parallel_loop3A_717] {strides = array<i32>} : memref<32768xf32, #tpu.memory_space<vmem>>, vector<16xf32>,
      %parallel_loop3A_719 = vector.shape_cast %parallel_loop3A_718 : vector<16xf32> to vector<16xf32>
      %parallel_loop3A_720 = arith.mulf %parallel_loop3A_719, %parallel_loop3A_719 : vector<16xf32>
      %parallel_loop3A_721 = arith.cmpf olt, %parallel_loop3A_720, %parallel_loop3A_714 : vector<16xf32>
      %parallel_loop3A_722 = arith.select %parallel_loop3A_721, %parallel_loop3A_719, %parallel_loop3A_713 : vector<16xi1>, vector<16xf32>
      %parallel_loop3A_723 = arith.minimumf %parallel_loop3A_714, %parallel_loop3A_720 : vector<16xf32>
      %parallel_loop3A_724 = arith.constant 20480 : i32
      %parallel_loop3A_725 = arith.addi %parallel_loop3A_724, %parallel_loop3A_552 : i32
      %parallel_loop3A_726 = arith.index_cast %parallel_loop3A_725 : i32 to index
      %parallel_loop3A_727 = tpu.vector_load %arg6[%parallel_loop3A_726] {strides = array<i32>} : memref<32768xf32, #tpu.memory_space<vmem>>, vector<16xf32>,
      %parallel_loop3A_728 = vector.shape_cast %parallel_loop3A_727 : vector<16xf32> to vector<16xf32>
      %parallel_loop3A_729 = arith.mulf %parallel_loop3A_728, %parallel_loop3A_728 : vector<16xf32>
      %parallel_loop3A_730 = arith.cmpf olt, %parallel_loop3A_729, %parallel_loop3A_723 : vector<16xf32>
      %parallel_loop3A_731 = arith.select %parallel_loop3A_730, %parallel_loop3A_728, %parallel_loop3A_722 : vector<16xi1>, vector<16xf32>
      %parallel_loop3A_732 = arith.minimumf %parallel_loop3A_723, %parallel_loop3A_729 : vector<16xf32>
      %parallel_loop3A_733 = arith.constant 21504 : i32
      %parallel_loop3A_734 = arith.addi %parallel_loop3A_733, %parallel_loop3A_552 : i32
      %parallel_loop3A_735 = arith.index_cast %parallel_loop3A_734 : i32 to index
      %parallel_loop3A_736 = tpu.vector_load %arg6[%parallel_loop3A_735] {strides = array<i32>} : memref<32768xf32, #tpu.memory_space<vmem>>, vector<16xf32>,
      %parallel_loop3A_737 = vector.shape_cast %parallel_loop3A_736 : vector<16xf32> to vector<16xf32>
      %parallel_loop3A_738 = arith.mulf %parallel_loop3A_737, %parallel_loop3A_737 : vector<16xf32>
      %parallel_loop3A_739 = arith.cmpf olt, %parallel_loop3A_738, %parallel_loop3A_732 : vector<16xf32>
      %parallel_loop3A_740 = arith.select %parallel_loop3A_739, %parallel_loop3A_737, %parallel_loop3A_731 : vector<16xi1>, vector<16xf32>
      %parallel_loop3A_741 = arith.minimumf %parallel_loop3A_732, %parallel_loop3A_738 : vector<16xf32>
      %parallel_loop3A_742 = arith.constant 22528 : i32
      %parallel_loop3A_743 = arith.addi %parallel_loop3A_742, %parallel_loop3A_552 : i32
      %parallel_loop3A_744 = arith.index_cast %parallel_loop3A_743 : i32 to index
      %parallel_loop3A_745 = tpu.vector_load %arg6[%parallel_loop3A_744] {strides = array<i32>} : memref<32768xf32, #tpu.memory_space<vmem>>, vector<16xf32>,
      %parallel_loop3A_746 = vector.shape_cast %parallel_loop3A_745 : vector<16xf32> to vector<16xf32>
      %parallel_loop3A_747 = arith.mulf %parallel_loop3A_746, %parallel_loop3A_746 : vector<16xf32>
      %parallel_loop3A_748 = arith.cmpf olt, %parallel_loop3A_747, %parallel_loop3A_741 : vector<16xf32>
      %parallel_loop3A_749 = arith.select %parallel_loop3A_748, %parallel_loop3A_746, %parallel_loop3A_740 : vector<16xi1>, vector<16xf32>
      %parallel_loop3A_750 = arith.minimumf %parallel_loop3A_741, %parallel_loop3A_747 : vector<16xf32>
      %parallel_loop3A_751 = arith.constant 23552 : i32
      %parallel_loop3A_752 = arith.addi %parallel_loop3A_751, %parallel_loop3A_552 : i32
      %parallel_loop3A_753 = arith.index_cast %parallel_loop3A_752 : i32 to index
      %parallel_loop3A_754 = tpu.vector_load %arg6[%parallel_loop3A_753] {strides = array<i32>} : memref<32768xf32, #tpu.memory_space<vmem>>, vector<16xf32>,
      %parallel_loop3A_755 = vector.shape_cast %parallel_loop3A_754 : vector<16xf32> to vector<16xf32>
      %parallel_loop3A_756 = arith.mulf %parallel_loop3A_755, %parallel_loop3A_755 : vector<16xf32>
      %parallel_loop3A_757 = arith.cmpf olt, %parallel_loop3A_756, %parallel_loop3A_750 : vector<16xf32>
      %parallel_loop3A_758 = arith.select %parallel_loop3A_757, %parallel_loop3A_755, %parallel_loop3A_749 : vector<16xi1>, vector<16xf32>
      %parallel_loop3A_759 = arith.minimumf %parallel_loop3A_750, %parallel_loop3A_756 : vector<16xf32>
      %parallel_loop3A_760 = arith.constant 24576 : i32
      %parallel_loop3A_761 = arith.addi %parallel_loop3A_760, %parallel_loop3A_552 : i32
      %parallel_loop3A_762 = arith.index_cast %parallel_loop3A_761 : i32 to index
      %parallel_loop3A_763 = tpu.vector_load %arg6[%parallel_loop3A_762] {strides = array<i32>} : memref<32768xf32, #tpu.memory_space<vmem>>, vector<16xf32>,
      %parallel_loop3A_764 = vector.shape_cast %parallel_loop3A_763 : vector<16xf32> to vector<16xf32>
      %parallel_loop3A_765 = arith.mulf %parallel_loop3A_764, %parallel_loop3A_764 : vector<16xf32>
      %parallel_loop3A_766 = arith.constant 25600 : i32
      %parallel_loop3A_767 = arith.addi %parallel_loop3A_766, %parallel_loop3A_552 : i32
      %parallel_loop3A_768 = arith.index_cast %parallel_loop3A_767 : i32 to index
      %parallel_loop3A_769 = tpu.vector_load %arg6[%parallel_loop3A_768] {strides = array<i32>} : memref<32768xf32, #tpu.memory_space<vmem>>, vector<16xf32>,
      %parallel_loop3A_770 = vector.shape_cast %parallel_loop3A_769 : vector<16xf32> to vector<16xf32>
      %parallel_loop3A_771 = arith.mulf %parallel_loop3A_770, %parallel_loop3A_770 : vector<16xf32>
      %parallel_loop3A_772 = arith.cmpf olt, %parallel_loop3A_771, %parallel_loop3A_765 : vector<16xf32>
      %parallel_loop3A_773 = arith.select %parallel_loop3A_772, %parallel_loop3A_770, %parallel_loop3A_764 : vector<16xi1>, vector<16xf32>
      %parallel_loop3A_774 = arith.minimumf %parallel_loop3A_765, %parallel_loop3A_771 : vector<16xf32>
      %parallel_loop3A_775 = arith.constant 26624 : i32
      %parallel_loop3A_776 = arith.addi %parallel_loop3A_775, %parallel_loop3A_552 : i32
      %parallel_loop3A_777 = arith.index_cast %parallel_loop3A_776 : i32 to index
      %parallel_loop3A_778 = tpu.vector_load %arg6[%parallel_loop3A_777] {strides = array<i32>} : memref<32768xf32, #tpu.memory_space<vmem>>, vector<16xf32>,
      %parallel_loop3A_779 = vector.shape_cast %parallel_loop3A_778 : vector<16xf32> to vector<16xf32>
      %parallel_loop3A_780 = arith.mulf %parallel_loop3A_779, %parallel_loop3A_779 : vector<16xf32>
      %parallel_loop3A_781 = arith.cmpf olt, %parallel_loop3A_780, %parallel_loop3A_774 : vector<16xf32>
      %parallel_loop3A_782 = arith.select %parallel_loop3A_781, %parallel_loop3A_779, %parallel_loop3A_773 : vector<16xi1>, vector<16xf32>
      %parallel_loop3A_783 = arith.minimumf %parallel_loop3A_774, %parallel_loop3A_780 : vector<16xf32>
      %parallel_loop3A_784 = arith.constant 27648 : i32
      %parallel_loop3A_785 = arith.addi %parallel_loop3A_784, %parallel_loop3A_552 : i32
      %parallel_loop3A_786 = arith.index_cast %parallel_loop3A_785 : i32 to index
      %parallel_loop3A_787 = tpu.vector_load %arg6[%parallel_loop3A_786] {strides = array<i32>} : memref<32768xf32, #tpu.memory_space<vmem>>, vector<16xf32>,
      %parallel_loop3A_788 = vector.shape_cast %parallel_loop3A_787 : vector<16xf32> to vector<16xf32>
      %parallel_loop3A_789 = arith.mulf %parallel_loop3A_788, %parallel_loop3A_788 : vector<16xf32>
      %parallel_loop3A_790 = arith.cmpf olt, %parallel_loop3A_789, %parallel_loop3A_783 : vector<16xf32>
      %parallel_loop3A_791 = arith.select %parallel_loop3A_790, %parallel_loop3A_788, %parallel_loop3A_782 : vector<16xi1>, vector<16xf32>
      %parallel_loop3A_792 = arith.minimumf %parallel_loop3A_783, %parallel_loop3A_789 : vector<16xf32>
      %parallel_loop3A_793 = arith.constant 28672 : i32
      %parallel_loop3A_794 = arith.addi %parallel_loop3A_793, %parallel_loop3A_552 : i32
      %parallel_loop3A_795 = arith.index_cast %parallel_loop3A_794 : i32 to index
      %parallel_loop3A_796 = tpu.vector_load %arg6[%parallel_loop3A_795] {strides = array<i32>} : memref<32768xf32, #tpu.memory_space<vmem>>, vector<16xf32>,
      %parallel_loop3A_797 = vector.shape_cast %parallel_loop3A_796 : vector<16xf32> to vector<16xf32>
      %parallel_loop3A_798 = arith.mulf %parallel_loop3A_797, %parallel_loop3A_797 : vector<16xf32>
      %parallel_loop3A_799 = arith.cmpf olt, %parallel_loop3A_798, %parallel_loop3A_792 : vector<16xf32>
      %parallel_loop3A_800 = arith.select %parallel_loop3A_799, %parallel_loop3A_797, %parallel_loop3A_791 : vector<16xi1>, vector<16xf32>
      %parallel_loop3A_801 = arith.minimumf %parallel_loop3A_792, %parallel_loop3A_798 : vector<16xf32>
      %parallel_loop3A_802 = arith.constant 29696 : i32
      %parallel_loop3A_803 = arith.addi %parallel_loop3A_802, %parallel_loop3A_552 : i32
      %parallel_loop3A_804 = arith.index_cast %parallel_loop3A_803 : i32 to index
      %parallel_loop3A_805 = tpu.vector_load %arg6[%parallel_loop3A_804] {strides = array<i32>} : memref<32768xf32, #tpu.memory_space<vmem>>, vector<16xf32>,
      %parallel_loop3A_806 = vector.shape_cast %parallel_loop3A_805 : vector<16xf32> to vector<16xf32>
      %parallel_loop3A_807 = arith.mulf %parallel_loop3A_806, %parallel_loop3A_806 : vector<16xf32>
      %parallel_loop3A_808 = arith.cmpf olt, %parallel_loop3A_807, %parallel_loop3A_801 : vector<16xf32>
      %parallel_loop3A_809 = arith.select %parallel_loop3A_808, %parallel_loop3A_806, %parallel_loop3A_800 : vector<16xi1>, vector<16xf32>
      %parallel_loop3A_810 = arith.minimumf %parallel_loop3A_801, %parallel_loop3A_807 : vector<16xf32>
      %parallel_loop3A_811 = arith.constant 30720 : i32
      %parallel_loop3A_812 = arith.addi %parallel_loop3A_811, %parallel_loop3A_552 : i32
      %parallel_loop3A_813 = arith.index_cast %parallel_loop3A_812 : i32 to index
      %parallel_loop3A_814 = tpu.vector_load %arg6[%parallel_loop3A_813] {strides = array<i32>} : memref<32768xf32, #tpu.memory_space<vmem>>, vector<16xf32>,
      %parallel_loop3A_815 = vector.shape_cast %parallel_loop3A_814 : vector<16xf32> to vector<16xf32>
      %parallel_loop3A_816 = arith.mulf %parallel_loop3A_815, %parallel_loop3A_815 : vector<16xf32>
      %parallel_loop3A_817 = arith.cmpf olt, %parallel_loop3A_816, %parallel_loop3A_810 : vector<16xf32>
      %parallel_loop3A_818 = arith.select %parallel_loop3A_817, %parallel_loop3A_815, %parallel_loop3A_809 : vector<16xi1>, vector<16xf32>
      %parallel_loop3A_819 = arith.minimumf %parallel_loop3A_810, %parallel_loop3A_816 : vector<16xf32>
      %parallel_loop3A_820 = arith.constant 31744 : i32
      %parallel_loop3A_821 = arith.addi %parallel_loop3A_820, %parallel_loop3A_552 : i32
      %parallel_loop3A_822 = arith.index_cast %parallel_loop3A_821 : i32 to index
      %parallel_loop3A_823 = tpu.vector_load %arg6[%parallel_loop3A_822] {strides = array<i32>} : memref<32768xf32, #tpu.memory_space<vmem>>, vector<16xf32>,
      %parallel_loop3A_824 = vector.shape_cast %parallel_loop3A_823 : vector<16xf32> to vector<16xf32>
      %parallel_loop3A_825 = arith.mulf %parallel_loop3A_824, %parallel_loop3A_824 : vector<16xf32>
      %parallel_loop3A_826 = arith.cmpf olt, %parallel_loop3A_825, %parallel_loop3A_819 : vector<16xf32>
      %parallel_loop3A_827 = arith.select %parallel_loop3A_826, %parallel_loop3A_824, %parallel_loop3A_818 : vector<16xi1>, vector<16xf32>
      %parallel_loop3A_828 = arith.minimumf %parallel_loop3A_819, %parallel_loop3A_825 : vector<16xf32>
      %parallel_loop3A_829 = arith.cmpf olt, %parallel_loop3A_690, %parallel_loop3A_621 : vector<16xf32>
      %parallel_loop3A_830 = arith.select %parallel_loop3A_829, %parallel_loop3A_689, %parallel_loop3A_620 : vector<16xi1>, vector<16xf32>
      %parallel_loop3A_831 = arith.minimumf %parallel_loop3A_690, %parallel_loop3A_621 : vector<16xf32>
      %parallel_loop3A_832 = arith.cmpf olt, %parallel_loop3A_759, %parallel_loop3A_831 : vector<16xf32>
      %parallel_loop3A_833 = arith.select %parallel_loop3A_832, %parallel_loop3A_758, %parallel_loop3A_830 : vector<16xi1>, vector<16xf32>
      %parallel_loop3A_834 = arith.minimumf %parallel_loop3A_759, %parallel_loop3A_831 : vector<16xf32>
      %parallel_loop3A_835 = arith.cmpf olt, %parallel_loop3A_828, %parallel_loop3A_834 : vector<16xf32>
      %parallel_loop3A_836 = arith.select %parallel_loop3A_835, %parallel_loop3A_827, %parallel_loop3A_833 : vector<16xi1>, vector<16xf32>
      %parallel_loop3A_837 = arith.minimumf %parallel_loop3A_828, %parallel_loop3A_834 : vector<16xf32>
      %parallel_loop3A_838 = arith.index_cast %parallel_loop3A_552 : i32 to index
      %parallel_loop3A_839 = tpu.vector_load %arg8[%parallel_loop3A_838] {strides = array<i32>} : memref<1024xf32, #tpu.memory_space<vmem>>, vector<16xf32>,
      %parallel_loop3A_840 = vector.shape_cast %parallel_loop3A_839 : vector<16xf32> to vector<16xf32>
      %parallel_loop3A_841 = arith.index_cast %parallel_loop3A_552 : i32 to index
      %parallel_loop3A_842 = tpu.vector_load %arg10[%parallel_loop3A_841] {strides = array<i32>} : memref<1024xf32, #tpu.memory_space<vmem>>, vector<16xf32>,
      %parallel_loop3A_843 = vector.shape_cast %parallel_loop3A_842 : vector<16xf32> to vector<16xf32>
      %parallel_loop3A_844 = arith.mulf %parallel_loop3A_843, %parallel_loop3A_836 : vector<16xf32>
      %parallel_loop3A_845 = arith.addf %parallel_loop3A_840, %parallel_loop3A_844 : vector<16xf32>
      %parallel_loop3A_846 = arith.index_cast %parallel_loop3A_552 : i32 to index
      %parallel_loop3A_847 = tpu.vector_load %arg12[%parallel_loop3A_846] {strides = array<i32>} : memref<1024xf32, #tpu.memory_space<vmem>>, vector<16xf32>,
      %parallel_loop3A_848 = vector.shape_cast %parallel_loop3A_847 : vector<16xf32> to vector<16xf32>
      %parallel_loop3A_849 = vector.shape_cast %parallel_loop3A_845 : vector<16xf32> to vector<16xf32>
      tpu.vector_store %arg12[%parallel_loop3A_846], %parallel_loop3A_849 {strides = array<i32>} : memref<1024xf32, #tpu.memory_space<vmem>>, vector<16xf32>,
    } {sc.loop_unroll_factor = 2 : i64, sc.parallel_access}
    "tpu.region"() ({
      %run_scoped3A = tpu.sem_alloc : memref<!tpu.dma_semaphore, #tpu.memory_space<semaphore_mem>>
      %dma_start3A_550 = tpu.memref_slice %arg5[%add3A_265] : memref<65536xf32, #tpu.memory_space<hbm>> -> memref<1024xf32, #tpu.memory_space<hbm>>
      %dma_start3A_551 = tpu.memref_slice %arg5[%add3A_265] : memref<65536xf32, #tpu.memory_space<hbm>> -> memref<1024xf32, #tpu.memory_space<hbm>>
      tpu.enqueue_dma source(%arg12 : memref<1024xf32, #tpu.memory_space<vmem>>) target(%dma_start3A_551 : memref<1024xf32, #tpu.memory_space<hbm>>) target_semaphore(%run_scoped3A : memref<!tpu.dma_semaphore, #tpu.memory_space<semaphore_mem>>)
      %dma_wait3A_552 = tpu.memref_slice %arg5[%add3A_265] : memref<65536xf32, #tpu.memory_space<hbm>> -> memref<1024xf32, #tpu.memory_space<hbm>>
      %dma_wait3A_553 = tpu.memref_slice %arg5[%add3A_265] : memref<65536xf32, #tpu.memory_space<hbm>> -> memref<1024xf32, #tpu.memory_space<hbm>>
      tpu.wait_dma2 semaphore(%run_scoped3A : memref<!tpu.dma_semaphore, #tpu.memory_space<semaphore_mem>>) src(%arg12 : memref<1024xf32, #tpu.memory_space<vmem>>) dst(%dma_wait3A_553 : memref<1024xf32, #tpu.memory_space<hbm>>)
      tpu.yield
    }) : () -> ()
    %add3A_537 = arith.constant 1024 : i32
    %add3A_538 = arith.addi %mul3A_2, %add3A_537 : i32
    %add3A_539 = arith.constant 1024 : i32
    %add3A_540 = arith.addi %mul3A_2, %add3A_539 : i32
    %dma_wait3A_541 = tpu.memref_slice %arg4[%add3A_540] : memref<8388608xf32, #tpu.memory_space<hbm>> -> memref<32768xf32, #tpu.memory_space<hbm>>
    %dma_wait3A_542 = tpu.memref_slice %arg4[%add3A_540] : memref<8388608xf32, #tpu.memory_space<hbm>> -> memref<32768xf32, #tpu.memory_space<hbm>>
    tpu.wait_dma2 semaphore(%arg14 : memref<!tpu.dma_semaphore, #tpu.memory_space<semaphore_mem>>) src(%dma_wait3A_542 : memref<32768xf32, #tpu.memory_space<hbm>>) dst(%arg7 : memref<32768xf32, #tpu.memory_space<vmem>>)
    %dma_wait3A_543 = tpu.memref_slice %arg2[%add3A_540] : memref<262144xf32, #tpu.memory_space<hbm>> -> memref<1024xf32, #tpu.memory_space<hbm>>
    %dma_wait3A_544 = tpu.memref_slice %arg2[%add3A_540] : memref<262144xf32, #tpu.memory_space<hbm>> -> memref<1024xf32, #tpu.memory_space<hbm>>
    tpu.wait_dma2 semaphore(%arg14 : memref<!tpu.dma_semaphore, #tpu.memory_space<semaphore_mem>>) src(%dma_wait3A_544 : memref<1024xf32, #tpu.memory_space<hbm>>) dst(%arg9 : memref<1024xf32, #tpu.memory_space<vmem>>)
    %dma_wait3A_545 = tpu.memref_slice %arg3[%add3A_540] : memref<262144xf32, #tpu.memory_space<hbm>> -> memref<1024xf32, #tpu.memory_space<hbm>>
    %dma_wait3A_546 = tpu.memref_slice %arg3[%add3A_540] : memref<262144xf32, #tpu.memory_space<hbm>> -> memref<1024xf32, #tpu.memory_space<hbm>>
    tpu.wait_dma2 semaphore(%arg14 : memref<!tpu.dma_semaphore, #tpu.memory_space<semaphore_mem>>) src(%dma_wait3A_546 : memref<1024xf32, #tpu.memory_space<hbm>>) dst(%arg11 : memref<1024xf32, #tpu.memory_space<vmem>>)
    %parallel_loop3A_547 = arith.constant 0 : i32
    %parallel_loop3A_548 = arith.constant 64 : i32
    %parallel_loop3A_549 = arith.constant 1 : i32
    scf.for %parallel_loop3A_550 = %parallel_loop3A_547 to %parallel_loop3A_548 step %parallel_loop3A_549  : i32 {
      %parallel_loop3A_551 = arith.constant 16 : i32
      %parallel_loop3A_552 = arith.muli %parallel_loop3A_550, %parallel_loop3A_551 : i32
      %parallel_loop3A_553 = arith.constant 0 : i32
      %parallel_loop3A_554 = arith.addi %parallel_loop3A_553, %parallel_loop3A_552 : i32
      %parallel_loop3A_555 = arith.index_cast %parallel_loop3A_554 : i32 to index
      %parallel_loop3A_556 = tpu.vector_load %arg7[%parallel_loop3A_555] {strides = array<i32>} : memref<32768xf32, #tpu.memory_space<vmem>>, vector<16xf32>,
      %parallel_loop3A_557 = vector.shape_cast %parallel_loop3A_556 : vector<16xf32> to vector<16xf32>
      %parallel_loop3A_558 = arith.mulf %parallel_loop3A_557, %parallel_loop3A_557 : vector<16xf32>
      %parallel_loop3A_559 = arith.constant 1024 : i32
      %parallel_loop3A_560 = arith.addi %parallel_loop3A_559, %parallel_loop3A_552 : i32
      %parallel_loop3A_561 = arith.index_cast %parallel_loop3A_560 : i32 to index
      %parallel_loop3A_562 = tpu.vector_load %arg7[%parallel_loop3A_561] {strides = array<i32>} : memref<32768xf32, #tpu.memory_space<vmem>>, vector<16xf32>,
      %parallel_loop3A_563 = vector.shape_cast %parallel_loop3A_562 : vector<16xf32> to vector<16xf32>
      %parallel_loop3A_564 = arith.mulf %parallel_loop3A_563, %parallel_loop3A_563 : vector<16xf32>
      %parallel_loop3A_565 = arith.cmpf olt, %parallel_loop3A_564, %parallel_loop3A_558 : vector<16xf32>
      %parallel_loop3A_566 = arith.select %parallel_loop3A_565, %parallel_loop3A_563, %parallel_loop3A_557 : vector<16xi1>, vector<16xf32>
      %parallel_loop3A_567 = arith.minimumf %parallel_loop3A_558, %parallel_loop3A_564 : vector<16xf32>
      %parallel_loop3A_568 = arith.constant 2048 : i32
      %parallel_loop3A_569 = arith.addi %parallel_loop3A_568, %parallel_loop3A_552 : i32
      %parallel_loop3A_570 = arith.index_cast %parallel_loop3A_569 : i32 to index
      %parallel_loop3A_571 = tpu.vector_load %arg7[%parallel_loop3A_570] {strides = array<i32>} : memref<32768xf32, #tpu.memory_space<vmem>>, vector<16xf32>,
      %parallel_loop3A_572 = vector.shape_cast %parallel_loop3A_571 : vector<16xf32> to vector<16xf32>
      %parallel_loop3A_573 = arith.mulf %parallel_loop3A_572, %parallel_loop3A_572 : vector<16xf32>
      %parallel_loop3A_574 = arith.cmpf olt, %parallel_loop3A_573, %parallel_loop3A_567 : vector<16xf32>
      %parallel_loop3A_575 = arith.select %parallel_loop3A_574, %parallel_loop3A_572, %parallel_loop3A_566 : vector<16xi1>, vector<16xf32>
      %parallel_loop3A_576 = arith.minimumf %parallel_loop3A_567, %parallel_loop3A_573 : vector<16xf32>
      %parallel_loop3A_577 = arith.constant 3072 : i32
      %parallel_loop3A_578 = arith.addi %parallel_loop3A_577, %parallel_loop3A_552 : i32
      %parallel_loop3A_579 = arith.index_cast %parallel_loop3A_578 : i32 to index
      %parallel_loop3A_580 = tpu.vector_load %arg7[%parallel_loop3A_579] {strides = array<i32>} : memref<32768xf32, #tpu.memory_space<vmem>>, vector<16xf32>,
      %parallel_loop3A_581 = vector.shape_cast %parallel_loop3A_580 : vector<16xf32> to vector<16xf32>
      %parallel_loop3A_582 = arith.mulf %parallel_loop3A_581, %parallel_loop3A_581 : vector<16xf32>
      %parallel_loop3A_583 = arith.cmpf olt, %parallel_loop3A_582, %parallel_loop3A_576 : vector<16xf32>
      %parallel_loop3A_584 = arith.select %parallel_loop3A_583, %parallel_loop3A_581, %parallel_loop3A_575 : vector<16xi1>, vector<16xf32>
      %parallel_loop3A_585 = arith.minimumf %parallel_loop3A_576, %parallel_loop3A_582 : vector<16xf32>
      %parallel_loop3A_586 = arith.constant 4096 : i32
      %parallel_loop3A_587 = arith.addi %parallel_loop3A_586, %parallel_loop3A_552 : i32
      %parallel_loop3A_588 = arith.index_cast %parallel_loop3A_587 : i32 to index
      %parallel_loop3A_589 = tpu.vector_load %arg7[%parallel_loop3A_588] {strides = array<i32>} : memref<32768xf32, #tpu.memory_space<vmem>>, vector<16xf32>,
      %parallel_loop3A_590 = vector.shape_cast %parallel_loop3A_589 : vector<16xf32> to vector<16xf32>
      %parallel_loop3A_591 = arith.mulf %parallel_loop3A_590, %parallel_loop3A_590 : vector<16xf32>
      %parallel_loop3A_592 = arith.cmpf olt, %parallel_loop3A_591, %parallel_loop3A_585 : vector<16xf32>
      %parallel_loop3A_593 = arith.select %parallel_loop3A_592, %parallel_loop3A_590, %parallel_loop3A_584 : vector<16xi1>, vector<16xf32>
      %parallel_loop3A_594 = arith.minimumf %parallel_loop3A_585, %parallel_loop3A_591 : vector<16xf32>
      %parallel_loop3A_595 = arith.constant 5120 : i32
      %parallel_loop3A_596 = arith.addi %parallel_loop3A_595, %parallel_loop3A_552 : i32
      %parallel_loop3A_597 = arith.index_cast %parallel_loop3A_596 : i32 to index
      %parallel_loop3A_598 = tpu.vector_load %arg7[%parallel_loop3A_597] {strides = array<i32>} : memref<32768xf32, #tpu.memory_space<vmem>>, vector<16xf32>,
      %parallel_loop3A_599 = vector.shape_cast %parallel_loop3A_598 : vector<16xf32> to vector<16xf32>
      %parallel_loop3A_600 = arith.mulf %parallel_loop3A_599, %parallel_loop3A_599 : vector<16xf32>
      %parallel_loop3A_601 = arith.cmpf olt, %parallel_loop3A_600, %parallel_loop3A_594 : vector<16xf32>
      %parallel_loop3A_602 = arith.select %parallel_loop3A_601, %parallel_loop3A_599, %parallel_loop3A_593 : vector<16xi1>, vector<16xf32>
      %parallel_loop3A_603 = arith.minimumf %parallel_loop3A_594, %parallel_loop3A_600 : vector<16xf32>
      %parallel_loop3A_604 = arith.constant 6144 : i32
      %parallel_loop3A_605 = arith.addi %parallel_loop3A_604, %parallel_loop3A_552 : i32
      %parallel_loop3A_606 = arith.index_cast %parallel_loop3A_605 : i32 to index
      %parallel_loop3A_607 = tpu.vector_load %arg7[%parallel_loop3A_606] {strides = array<i32>} : memref<32768xf32, #tpu.memory_space<vmem>>, vector<16xf32>,
      %parallel_loop3A_608 = vector.shape_cast %parallel_loop3A_607 : vector<16xf32> to vector<16xf32>
      %parallel_loop3A_609 = arith.mulf %parallel_loop3A_608, %parallel_loop3A_608 : vector<16xf32>
      %parallel_loop3A_610 = arith.cmpf olt, %parallel_loop3A_609, %parallel_loop3A_603 : vector<16xf32>
      %parallel_loop3A_611 = arith.select %parallel_loop3A_610, %parallel_loop3A_608, %parallel_loop3A_602 : vector<16xi1>, vector<16xf32>
      %parallel_loop3A_612 = arith.minimumf %parallel_loop3A_603, %parallel_loop3A_609 : vector<16xf32>
      %parallel_loop3A_613 = arith.constant 7168 : i32
      %parallel_loop3A_614 = arith.addi %parallel_loop3A_613, %parallel_loop3A_552 : i32
      %parallel_loop3A_615 = arith.index_cast %parallel_loop3A_614 : i32 to index
      %parallel_loop3A_616 = tpu.vector_load %arg7[%parallel_loop3A_615] {strides = array<i32>} : memref<32768xf32, #tpu.memory_space<vmem>>, vector<16xf32>,
      %parallel_loop3A_617 = vector.shape_cast %parallel_loop3A_616 : vector<16xf32> to vector<16xf32>
      %parallel_loop3A_618 = arith.mulf %parallel_loop3A_617, %parallel_loop3A_617 : vector<16xf32>
      %parallel_loop3A_619 = arith.cmpf olt, %parallel_loop3A_618, %parallel_loop3A_612 : vector<16xf32>
      %parallel_loop3A_620 = arith.select %parallel_loop3A_619, %parallel_loop3A_617, %parallel_loop3A_611 : vector<16xi1>, vector<16xf32>
      %parallel_loop3A_621 = arith.minimumf %parallel_loop3A_612, %parallel_loop3A_618 : vector<16xf32>
      %parallel_loop3A_622 = arith.constant 8192 : i32
      %parallel_loop3A_623 = arith.addi %parallel_loop3A_622, %parallel_loop3A_552 : i32
      %parallel_loop3A_624 = arith.index_cast %parallel_loop3A_623 : i32 to index
      %parallel_loop3A_625 = tpu.vector_load %arg7[%parallel_loop3A_624] {strides = array<i32>} : memref<32768xf32, #tpu.memory_space<vmem>>, vector<16xf32>,
      %parallel_loop3A_626 = vector.shape_cast %parallel_loop3A_625 : vector<16xf32> to vector<16xf32>
      %parallel_loop3A_627 = arith.mulf %parallel_loop3A_626, %parallel_loop3A_626 : vector<16xf32>
      %parallel_loop3A_628 = arith.constant 9216 : i32
      %parallel_loop3A_629 = arith.addi %parallel_loop3A_628, %parallel_loop3A_552 : i32
      %parallel_loop3A_630 = arith.index_cast %parallel_loop3A_629 : i32 to index
      %parallel_loop3A_631 = tpu.vector_load %arg7[%parallel_loop3A_630] {strides = array<i32>} : memref<32768xf32, #tpu.memory_space<vmem>>, vector<16xf32>,
      %parallel_loop3A_632 = vector.shape_cast %parallel_loop3A_631 : vector<16xf32> to vector<16xf32>
      %parallel_loop3A_633 = arith.mulf %parallel_loop3A_632, %parallel_loop3A_632 : vector<16xf32>
      %parallel_loop3A_634 = arith.cmpf olt, %parallel_loop3A_633, %parallel_loop3A_627 : vector<16xf32>
      %parallel_loop3A_635 = arith.select %parallel_loop3A_634, %parallel_loop3A_632, %parallel_loop3A_626 : vector<16xi1>, vector<16xf32>
      %parallel_loop3A_636 = arith.minimumf %parallel_loop3A_627, %parallel_loop3A_633 : vector<16xf32>
      %parallel_loop3A_637 = arith.constant 10240 : i32
      %parallel_loop3A_638 = arith.addi %parallel_loop3A_637, %parallel_loop3A_552 : i32
      %parallel_loop3A_639 = arith.index_cast %parallel_loop3A_638 : i32 to index
      %parallel_loop3A_640 = tpu.vector_load %arg7[%parallel_loop3A_639] {strides = array<i32>} : memref<32768xf32, #tpu.memory_space<vmem>>, vector<16xf32>,
      %parallel_loop3A_641 = vector.shape_cast %parallel_loop3A_640 : vector<16xf32> to vector<16xf32>
      %parallel_loop3A_642 = arith.mulf %parallel_loop3A_641, %parallel_loop3A_641 : vector<16xf32>
      %parallel_loop3A_643 = arith.cmpf olt, %parallel_loop3A_642, %parallel_loop3A_636 : vector<16xf32>
      %parallel_loop3A_644 = arith.select %parallel_loop3A_643, %parallel_loop3A_641, %parallel_loop3A_635 : vector<16xi1>, vector<16xf32>
      %parallel_loop3A_645 = arith.minimumf %parallel_loop3A_636, %parallel_loop3A_642 : vector<16xf32>
      %parallel_loop3A_646 = arith.constant 11264 : i32
      %parallel_loop3A_647 = arith.addi %parallel_loop3A_646, %parallel_loop3A_552 : i32
      %parallel_loop3A_648 = arith.index_cast %parallel_loop3A_647 : i32 to index
      %parallel_loop3A_649 = tpu.vector_load %arg7[%parallel_loop3A_648] {strides = array<i32>} : memref<32768xf32, #tpu.memory_space<vmem>>, vector<16xf32>,
      %parallel_loop3A_650 = vector.shape_cast %parallel_loop3A_649 : vector<16xf32> to vector<16xf32>
      %parallel_loop3A_651 = arith.mulf %parallel_loop3A_650, %parallel_loop3A_650 : vector<16xf32>
      %parallel_loop3A_652 = arith.cmpf olt, %parallel_loop3A_651, %parallel_loop3A_645 : vector<16xf32>
      %parallel_loop3A_653 = arith.select %parallel_loop3A_652, %parallel_loop3A_650, %parallel_loop3A_644 : vector<16xi1>, vector<16xf32>
      %parallel_loop3A_654 = arith.minimumf %parallel_loop3A_645, %parallel_loop3A_651 : vector<16xf32>
      %parallel_loop3A_655 = arith.constant 12288 : i32
      %parallel_loop3A_656 = arith.addi %parallel_loop3A_655, %parallel_loop3A_552 : i32
      %parallel_loop3A_657 = arith.index_cast %parallel_loop3A_656 : i32 to index
      %parallel_loop3A_658 = tpu.vector_load %arg7[%parallel_loop3A_657] {strides = array<i32>} : memref<32768xf32, #tpu.memory_space<vmem>>, vector<16xf32>,
      %parallel_loop3A_659 = vector.shape_cast %parallel_loop3A_658 : vector<16xf32> to vector<16xf32>
      %parallel_loop3A_660 = arith.mulf %parallel_loop3A_659, %parallel_loop3A_659 : vector<16xf32>
      %parallel_loop3A_661 = arith.cmpf olt, %parallel_loop3A_660, %parallel_loop3A_654 : vector<16xf32>
      %parallel_loop3A_662 = arith.select %parallel_loop3A_661, %parallel_loop3A_659, %parallel_loop3A_653 : vector<16xi1>, vector<16xf32>
      %parallel_loop3A_663 = arith.minimumf %parallel_loop3A_654, %parallel_loop3A_660 : vector<16xf32>
      %parallel_loop3A_664 = arith.constant 13312 : i32
      %parallel_loop3A_665 = arith.addi %parallel_loop3A_664, %parallel_loop3A_552 : i32
      %parallel_loop3A_666 = arith.index_cast %parallel_loop3A_665 : i32 to index
      %parallel_loop3A_667 = tpu.vector_load %arg7[%parallel_loop3A_666] {strides = array<i32>} : memref<32768xf32, #tpu.memory_space<vmem>>, vector<16xf32>,
      %parallel_loop3A_668 = vector.shape_cast %parallel_loop3A_667 : vector<16xf32> to vector<16xf32>
      %parallel_loop3A_669 = arith.mulf %parallel_loop3A_668, %parallel_loop3A_668 : vector<16xf32>
      %parallel_loop3A_670 = arith.cmpf olt, %parallel_loop3A_669, %parallel_loop3A_663 : vector<16xf32>
      %parallel_loop3A_671 = arith.select %parallel_loop3A_670, %parallel_loop3A_668, %parallel_loop3A_662 : vector<16xi1>, vector<16xf32>
      %parallel_loop3A_672 = arith.minimumf %parallel_loop3A_663, %parallel_loop3A_669 : vector<16xf32>
      %parallel_loop3A_673 = arith.constant 14336 : i32
      %parallel_loop3A_674 = arith.addi %parallel_loop3A_673, %parallel_loop3A_552 : i32
      %parallel_loop3A_675 = arith.index_cast %parallel_loop3A_674 : i32 to index
      %parallel_loop3A_676 = tpu.vector_load %arg7[%parallel_loop3A_675] {strides = array<i32>} : memref<32768xf32, #tpu.memory_space<vmem>>, vector<16xf32>,
      %parallel_loop3A_677 = vector.shape_cast %parallel_loop3A_676 : vector<16xf32> to vector<16xf32>
      %parallel_loop3A_678 = arith.mulf %parallel_loop3A_677, %parallel_loop3A_677 : vector<16xf32>
      %parallel_loop3A_679 = arith.cmpf olt, %parallel_loop3A_678, %parallel_loop3A_672 : vector<16xf32>
      %parallel_loop3A_680 = arith.select %parallel_loop3A_679, %parallel_loop3A_677, %parallel_loop3A_671 : vector<16xi1>, vector<16xf32>
      %parallel_loop3A_681 = arith.minimumf %parallel_loop3A_672, %parallel_loop3A_678 : vector<16xf32>
      %parallel_loop3A_682 = arith.constant 15360 : i32
      %parallel_loop3A_683 = arith.addi %parallel_loop3A_682, %parallel_loop3A_552 : i32
      %parallel_loop3A_684 = arith.index_cast %parallel_loop3A_683 : i32 to index
      %parallel_loop3A_685 = tpu.vector_load %arg7[%parallel_loop3A_684] {strides = array<i32>} : memref<32768xf32, #tpu.memory_space<vmem>>, vector<16xf32>,
      %parallel_loop3A_686 = vector.shape_cast %parallel_loop3A_685 : vector<16xf32> to vector<16xf32>
      %parallel_loop3A_687 = arith.mulf %parallel_loop3A_686, %parallel_loop3A_686 : vector<16xf32>
      %parallel_loop3A_688 = arith.cmpf olt, %parallel_loop3A_687, %parallel_loop3A_681 : vector<16xf32>
      %parallel_loop3A_689 = arith.select %parallel_loop3A_688, %parallel_loop3A_686, %parallel_loop3A_680 : vector<16xi1>, vector<16xf32>
      %parallel_loop3A_690 = arith.minimumf %parallel_loop3A_681, %parallel_loop3A_687 : vector<16xf32>
      %parallel_loop3A_691 = arith.constant 16384 : i32
      %parallel_loop3A_692 = arith.addi %parallel_loop3A_691, %parallel_loop3A_552 : i32
      %parallel_loop3A_693 = arith.index_cast %parallel_loop3A_692 : i32 to index
      %parallel_loop3A_694 = tpu.vector_load %arg7[%parallel_loop3A_693] {strides = array<i32>} : memref<32768xf32, #tpu.memory_space<vmem>>, vector<16xf32>,
      %parallel_loop3A_695 = vector.shape_cast %parallel_loop3A_694 : vector<16xf32> to vector<16xf32>
      %parallel_loop3A_696 = arith.mulf %parallel_loop3A_695, %parallel_loop3A_695 : vector<16xf32>
      %parallel_loop3A_697 = arith.constant 17408 : i32
      %parallel_loop3A_698 = arith.addi %parallel_loop3A_697, %parallel_loop3A_552 : i32
      %parallel_loop3A_699 = arith.index_cast %parallel_loop3A_698 : i32 to index
      %parallel_loop3A_700 = tpu.vector_load %arg7[%parallel_loop3A_699] {strides = array<i32>} : memref<32768xf32, #tpu.memory_space<vmem>>, vector<16xf32>,
      %parallel_loop3A_701 = vector.shape_cast %parallel_loop3A_700 : vector<16xf32> to vector<16xf32>
      %parallel_loop3A_702 = arith.mulf %parallel_loop3A_701, %parallel_loop3A_701 : vector<16xf32>
      %parallel_loop3A_703 = arith.cmpf olt, %parallel_loop3A_702, %parallel_loop3A_696 : vector<16xf32>
      %parallel_loop3A_704 = arith.select %parallel_loop3A_703, %parallel_loop3A_701, %parallel_loop3A_695 : vector<16xi1>, vector<16xf32>
      %parallel_loop3A_705 = arith.minimumf %parallel_loop3A_696, %parallel_loop3A_702 : vector<16xf32>
      %parallel_loop3A_706 = arith.constant 18432 : i32
      %parallel_loop3A_707 = arith.addi %parallel_loop3A_706, %parallel_loop3A_552 : i32
      %parallel_loop3A_708 = arith.index_cast %parallel_loop3A_707 : i32 to index
      %parallel_loop3A_709 = tpu.vector_load %arg7[%parallel_loop3A_708] {strides = array<i32>} : memref<32768xf32, #tpu.memory_space<vmem>>, vector<16xf32>,
      %parallel_loop3A_710 = vector.shape_cast %parallel_loop3A_709 : vector<16xf32> to vector<16xf32>
      %parallel_loop3A_711 = arith.mulf %parallel_loop3A_710, %parallel_loop3A_710 : vector<16xf32>
      %parallel_loop3A_712 = arith.cmpf olt, %parallel_loop3A_711, %parallel_loop3A_705 : vector<16xf32>
      %parallel_loop3A_713 = arith.select %parallel_loop3A_712, %parallel_loop3A_710, %parallel_loop3A_704 : vector<16xi1>, vector<16xf32>
      %parallel_loop3A_714 = arith.minimumf %parallel_loop3A_705, %parallel_loop3A_711 : vector<16xf32>
      %parallel_loop3A_715 = arith.constant 19456 : i32
      %parallel_loop3A_716 = arith.addi %parallel_loop3A_715, %parallel_loop3A_552 : i32
      %parallel_loop3A_717 = arith.index_cast %parallel_loop3A_716 : i32 to index
      %parallel_loop3A_718 = tpu.vector_load %arg7[%parallel_loop3A_717] {strides = array<i32>} : memref<32768xf32, #tpu.memory_space<vmem>>, vector<16xf32>,
      %parallel_loop3A_719 = vector.shape_cast %parallel_loop3A_718 : vector<16xf32> to vector<16xf32>
      %parallel_loop3A_720 = arith.mulf %parallel_loop3A_719, %parallel_loop3A_719 : vector<16xf32>
      %parallel_loop3A_721 = arith.cmpf olt, %parallel_loop3A_720, %parallel_loop3A_714 : vector<16xf32>
      %parallel_loop3A_722 = arith.select %parallel_loop3A_721, %parallel_loop3A_719, %parallel_loop3A_713 : vector<16xi1>, vector<16xf32>
      %parallel_loop3A_723 = arith.minimumf %parallel_loop3A_714, %parallel_loop3A_720 : vector<16xf32>
      %parallel_loop3A_724 = arith.constant 20480 : i32
      %parallel_loop3A_725 = arith.addi %parallel_loop3A_724, %parallel_loop3A_552 : i32
      %parallel_loop3A_726 = arith.index_cast %parallel_loop3A_725 : i32 to index
      %parallel_loop3A_727 = tpu.vector_load %arg7[%parallel_loop3A_726] {strides = array<i32>} : memref<32768xf32, #tpu.memory_space<vmem>>, vector<16xf32>,
      %parallel_loop3A_728 = vector.shape_cast %parallel_loop3A_727 : vector<16xf32> to vector<16xf32>
      %parallel_loop3A_729 = arith.mulf %parallel_loop3A_728, %parallel_loop3A_728 : vector<16xf32>
      %parallel_loop3A_730 = arith.cmpf olt, %parallel_loop3A_729, %parallel_loop3A_723 : vector<16xf32>
      %parallel_loop3A_731 = arith.select %parallel_loop3A_730, %parallel_loop3A_728, %parallel_loop3A_722 : vector<16xi1>, vector<16xf32>
      %parallel_loop3A_732 = arith.minimumf %parallel_loop3A_723, %parallel_loop3A_729 : vector<16xf32>
      %parallel_loop3A_733 = arith.constant 21504 : i32
      %parallel_loop3A_734 = arith.addi %parallel_loop3A_733, %parallel_loop3A_552 : i32
      %parallel_loop3A_735 = arith.index_cast %parallel_loop3A_734 : i32 to index
      %parallel_loop3A_736 = tpu.vector_load %arg7[%parallel_loop3A_735] {strides = array<i32>} : memref<32768xf32, #tpu.memory_space<vmem>>, vector<16xf32>,
      %parallel_loop3A_737 = vector.shape_cast %parallel_loop3A_736 : vector<16xf32> to vector<16xf32>
      %parallel_loop3A_738 = arith.mulf %parallel_loop3A_737, %parallel_loop3A_737 : vector<16xf32>
      %parallel_loop3A_739 = arith.cmpf olt, %parallel_loop3A_738, %parallel_loop3A_732 : vector<16xf32>
      %parallel_loop3A_740 = arith.select %parallel_loop3A_739, %parallel_loop3A_737, %parallel_loop3A_731 : vector<16xi1>, vector<16xf32>
      %parallel_loop3A_741 = arith.minimumf %parallel_loop3A_732, %parallel_loop3A_738 : vector<16xf32>
      %parallel_loop3A_742 = arith.constant 22528 : i32
      %parallel_loop3A_743 = arith.addi %parallel_loop3A_742, %parallel_loop3A_552 : i32
      %parallel_loop3A_744 = arith.index_cast %parallel_loop3A_743 : i32 to index
      %parallel_loop3A_745 = tpu.vector_load %arg7[%parallel_loop3A_744] {strides = array<i32>} : memref<32768xf32, #tpu.memory_space<vmem>>, vector<16xf32>,
      %parallel_loop3A_746 = vector.shape_cast %parallel_loop3A_745 : vector<16xf32> to vector<16xf32>
      %parallel_loop3A_747 = arith.mulf %parallel_loop3A_746, %parallel_loop3A_746 : vector<16xf32>
      %parallel_loop3A_748 = arith.cmpf olt, %parallel_loop3A_747, %parallel_loop3A_741 : vector<16xf32>
      %parallel_loop3A_749 = arith.select %parallel_loop3A_748, %parallel_loop3A_746, %parallel_loop3A_740 : vector<16xi1>, vector<16xf32>
      %parallel_loop3A_750 = arith.minimumf %parallel_loop3A_741, %parallel_loop3A_747 : vector<16xf32>
      %parallel_loop3A_751 = arith.constant 23552 : i32
      %parallel_loop3A_752 = arith.addi %parallel_loop3A_751, %parallel_loop3A_552 : i32
      %parallel_loop3A_753 = arith.index_cast %parallel_loop3A_752 : i32 to index
      %parallel_loop3A_754 = tpu.vector_load %arg7[%parallel_loop3A_753] {strides = array<i32>} : memref<32768xf32, #tpu.memory_space<vmem>>, vector<16xf32>,
      %parallel_loop3A_755 = vector.shape_cast %parallel_loop3A_754 : vector<16xf32> to vector<16xf32>
      %parallel_loop3A_756 = arith.mulf %parallel_loop3A_755, %parallel_loop3A_755 : vector<16xf32>
      %parallel_loop3A_757 = arith.cmpf olt, %parallel_loop3A_756, %parallel_loop3A_750 : vector<16xf32>
      %parallel_loop3A_758 = arith.select %parallel_loop3A_757, %parallel_loop3A_755, %parallel_loop3A_749 : vector<16xi1>, vector<16xf32>
      %parallel_loop3A_759 = arith.minimumf %parallel_loop3A_750, %parallel_loop3A_756 : vector<16xf32>
      %parallel_loop3A_760 = arith.constant 24576 : i32
      %parallel_loop3A_761 = arith.addi %parallel_loop3A_760, %parallel_loop3A_552 : i32
      %parallel_loop3A_762 = arith.index_cast %parallel_loop3A_761 : i32 to index
      %parallel_loop3A_763 = tpu.vector_load %arg7[%parallel_loop3A_762] {strides = array<i32>} : memref<32768xf32, #tpu.memory_space<vmem>>, vector<16xf32>,
      %parallel_loop3A_764 = vector.shape_cast %parallel_loop3A_763 : vector<16xf32> to vector<16xf32>
      %parallel_loop3A_765 = arith.mulf %parallel_loop3A_764, %parallel_loop3A_764 : vector<16xf32>
      %parallel_loop3A_766 = arith.constant 25600 : i32
      %parallel_loop3A_767 = arith.addi %parallel_loop3A_766, %parallel_loop3A_552 : i32
      %parallel_loop3A_768 = arith.index_cast %parallel_loop3A_767 : i32 to index
      %parallel_loop3A_769 = tpu.vector_load %arg7[%parallel_loop3A_768] {strides = array<i32>} : memref<32768xf32, #tpu.memory_space<vmem>>, vector<16xf32>,
      %parallel_loop3A_770 = vector.shape_cast %parallel_loop3A_769 : vector<16xf32> to vector<16xf32>
      %parallel_loop3A_771 = arith.mulf %parallel_loop3A_770, %parallel_loop3A_770 : vector<16xf32>
      %parallel_loop3A_772 = arith.cmpf olt, %parallel_loop3A_771, %parallel_loop3A_765 : vector<16xf32>
      %parallel_loop3A_773 = arith.select %parallel_loop3A_772, %parallel_loop3A_770, %parallel_loop3A_764 : vector<16xi1>, vector<16xf32>
      %parallel_loop3A_774 = arith.minimumf %parallel_loop3A_765, %parallel_loop3A_771 : vector<16xf32>
      %parallel_loop3A_775 = arith.constant 26624 : i32
      %parallel_loop3A_776 = arith.addi %parallel_loop3A_775, %parallel_loop3A_552 : i32
      %parallel_loop3A_777 = arith.index_cast %parallel_loop3A_776 : i32 to index
      %parallel_loop3A_778 = tpu.vector_load %arg7[%parallel_loop3A_777] {strides = array<i32>} : memref<32768xf32, #tpu.memory_space<vmem>>, vector<16xf32>,
      %parallel_loop3A_779 = vector.shape_cast %parallel_loop3A_778 : vector<16xf32> to vector<16xf32>
      %parallel_loop3A_780 = arith.mulf %parallel_loop3A_779, %parallel_loop3A_779 : vector<16xf32>
      %parallel_loop3A_781 = arith.cmpf olt, %parallel_loop3A_780, %parallel_loop3A_774 : vector<16xf32>
      %parallel_loop3A_782 = arith.select %parallel_loop3A_781, %parallel_loop3A_779, %parallel_loop3A_773 : vector<16xi1>, vector<16xf32>
      %parallel_loop3A_783 = arith.minimumf %parallel_loop3A_774, %parallel_loop3A_780 : vector<16xf32>
      %parallel_loop3A_784 = arith.constant 27648 : i32
      %parallel_loop3A_785 = arith.addi %parallel_loop3A_784, %parallel_loop3A_552 : i32
      %parallel_loop3A_786 = arith.index_cast %parallel_loop3A_785 : i32 to index
      %parallel_loop3A_787 = tpu.vector_load %arg7[%parallel_loop3A_786] {strides = array<i32>} : memref<32768xf32, #tpu.memory_space<vmem>>, vector<16xf32>,
      %parallel_loop3A_788 = vector.shape_cast %parallel_loop3A_787 : vector<16xf32> to vector<16xf32>
      %parallel_loop3A_789 = arith.mulf %parallel_loop3A_788, %parallel_loop3A_788 : vector<16xf32>
      %parallel_loop3A_790 = arith.cmpf olt, %parallel_loop3A_789, %parallel_loop3A_783 : vector<16xf32>
      %parallel_loop3A_791 = arith.select %parallel_loop3A_790, %parallel_loop3A_788, %parallel_loop3A_782 : vector<16xi1>, vector<16xf32>
      %parallel_loop3A_792 = arith.minimumf %parallel_loop3A_783, %parallel_loop3A_789 : vector<16xf32>
      %parallel_loop3A_793 = arith.constant 28672 : i32
      %parallel_loop3A_794 = arith.addi %parallel_loop3A_793, %parallel_loop3A_552 : i32
      %parallel_loop3A_795 = arith.index_cast %parallel_loop3A_794 : i32 to index
      %parallel_loop3A_796 = tpu.vector_load %arg7[%parallel_loop3A_795] {strides = array<i32>} : memref<32768xf32, #tpu.memory_space<vmem>>, vector<16xf32>,
      %parallel_loop3A_797 = vector.shape_cast %parallel_loop3A_796 : vector<16xf32> to vector<16xf32>
      %parallel_loop3A_798 = arith.mulf %parallel_loop3A_797, %parallel_loop3A_797 : vector<16xf32>
      %parallel_loop3A_799 = arith.cmpf olt, %parallel_loop3A_798, %parallel_loop3A_792 : vector<16xf32>
      %parallel_loop3A_800 = arith.select %parallel_loop3A_799, %parallel_loop3A_797, %parallel_loop3A_791 : vector<16xi1>, vector<16xf32>
      %parallel_loop3A_801 = arith.minimumf %parallel_loop3A_792, %parallel_loop3A_798 : vector<16xf32>
      %parallel_loop3A_802 = arith.constant 29696 : i32
      %parallel_loop3A_803 = arith.addi %parallel_loop3A_802, %parallel_loop3A_552 : i32
      %parallel_loop3A_804 = arith.index_cast %parallel_loop3A_803 : i32 to index
      %parallel_loop3A_805 = tpu.vector_load %arg7[%parallel_loop3A_804] {strides = array<i32>} : memref<32768xf32, #tpu.memory_space<vmem>>, vector<16xf32>,
      %parallel_loop3A_806 = vector.shape_cast %parallel_loop3A_805 : vector<16xf32> to vector<16xf32>
      %parallel_loop3A_807 = arith.mulf %parallel_loop3A_806, %parallel_loop3A_806 : vector<16xf32>
      %parallel_loop3A_808 = arith.cmpf olt, %parallel_loop3A_807, %parallel_loop3A_801 : vector<16xf32>
      %parallel_loop3A_809 = arith.select %parallel_loop3A_808, %parallel_loop3A_806, %parallel_loop3A_800 : vector<16xi1>, vector<16xf32>
      %parallel_loop3A_810 = arith.minimumf %parallel_loop3A_801, %parallel_loop3A_807 : vector<16xf32>
      %parallel_loop3A_811 = arith.constant 30720 : i32
      %parallel_loop3A_812 = arith.addi %parallel_loop3A_811, %parallel_loop3A_552 : i32
      %parallel_loop3A_813 = arith.index_cast %parallel_loop3A_812 : i32 to index
      %parallel_loop3A_814 = tpu.vector_load %arg7[%parallel_loop3A_813] {strides = array<i32>} : memref<32768xf32, #tpu.memory_space<vmem>>, vector<16xf32>,
      %parallel_loop3A_815 = vector.shape_cast %parallel_loop3A_814 : vector<16xf32> to vector<16xf32>
      %parallel_loop3A_816 = arith.mulf %parallel_loop3A_815, %parallel_loop3A_815 : vector<16xf32>
      %parallel_loop3A_817 = arith.cmpf olt, %parallel_loop3A_816, %parallel_loop3A_810 : vector<16xf32>
      %parallel_loop3A_818 = arith.select %parallel_loop3A_817, %parallel_loop3A_815, %parallel_loop3A_809 : vector<16xi1>, vector<16xf32>
      %parallel_loop3A_819 = arith.minimumf %parallel_loop3A_810, %parallel_loop3A_816 : vector<16xf32>
      %parallel_loop3A_820 = arith.constant 31744 : i32
      %parallel_loop3A_821 = arith.addi %parallel_loop3A_820, %parallel_loop3A_552 : i32
      %parallel_loop3A_822 = arith.index_cast %parallel_loop3A_821 : i32 to index
      %parallel_loop3A_823 = tpu.vector_load %arg7[%parallel_loop3A_822] {strides = array<i32>} : memref<32768xf32, #tpu.memory_space<vmem>>, vector<16xf32>,
      %parallel_loop3A_824 = vector.shape_cast %parallel_loop3A_823 : vector<16xf32> to vector<16xf32>
      %parallel_loop3A_825 = arith.mulf %parallel_loop3A_824, %parallel_loop3A_824 : vector<16xf32>
      %parallel_loop3A_826 = arith.cmpf olt, %parallel_loop3A_825, %parallel_loop3A_819 : vector<16xf32>
      %parallel_loop3A_827 = arith.select %parallel_loop3A_826, %parallel_loop3A_824, %parallel_loop3A_818 : vector<16xi1>, vector<16xf32>
      %parallel_loop3A_828 = arith.minimumf %parallel_loop3A_819, %parallel_loop3A_825 : vector<16xf32>
      %parallel_loop3A_829 = arith.cmpf olt, %parallel_loop3A_690, %parallel_loop3A_621 : vector<16xf32>
      %parallel_loop3A_830 = arith.select %parallel_loop3A_829, %parallel_loop3A_689, %parallel_loop3A_620 : vector<16xi1>, vector<16xf32>
      %parallel_loop3A_831 = arith.minimumf %parallel_loop3A_690, %parallel_loop3A_621 : vector<16xf32>
      %parallel_loop3A_832 = arith.cmpf olt, %parallel_loop3A_759, %parallel_loop3A_831 : vector<16xf32>
      %parallel_loop3A_833 = arith.select %parallel_loop3A_832, %parallel_loop3A_758, %parallel_loop3A_830 : vector<16xi1>, vector<16xf32>
      %parallel_loop3A_834 = arith.minimumf %parallel_loop3A_759, %parallel_loop3A_831 : vector<16xf32>
      %parallel_loop3A_835 = arith.cmpf olt, %parallel_loop3A_828, %parallel_loop3A_834 : vector<16xf32>
      %parallel_loop3A_836 = arith.select %parallel_loop3A_835, %parallel_loop3A_827, %parallel_loop3A_833 : vector<16xi1>, vector<16xf32>
      %parallel_loop3A_837 = arith.minimumf %parallel_loop3A_828, %parallel_loop3A_834 : vector<16xf32>
      %parallel_loop3A_838 = arith.index_cast %parallel_loop3A_552 : i32 to index
      %parallel_loop3A_839 = tpu.vector_load %arg9[%parallel_loop3A_838] {strides = array<i32>} : memref<1024xf32, #tpu.memory_space<vmem>>, vector<16xf32>,
      %parallel_loop3A_840 = vector.shape_cast %parallel_loop3A_839 : vector<16xf32> to vector<16xf32>
      %parallel_loop3A_841 = arith.index_cast %parallel_loop3A_552 : i32 to index
      %parallel_loop3A_842 = tpu.vector_load %arg11[%parallel_loop3A_841] {strides = array<i32>} : memref<1024xf32, #tpu.memory_space<vmem>>, vector<16xf32>,
      %parallel_loop3A_843 = vector.shape_cast %parallel_loop3A_842 : vector<16xf32> to vector<16xf32>
      %parallel_loop3A_844 = arith.mulf %parallel_loop3A_843, %parallel_loop3A_836 : vector<16xf32>
      %parallel_loop3A_845 = arith.addf %parallel_loop3A_840, %parallel_loop3A_844 : vector<16xf32>
      %parallel_loop3A_846 = arith.index_cast %parallel_loop3A_552 : i32 to index
      %parallel_loop3A_847 = tpu.vector_load %arg12[%parallel_loop3A_846] {strides = array<i32>} : memref<1024xf32, #tpu.memory_space<vmem>>, vector<16xf32>,
      %parallel_loop3A_848 = vector.shape_cast %parallel_loop3A_847 : vector<16xf32> to vector<16xf32>
      %parallel_loop3A_849 = vector.shape_cast %parallel_loop3A_845 : vector<16xf32> to vector<16xf32>
      tpu.vector_store %arg12[%parallel_loop3A_846], %parallel_loop3A_849 {strides = array<i32>} : memref<1024xf32, #tpu.memory_space<vmem>>, vector<16xf32>,
    } {sc.loop_unroll_factor = 2 : i64, sc.parallel_access}
    "tpu.region"() ({
      %run_scoped3A = tpu.sem_alloc : memref<!tpu.dma_semaphore, #tpu.memory_space<semaphore_mem>>
      %dma_start3A_550 = tpu.memref_slice %arg5[%add3A_538] : memref<65536xf32, #tpu.memory_space<hbm>> -> memref<1024xf32, #tpu.memory_space<hbm>>
      %dma_start3A_551 = tpu.memref_slice %arg5[%add3A_538] : memref<65536xf32, #tpu.memory_space<hbm>> -> memref<1024xf32, #tpu.memory_space<hbm>>
      tpu.enqueue_dma source(%arg12 : memref<1024xf32, #tpu.memory_space<vmem>>) target(%dma_start3A_551 : memref<1024xf32, #tpu.memory_space<hbm>>) target_semaphore(%run_scoped3A : memref<!tpu.dma_semaphore, #tpu.memory_space<semaphore_mem>>)
      %dma_wait3A_552 = tpu.memref_slice %arg5[%add3A_538] : memref<65536xf32, #tpu.memory_space<hbm>> -> memref<1024xf32, #tpu.memory_space<hbm>>
      %dma_wait3A_553 = tpu.memref_slice %arg5[%add3A_538] : memref<65536xf32, #tpu.memory_space<hbm>> -> memref<1024xf32, #tpu.memory_space<hbm>>
      tpu.wait_dma2 semaphore(%run_scoped3A : memref<!tpu.dma_semaphore, #tpu.memory_space<semaphore_mem>>) src(%arg12 : memref<1024xf32, #tpu.memory_space<vmem>>) dst(%dma_wait3A_553 : memref<1024xf32, #tpu.memory_space<hbm>>)
      tpu.yield
    }) : () -> ()
    return
  }
}

module attributes {stable_mosaic.version = 14 : i64} {
  func.func @_tc_argmax_sample(%arg0: i32, %arg1: memref<32x128x128xf32, #tpu.memory_space<vmem>>, %arg2: memref<128x128xf32, #tpu.memory_space<vmem>>, %arg3: memref<128x128xf32, #tpu.memory_space<vmem>>, %arg4: memref<128x128xf32, #tpu.memory_space<vmem>>) attributes {dimension_semantics = [#tpu.dimension_semantics<arbitrary>], iteration_bounds = array<i64: 12>, scalar_prefetch = 0 : i64, scratch_operands = 0 : i64, tpu.core_type = #tpu.core_type<tc>, window_params = [{transform_indices = @transform_0, window_bounds = array<i64: 32, 128, 128>}, {transform_indices = @transform_1, window_bounds = array<i64: 128, 128>}, {transform_indices = @transform_2, window_bounds = array<i64: 128, 128>}, {transform_indices = @transform_3, window_bounds = array<i64: 128, 128>}]} {
    %get3A = arith.constant 0 : index
    %get3A_0 = arith.constant 0 : index
    %get3A_1 = arith.constant 0 : index
    %get3A_2 = vector.load %arg1[%get3A, %get3A_0, %get3A_1] : memref<32x128x128xf32, #tpu.memory_space<vmem>>, vector<1x128x128xf32>
    %get3A_3 = vector.shape_cast %get3A_2 : vector<1x128x128xf32> to vector<128x128xf32>
    %mul3A = arith.mulf %get3A_3, %get3A_3 : vector<128x128xf32>
    %get3A_4 = arith.constant 1 : index
    %get3A_5 = arith.constant 0 : index
    %get3A_6 = arith.constant 0 : index
    %get3A_7 = vector.load %arg1[%get3A_4, %get3A_5, %get3A_6] : memref<32x128x128xf32, #tpu.memory_space<vmem>>, vector<1x128x128xf32>
    %get3A_8 = vector.shape_cast %get3A_7 : vector<1x128x128xf32> to vector<128x128xf32>
    %mul3A_9 = arith.mulf %get3A_8, %get3A_8 : vector<128x128xf32>
    %lt3A = arith.cmpf olt, %mul3A_9, %mul3A : vector<128x128xf32>
    %select_n3A = arith.select %lt3A, %get3A_8, %get3A_3 : vector<128x128xi1>, vector<128x128xf32>
    %min3A = arith.minimumf %mul3A, %mul3A_9 : vector<128x128xf32>
    %get3A_10 = arith.constant 2 : index
    %get3A_11 = arith.constant 0 : index
    %get3A_12 = arith.constant 0 : index
    %get3A_13 = vector.load %arg1[%get3A_10, %get3A_11, %get3A_12] : memref<32x128x128xf32, #tpu.memory_space<vmem>>, vector<1x128x128xf32>
    %get3A_14 = vector.shape_cast %get3A_13 : vector<1x128x128xf32> to vector<128x128xf32>
    %mul3A_15 = arith.mulf %get3A_14, %get3A_14 : vector<128x128xf32>
    %lt3A_16 = arith.cmpf olt, %mul3A_15, %min3A : vector<128x128xf32>
    %select_n3A_17 = arith.select %lt3A_16, %get3A_14, %select_n3A : vector<128x128xi1>, vector<128x128xf32>
    %min3A_18 = arith.minimumf %min3A, %mul3A_15 : vector<128x128xf32>
    %get3A_19 = arith.constant 3 : index
    %get3A_20 = arith.constant 0 : index
    %get3A_21 = arith.constant 0 : index
    %get3A_22 = vector.load %arg1[%get3A_19, %get3A_20, %get3A_21] : memref<32x128x128xf32, #tpu.memory_space<vmem>>, vector<1x128x128xf32>
    %get3A_23 = vector.shape_cast %get3A_22 : vector<1x128x128xf32> to vector<128x128xf32>
    %mul3A_24 = arith.mulf %get3A_23, %get3A_23 : vector<128x128xf32>
    %lt3A_25 = arith.cmpf olt, %mul3A_24, %min3A_18 : vector<128x128xf32>
    %select_n3A_26 = arith.select %lt3A_25, %get3A_23, %select_n3A_17 : vector<128x128xi1>, vector<128x128xf32>
    %min3A_27 = arith.minimumf %min3A_18, %mul3A_24 : vector<128x128xf32>
    %get3A_28 = arith.constant 4 : index
    %get3A_29 = arith.constant 0 : index
    %get3A_30 = arith.constant 0 : index
    %get3A_31 = vector.load %arg1[%get3A_28, %get3A_29, %get3A_30] : memref<32x128x128xf32, #tpu.memory_space<vmem>>, vector<1x128x128xf32>
    %get3A_32 = vector.shape_cast %get3A_31 : vector<1x128x128xf32> to vector<128x128xf32>
    %mul3A_33 = arith.mulf %get3A_32, %get3A_32 : vector<128x128xf32>
    %lt3A_34 = arith.cmpf olt, %mul3A_33, %min3A_27 : vector<128x128xf32>
    %select_n3A_35 = arith.select %lt3A_34, %get3A_32, %select_n3A_26 : vector<128x128xi1>, vector<128x128xf32>
    %min3A_36 = arith.minimumf %min3A_27, %mul3A_33 : vector<128x128xf32>
    %get3A_37 = arith.constant 5 : index
    %get3A_38 = arith.constant 0 : index
    %get3A_39 = arith.constant 0 : index
    %get3A_40 = vector.load %arg1[%get3A_37, %get3A_38, %get3A_39] : memref<32x128x128xf32, #tpu.memory_space<vmem>>, vector<1x128x128xf32>
    %get3A_41 = vector.shape_cast %get3A_40 : vector<1x128x128xf32> to vector<128x128xf32>
    %mul3A_42 = arith.mulf %get3A_41, %get3A_41 : vector<128x128xf32>
    %lt3A_43 = arith.cmpf olt, %mul3A_42, %min3A_36 : vector<128x128xf32>
    %select_n3A_44 = arith.select %lt3A_43, %get3A_41, %select_n3A_35 : vector<128x128xi1>, vector<128x128xf32>
    %min3A_45 = arith.minimumf %min3A_36, %mul3A_42 : vector<128x128xf32>
    %get3A_46 = arith.constant 6 : index
    %get3A_47 = arith.constant 0 : index
    %get3A_48 = arith.constant 0 : index
    %get3A_49 = vector.load %arg1[%get3A_46, %get3A_47, %get3A_48] : memref<32x128x128xf32, #tpu.memory_space<vmem>>, vector<1x128x128xf32>
    %get3A_50 = vector.shape_cast %get3A_49 : vector<1x128x128xf32> to vector<128x128xf32>
    %mul3A_51 = arith.mulf %get3A_50, %get3A_50 : vector<128x128xf32>
    %lt3A_52 = arith.cmpf olt, %mul3A_51, %min3A_45 : vector<128x128xf32>
    %select_n3A_53 = arith.select %lt3A_52, %get3A_50, %select_n3A_44 : vector<128x128xi1>, vector<128x128xf32>
    %min3A_54 = arith.minimumf %min3A_45, %mul3A_51 : vector<128x128xf32>
    %get3A_55 = arith.constant 7 : index
    %get3A_56 = arith.constant 0 : index
    %get3A_57 = arith.constant 0 : index
    %get3A_58 = vector.load %arg1[%get3A_55, %get3A_56, %get3A_57] : memref<32x128x128xf32, #tpu.memory_space<vmem>>, vector<1x128x128xf32>
    %get3A_59 = vector.shape_cast %get3A_58 : vector<1x128x128xf32> to vector<128x128xf32>
    %mul3A_60 = arith.mulf %get3A_59, %get3A_59 : vector<128x128xf32>
    %lt3A_61 = arith.cmpf olt, %mul3A_60, %min3A_54 : vector<128x128xf32>
    %select_n3A_62 = arith.select %lt3A_61, %get3A_59, %select_n3A_53 : vector<128x128xi1>, vector<128x128xf32>
    %min3A_63 = arith.minimumf %min3A_54, %mul3A_60 : vector<128x128xf32>
    %get3A_64 = arith.constant 8 : index
    %get3A_65 = arith.constant 0 : index
    %get3A_66 = arith.constant 0 : index
    %get3A_67 = vector.load %arg1[%get3A_64, %get3A_65, %get3A_66] : memref<32x128x128xf32, #tpu.memory_space<vmem>>, vector<1x128x128xf32>
    %get3A_68 = vector.shape_cast %get3A_67 : vector<1x128x128xf32> to vector<128x128xf32>
    %mul3A_69 = arith.mulf %get3A_68, %get3A_68 : vector<128x128xf32>
    %lt3A_70 = arith.cmpf olt, %mul3A_69, %min3A_63 : vector<128x128xf32>
    %select_n3A_71 = arith.select %lt3A_70, %get3A_68, %select_n3A_62 : vector<128x128xi1>, vector<128x128xf32>
    %min3A_72 = arith.minimumf %min3A_63, %mul3A_69 : vector<128x128xf32>
    %get3A_73 = arith.constant 9 : index
    %get3A_74 = arith.constant 0 : index
    %get3A_75 = arith.constant 0 : index
    %get3A_76 = vector.load %arg1[%get3A_73, %get3A_74, %get3A_75] : memref<32x128x128xf32, #tpu.memory_space<vmem>>, vector<1x128x128xf32>
    %get3A_77 = vector.shape_cast %get3A_76 : vector<1x128x128xf32> to vector<128x128xf32>
    %mul3A_78 = arith.mulf %get3A_77, %get3A_77 : vector<128x128xf32>
    %lt3A_79 = arith.cmpf olt, %mul3A_78, %min3A_72 : vector<128x128xf32>
    %select_n3A_80 = arith.select %lt3A_79, %get3A_77, %select_n3A_71 : vector<128x128xi1>, vector<128x128xf32>
    %min3A_81 = arith.minimumf %min3A_72, %mul3A_78 : vector<128x128xf32>
    %get3A_82 = arith.constant 10 : index
    %get3A_83 = arith.constant 0 : index
    %get3A_84 = arith.constant 0 : index
    %get3A_85 = vector.load %arg1[%get3A_82, %get3A_83, %get3A_84] : memref<32x128x128xf32, #tpu.memory_space<vmem>>, vector<1x128x128xf32>
    %get3A_86 = vector.shape_cast %get3A_85 : vector<1x128x128xf32> to vector<128x128xf32>
    %mul3A_87 = arith.mulf %get3A_86, %get3A_86 : vector<128x128xf32>
    %lt3A_88 = arith.cmpf olt, %mul3A_87, %min3A_81 : vector<128x128xf32>
    %select_n3A_89 = arith.select %lt3A_88, %get3A_86, %select_n3A_80 : vector<128x128xi1>, vector<128x128xf32>
    %min3A_90 = arith.minimumf %min3A_81, %mul3A_87 : vector<128x128xf32>
    %get3A_91 = arith.constant 11 : index
    %get3A_92 = arith.constant 0 : index
    %get3A_93 = arith.constant 0 : index
    %get3A_94 = vector.load %arg1[%get3A_91, %get3A_92, %get3A_93] : memref<32x128x128xf32, #tpu.memory_space<vmem>>, vector<1x128x128xf32>
    %get3A_95 = vector.shape_cast %get3A_94 : vector<1x128x128xf32> to vector<128x128xf32>
    %mul3A_96 = arith.mulf %get3A_95, %get3A_95 : vector<128x128xf32>
    %lt3A_97 = arith.cmpf olt, %mul3A_96, %min3A_90 : vector<128x128xf32>
    %select_n3A_98 = arith.select %lt3A_97, %get3A_95, %select_n3A_89 : vector<128x128xi1>, vector<128x128xf32>
    %min3A_99 = arith.minimumf %min3A_90, %mul3A_96 : vector<128x128xf32>
    %get3A_100 = arith.constant 12 : index
    %get3A_101 = arith.constant 0 : index
    %get3A_102 = arith.constant 0 : index
    %get3A_103 = vector.load %arg1[%get3A_100, %get3A_101, %get3A_102] : memref<32x128x128xf32, #tpu.memory_space<vmem>>, vector<1x128x128xf32>
    %get3A_104 = vector.shape_cast %get3A_103 : vector<1x128x128xf32> to vector<128x128xf32>
    %mul3A_105 = arith.mulf %get3A_104, %get3A_104 : vector<128x128xf32>
    %lt3A_106 = arith.cmpf olt, %mul3A_105, %min3A_99 : vector<128x128xf32>
    %select_n3A_107 = arith.select %lt3A_106, %get3A_104, %select_n3A_98 : vector<128x128xi1>, vector<128x128xf32>
    %min3A_108 = arith.minimumf %min3A_99, %mul3A_105 : vector<128x128xf32>
    %get3A_109 = arith.constant 13 : index
    %get3A_110 = arith.constant 0 : index
    %get3A_111 = arith.constant 0 : index
    %get3A_112 = vector.load %arg1[%get3A_109, %get3A_110, %get3A_111] : memref<32x128x128xf32, #tpu.memory_space<vmem>>, vector<1x128x128xf32>
    %get3A_113 = vector.shape_cast %get3A_112 : vector<1x128x128xf32> to vector<128x128xf32>
    %mul3A_114 = arith.mulf %get3A_113, %get3A_113 : vector<128x128xf32>
    %lt3A_115 = arith.cmpf olt, %mul3A_114, %min3A_108 : vector<128x128xf32>
    %select_n3A_116 = arith.select %lt3A_115, %get3A_113, %select_n3A_107 : vector<128x128xi1>, vector<128x128xf32>
    %min3A_117 = arith.minimumf %min3A_108, %mul3A_114 : vector<128x128xf32>
    %get3A_118 = arith.constant 14 : index
    %get3A_119 = arith.constant 0 : index
    %get3A_120 = arith.constant 0 : index
    %get3A_121 = vector.load %arg1[%get3A_118, %get3A_119, %get3A_120] : memref<32x128x128xf32, #tpu.memory_space<vmem>>, vector<1x128x128xf32>
    %get3A_122 = vector.shape_cast %get3A_121 : vector<1x128x128xf32> to vector<128x128xf32>
    %mul3A_123 = arith.mulf %get3A_122, %get3A_122 : vector<128x128xf32>
    %lt3A_124 = arith.cmpf olt, %mul3A_123, %min3A_117 : vector<128x128xf32>
    %select_n3A_125 = arith.select %lt3A_124, %get3A_122, %select_n3A_116 : vector<128x128xi1>, vector<128x128xf32>
    %min3A_126 = arith.minimumf %min3A_117, %mul3A_123 : vector<128x128xf32>
    %get3A_127 = arith.constant 15 : index
    %get3A_128 = arith.constant 0 : index
    %get3A_129 = arith.constant 0 : index
    %get3A_130 = vector.load %arg1[%get3A_127, %get3A_128, %get3A_129] : memref<32x128x128xf32, #tpu.memory_space<vmem>>, vector<1x128x128xf32>
    %get3A_131 = vector.shape_cast %get3A_130 : vector<1x128x128xf32> to vector<128x128xf32>
    %mul3A_132 = arith.mulf %get3A_131, %get3A_131 : vector<128x128xf32>
    %lt3A_133 = arith.cmpf olt, %mul3A_132, %min3A_126 : vector<128x128xf32>
    %select_n3A_134 = arith.select %lt3A_133, %get3A_131, %select_n3A_125 : vector<128x128xi1>, vector<128x128xf32>
    %min3A_135 = arith.minimumf %min3A_126, %mul3A_132 : vector<128x128xf32>
    %get3A_136 = arith.constant 16 : index
    %get3A_137 = arith.constant 0 : index
    %get3A_138 = arith.constant 0 : index
    %get3A_139 = vector.load %arg1[%get3A_136, %get3A_137, %get3A_138] : memref<32x128x128xf32, #tpu.memory_space<vmem>>, vector<1x128x128xf32>
    %get3A_140 = vector.shape_cast %get3A_139 : vector<1x128x128xf32> to vector<128x128xf32>
    %mul3A_141 = arith.mulf %get3A_140, %get3A_140 : vector<128x128xf32>
    %lt3A_142 = arith.cmpf olt, %mul3A_141, %min3A_135 : vector<128x128xf32>
    %select_n3A_143 = arith.select %lt3A_142, %get3A_140, %select_n3A_134 : vector<128x128xi1>, vector<128x128xf32>
    %min3A_144 = arith.minimumf %min3A_135, %mul3A_141 : vector<128x128xf32>
    %get3A_145 = arith.constant 17 : index
    %get3A_146 = arith.constant 0 : index
    %get3A_147 = arith.constant 0 : index
    %get3A_148 = vector.load %arg1[%get3A_145, %get3A_146, %get3A_147] : memref<32x128x128xf32, #tpu.memory_space<vmem>>, vector<1x128x128xf32>
    %get3A_149 = vector.shape_cast %get3A_148 : vector<1x128x128xf32> to vector<128x128xf32>
    %mul3A_150 = arith.mulf %get3A_149, %get3A_149 : vector<128x128xf32>
    %lt3A_151 = arith.cmpf olt, %mul3A_150, %min3A_144 : vector<128x128xf32>
    %select_n3A_152 = arith.select %lt3A_151, %get3A_149, %select_n3A_143 : vector<128x128xi1>, vector<128x128xf32>
    %min3A_153 = arith.minimumf %min3A_144, %mul3A_150 : vector<128x128xf32>
    %get3A_154 = arith.constant 18 : index
    %get3A_155 = arith.constant 0 : index
    %get3A_156 = arith.constant 0 : index
    %get3A_157 = vector.load %arg1[%get3A_154, %get3A_155, %get3A_156] : memref<32x128x128xf32, #tpu.memory_space<vmem>>, vector<1x128x128xf32>
    %get3A_158 = vector.shape_cast %get3A_157 : vector<1x128x128xf32> to vector<128x128xf32>
    %mul3A_159 = arith.mulf %get3A_158, %get3A_158 : vector<128x128xf32>
    %lt3A_160 = arith.cmpf olt, %mul3A_159, %min3A_153 : vector<128x128xf32>
    %select_n3A_161 = arith.select %lt3A_160, %get3A_158, %select_n3A_152 : vector<128x128xi1>, vector<128x128xf32>
    %min3A_162 = arith.minimumf %min3A_153, %mul3A_159 : vector<128x128xf32>
    %get3A_163 = arith.constant 19 : index
    %get3A_164 = arith.constant 0 : index
    %get3A_165 = arith.constant 0 : index
    %get3A_166 = vector.load %arg1[%get3A_163, %get3A_164, %get3A_165] : memref<32x128x128xf32, #tpu.memory_space<vmem>>, vector<1x128x128xf32>
    %get3A_167 = vector.shape_cast %get3A_166 : vector<1x128x128xf32> to vector<128x128xf32>
    %mul3A_168 = arith.mulf %get3A_167, %get3A_167 : vector<128x128xf32>
    %lt3A_169 = arith.cmpf olt, %mul3A_168, %min3A_162 : vector<128x128xf32>
    %select_n3A_170 = arith.select %lt3A_169, %get3A_167, %select_n3A_161 : vector<128x128xi1>, vector<128x128xf32>
    %min3A_171 = arith.minimumf %min3A_162, %mul3A_168 : vector<128x128xf32>
    %get3A_172 = arith.constant 20 : index
    %get3A_173 = arith.constant 0 : index
    %get3A_174 = arith.constant 0 : index
    %get3A_175 = vector.load %arg1[%get3A_172, %get3A_173, %get3A_174] : memref<32x128x128xf32, #tpu.memory_space<vmem>>, vector<1x128x128xf32>
    %get3A_176 = vector.shape_cast %get3A_175 : vector<1x128x128xf32> to vector<128x128xf32>
    %mul3A_177 = arith.mulf %get3A_176, %get3A_176 : vector<128x128xf32>
    %lt3A_178 = arith.cmpf olt, %mul3A_177, %min3A_171 : vector<128x128xf32>
    %select_n3A_179 = arith.select %lt3A_178, %get3A_176, %select_n3A_170 : vector<128x128xi1>, vector<128x128xf32>
    %min3A_180 = arith.minimumf %min3A_171, %mul3A_177 : vector<128x128xf32>
    %get3A_181 = arith.constant 21 : index
    %get3A_182 = arith.constant 0 : index
    %get3A_183 = arith.constant 0 : index
    %get3A_184 = vector.load %arg1[%get3A_181, %get3A_182, %get3A_183] : memref<32x128x128xf32, #tpu.memory_space<vmem>>, vector<1x128x128xf32>
    %get3A_185 = vector.shape_cast %get3A_184 : vector<1x128x128xf32> to vector<128x128xf32>
    %mul3A_186 = arith.mulf %get3A_185, %get3A_185 : vector<128x128xf32>
    %lt3A_187 = arith.cmpf olt, %mul3A_186, %min3A_180 : vector<128x128xf32>
    %select_n3A_188 = arith.select %lt3A_187, %get3A_185, %select_n3A_179 : vector<128x128xi1>, vector<128x128xf32>
    %min3A_189 = arith.minimumf %min3A_180, %mul3A_186 : vector<128x128xf32>
    %get3A_190 = arith.constant 22 : index
    %get3A_191 = arith.constant 0 : index
    %get3A_192 = arith.constant 0 : index
    %get3A_193 = vector.load %arg1[%get3A_190, %get3A_191, %get3A_192] : memref<32x128x128xf32, #tpu.memory_space<vmem>>, vector<1x128x128xf32>
    %get3A_194 = vector.shape_cast %get3A_193 : vector<1x128x128xf32> to vector<128x128xf32>
    %mul3A_195 = arith.mulf %get3A_194, %get3A_194 : vector<128x128xf32>
    %lt3A_196 = arith.cmpf olt, %mul3A_195, %min3A_189 : vector<128x128xf32>
    %select_n3A_197 = arith.select %lt3A_196, %get3A_194, %select_n3A_188 : vector<128x128xi1>, vector<128x128xf32>
    %min3A_198 = arith.minimumf %min3A_189, %mul3A_195 : vector<128x128xf32>
    %get3A_199 = arith.constant 23 : index
    %get3A_200 = arith.constant 0 : index
    %get3A_201 = arith.constant 0 : index
    %get3A_202 = vector.load %arg1[%get3A_199, %get3A_200, %get3A_201] : memref<32x128x128xf32, #tpu.memory_space<vmem>>, vector<1x128x128xf32>
    %get3A_203 = vector.shape_cast %get3A_202 : vector<1x128x128xf32> to vector<128x128xf32>
    %mul3A_204 = arith.mulf %get3A_203, %get3A_203 : vector<128x128xf32>
    %lt3A_205 = arith.cmpf olt, %mul3A_204, %min3A_198 : vector<128x128xf32>
    %select_n3A_206 = arith.select %lt3A_205, %get3A_203, %select_n3A_197 : vector<128x128xi1>, vector<128x128xf32>
    %min3A_207 = arith.minimumf %min3A_198, %mul3A_204 : vector<128x128xf32>
    %get3A_208 = arith.constant 24 : index
    %get3A_209 = arith.constant 0 : index
    %get3A_210 = arith.constant 0 : index
    %get3A_211 = vector.load %arg1[%get3A_208, %get3A_209, %get3A_210] : memref<32x128x128xf32, #tpu.memory_space<vmem>>, vector<1x128x128xf32>
    %get3A_212 = vector.shape_cast %get3A_211 : vector<1x128x128xf32> to vector<128x128xf32>
    %mul3A_213 = arith.mulf %get3A_212, %get3A_212 : vector<128x128xf32>
    %lt3A_214 = arith.cmpf olt, %mul3A_213, %min3A_207 : vector<128x128xf32>
    %select_n3A_215 = arith.select %lt3A_214, %get3A_212, %select_n3A_206 : vector<128x128xi1>, vector<128x128xf32>
    %min3A_216 = arith.minimumf %min3A_207, %mul3A_213 : vector<128x128xf32>
    %get3A_217 = arith.constant 25 : index
    %get3A_218 = arith.constant 0 : index
    %get3A_219 = arith.constant 0 : index
    %get3A_220 = vector.load %arg1[%get3A_217, %get3A_218, %get3A_219] : memref<32x128x128xf32, #tpu.memory_space<vmem>>, vector<1x128x128xf32>
    %get3A_221 = vector.shape_cast %get3A_220 : vector<1x128x128xf32> to vector<128x128xf32>
    %mul3A_222 = arith.mulf %get3A_221, %get3A_221 : vector<128x128xf32>
    %lt3A_223 = arith.cmpf olt, %mul3A_222, %min3A_216 : vector<128x128xf32>
    %select_n3A_224 = arith.select %lt3A_223, %get3A_221, %select_n3A_215 : vector<128x128xi1>, vector<128x128xf32>
    %min3A_225 = arith.minimumf %min3A_216, %mul3A_222 : vector<128x128xf32>
    %get3A_226 = arith.constant 26 : index
    %get3A_227 = arith.constant 0 : index
    %get3A_228 = arith.constant 0 : index
    %get3A_229 = vector.load %arg1[%get3A_226, %get3A_227, %get3A_228] : memref<32x128x128xf32, #tpu.memory_space<vmem>>, vector<1x128x128xf32>
    %get3A_230 = vector.shape_cast %get3A_229 : vector<1x128x128xf32> to vector<128x128xf32>
    %mul3A_231 = arith.mulf %get3A_230, %get3A_230 : vector<128x128xf32>
    %lt3A_232 = arith.cmpf olt, %mul3A_231, %min3A_225 : vector<128x128xf32>
    %select_n3A_233 = arith.select %lt3A_232, %get3A_230, %select_n3A_224 : vector<128x128xi1>, vector<128x128xf32>
    %min3A_234 = arith.minimumf %min3A_225, %mul3A_231 : vector<128x128xf32>
    %get3A_235 = arith.constant 27 : index
    %get3A_236 = arith.constant 0 : index
    %get3A_237 = arith.constant 0 : index
    %get3A_238 = vector.load %arg1[%get3A_235, %get3A_236, %get3A_237] : memref<32x128x128xf32, #tpu.memory_space<vmem>>, vector<1x128x128xf32>
    %get3A_239 = vector.shape_cast %get3A_238 : vector<1x128x128xf32> to vector<128x128xf32>
    %mul3A_240 = arith.mulf %get3A_239, %get3A_239 : vector<128x128xf32>
    %lt3A_241 = arith.cmpf olt, %mul3A_240, %min3A_234 : vector<128x128xf32>
    %select_n3A_242 = arith.select %lt3A_241, %get3A_239, %select_n3A_233 : vector<128x128xi1>, vector<128x128xf32>
    %min3A_243 = arith.minimumf %min3A_234, %mul3A_240 : vector<128x128xf32>
    %get3A_244 = arith.constant 28 : index
    %get3A_245 = arith.constant 0 : index
    %get3A_246 = arith.constant 0 : index
    %get3A_247 = vector.load %arg1[%get3A_244, %get3A_245, %get3A_246] : memref<32x128x128xf32, #tpu.memory_space<vmem>>, vector<1x128x128xf32>
    %get3A_248 = vector.shape_cast %get3A_247 : vector<1x128x128xf32> to vector<128x128xf32>
    %mul3A_249 = arith.mulf %get3A_248, %get3A_248 : vector<128x128xf32>
    %lt3A_250 = arith.cmpf olt, %mul3A_249, %min3A_243 : vector<128x128xf32>
    %select_n3A_251 = arith.select %lt3A_250, %get3A_248, %select_n3A_242 : vector<128x128xi1>, vector<128x128xf32>
    %min3A_252 = arith.minimumf %min3A_243, %mul3A_249 : vector<128x128xf32>
    %get3A_253 = arith.constant 29 : index
    %get3A_254 = arith.constant 0 : index
    %get3A_255 = arith.constant 0 : index
    %get3A_256 = vector.load %arg1[%get3A_253, %get3A_254, %get3A_255] : memref<32x128x128xf32, #tpu.memory_space<vmem>>, vector<1x128x128xf32>
    %get3A_257 = vector.shape_cast %get3A_256 : vector<1x128x128xf32> to vector<128x128xf32>
    %mul3A_258 = arith.mulf %get3A_257, %get3A_257 : vector<128x128xf32>
    %lt3A_259 = arith.cmpf olt, %mul3A_258, %min3A_252 : vector<128x128xf32>
    %select_n3A_260 = arith.select %lt3A_259, %get3A_257, %select_n3A_251 : vector<128x128xi1>, vector<128x128xf32>
    %min3A_261 = arith.minimumf %min3A_252, %mul3A_258 : vector<128x128xf32>
    %get3A_262 = arith.constant 30 : index
    %get3A_263 = arith.constant 0 : index
    %get3A_264 = arith.constant 0 : index
    %get3A_265 = vector.load %arg1[%get3A_262, %get3A_263, %get3A_264] : memref<32x128x128xf32, #tpu.memory_space<vmem>>, vector<1x128x128xf32>
    %get3A_266 = vector.shape_cast %get3A_265 : vector<1x128x128xf32> to vector<128x128xf32>
    %mul3A_267 = arith.mulf %get3A_266, %get3A_266 : vector<128x128xf32>
    %lt3A_268 = arith.cmpf olt, %mul3A_267, %min3A_261 : vector<128x128xf32>
    %select_n3A_269 = arith.select %lt3A_268, %get3A_266, %select_n3A_260 : vector<128x128xi1>, vector<128x128xf32>
    %min3A_270 = arith.minimumf %min3A_261, %mul3A_267 : vector<128x128xf32>
    %get3A_271 = arith.constant 31 : index
    %get3A_272 = arith.constant 0 : index
    %get3A_273 = arith.constant 0 : index
    %get3A_274 = vector.load %arg1[%get3A_271, %get3A_272, %get3A_273] : memref<32x128x128xf32, #tpu.memory_space<vmem>>, vector<1x128x128xf32>
    %get3A_275 = vector.shape_cast %get3A_274 : vector<1x128x128xf32> to vector<128x128xf32>
    %mul3A_276 = arith.mulf %get3A_275, %get3A_275 : vector<128x128xf32>
    %lt3A_277 = arith.cmpf olt, %mul3A_276, %min3A_270 : vector<128x128xf32>
    %select_n3A_278 = arith.select %lt3A_277, %get3A_275, %select_n3A_269 : vector<128x128xi1>, vector<128x128xf32>
    %get3A_279 = arith.constant 0 : index
    %get3A_280 = arith.constant 0 : index
    %get3A_281 = vector.load %arg2[%get3A_279, %get3A_280] : memref<128x128xf32, #tpu.memory_space<vmem>>, vector<128x128xf32>
    %get3A_282 = arith.constant 0 : index
    %get3A_283 = arith.constant 0 : index
    %get3A_284 = vector.load %arg3[%get3A_282, %get3A_283] : memref<128x128xf32, #tpu.memory_space<vmem>>, vector<128x128xf32>
    %mul3A_285 = arith.mulf %get3A_284, %select_n3A_278 : vector<128x128xf32>
    %add3A = arith.addf %get3A_281, %mul3A_285 : vector<128x128xf32>
    %swap3A = arith.constant 0 : index
    %swap3A_286 = arith.constant 0 : index
    %swap3A_287 = vector.load %arg4[%swap3A, %swap3A_286] : memref<128x128xf32, #tpu.memory_space<vmem>>, vector<128x128xf32>
    tpu.vector_store %arg4[%swap3A, %swap3A_286], %add3A {strides = array<i32>} : memref<128x128xf32, #tpu.memory_space<vmem>>, vector<128x128xf32>,
    return
  }
  func.func @transform_0(%arg0: i32) -> (i32, i32, i32) {
    %add3A = arith.constant 4 : i32
    %add3A_0 = arith.addi %arg0, %add3A : i32
    %c0_i32 = arith.constant 0 : i32
    %c0_i32_1 = arith.constant 0 : i32
    %c0_i32_2 = arith.constant 0 : i32
    return %c0_i32, %add3A_0, %c0_i32_1 : i32, i32, i32
  }
  func.func @transform_1(%arg0: i32) -> (i32, i32) {
    %add3A = arith.constant 4 : i32
    %add3A_0 = arith.addi %arg0, %add3A : i32
    %c0_i32 = arith.constant 0 : i32
    %c0_i32_1 = arith.constant 0 : i32
    return %add3A_0, %c0_i32 : i32, i32
  }
  func.func @transform_2(%arg0: i32) -> (i32, i32) {
    %add3A = arith.constant 4 : i32
    %add3A_0 = arith.addi %arg0, %add3A : i32
    %c0_i32 = arith.constant 0 : i32
    %c0_i32_1 = arith.constant 0 : i32
    return %add3A_0, %c0_i32 : i32, i32
  }
  func.func @transform_3(%arg0: i32) -> (i32, i32) {
    %add3A = arith.constant 4 : i32
    %add3A_0 = arith.addi %arg0, %add3A : i32
    %c0_i32 = arith.constant 0 : i32
    %c0_i32_1 = arith.constant 0 : i32
    return %add3A_0, %c0_i32 : i32, i32
  }
}

</mosaic_0001>

<sc_bundles>
// kernel: kernel.4.cloned.1.call-start
scs
__scs_entry_jumppad:
0x0: {  	(pc) =	sbr.rel $0x88, $3  }
0x1: {  	(tag) =	ssettag $0x0;
	lr =	simm.s32 $0x1  }
0x2: {  	[smem:$0x3F9E] =	sst lr;
	_ =	strace $0xD0000000  }
0x3: {  	_ = 	snop  }
0x4: {  	_ = 	snop  }
0x5: {  	_ = 	snop  }
0x6: {  	_ = 	snop  }
0x7: {  	_ = 	snop  }
__scs_overlays_trampoline_lowered:
0x8: {  	[smem:$0x3FAD] =	sst s0  }
0x9: {  	[smem:$0x3FAE] =	sst s1  }
0xa: {  	[smem:$0x3FAF] =	sst s2  }
0xb: {  	[smem:$0x3FB0] =	sst s3  }
0xc: {  	[smem:$0x3FB1] =	sst s4  }
0xd: {  	[smem:$0x3FB2] =	sst s5  }
0xe: {  	[smem:$0x3FB3] =	sst s6  }
0xf: {  	[smem:$0x3FB4] =	sst s7  }
0x10: {  	[smem:$0x3FB5] =	sst s8  }
0x11: {  	[smem:$0x3FB6] =	sst s9;
	s0 =	simm.s32 @!p0 $0x0  }
0x12: {  	s1 =	sld [smem:$0x3F9C];
	s0 =	simm.s32 @p0 $0x1  }
0x13: {  	[smem:$0x3FB7] =	sst s0;
	s0 =	simm.s32 @!p1 $0x0  }
0x14: {  	s2 =	sld [smem:$0x3F9B];
	s0 =	simm.s32 @p1 $0x1  }
0x15: {  	[smem:$0x3FB8] =	sst s0;
	s0 =	simm.s32 @!p2 $0x0  }
0x16: {  	s3 =	sld [smem:$0x3FDB];
	s0 =	simm.s32 @p2 $0x1  }
0x17: {  	s4 =	simm.s32 $0x1BF5;
	[smem:$0x3FBA] =	sst s0  }
0x18: {  	s0 =	sld [smem:$0x3F9D];
	_ =	swait.ge [sflag:s4], $0x0  }
0x19: {  	s7 =	sld [smem:$0x3F9E]  }
0x1a: {  	s8 =	sadd.s32 $0xFFFFE003, lr  }
0x1b: {  	s9 =	sadd.s32 $0xFFFFFEF7, lr;
	s5 =	simm.s32 $0xFFFFFFFF;
	p2 =	slt.u32 s8, $0xFFFFF086  }
0x1c: {  	p1 =	slt.u32 s9, $0xF7A;
	s5 =	simm.s32 @!p2 $0x0  }
0x1d: {  	s5 =	simm.s32 @p1 $0x1;
	p0 =	seq.s32 s7, s2  }
0x1e: {  	s7 =	smul.u32 @!p0 $0xF7A, s2;
	p2 =	seq.s32 @!p0 s5, $0x0  }
0x1f: {  	s9 =	smul.u32 $0xF7A, s1;
	s8 =	simm.s32 @!p0 $0x1BF5;
	p2 =	por !p2, p0  }
0x20: {  	[sflag:s8] =	ssyncset.s32 @!p0 $0xFFFFF086;
	s6 =	sadd.s32 @!p0 s3, s7;
	s7 =	simm.s32 @!p0 $0x108  }
0x21: {  	s3 =	sadd.s32 s3, s9;
	s6 =	sadd.s32 @!p0 $0x88, s6;
	s7 =	simm.s32 @p2 $0x1082  }
0x22: {  	[simem:s7], [sflag:s8] =	dma.local @!p0 [hbm:s6], $0xF7A  }
0x23: {  	s9 =	sor.u32 $0xD0000000, s2;
	s6 =	simm.s32 $0x108;
	_ =	swait.ge @!p0 [sflag:s8], $0x0  }
0x24: {  	s3 =	sadd.s32 $0x88, s3;
	s6 =	simm.s32 @!p1 $0x1082;
	[sflag:s4] =	ssyncset.s32 $0xFFFFF086  }
0x25: {  	[simem:s6], [sflag:s4] =	dma.local [hbm:s3], $0xF7A  }
0x26: {  	[smem:$0x3F9E] =	sst s1;
	(tag) =	ssettag s2;
	_ =	strace s9  }
0x27: {  	s1 =	sld [smem:$0x3FAE]  }
0x28: {  	s2 =	sld [smem:$0x3FAF]  }
0x29: {  	s4 =	sld [smem:$0x3FB1]  }
0x2a: {  	p0 =	seq.s32 s5, $0x0;
	s5 =	sld [smem:$0x3FB2]  }
0x2b: {  	s6 =	sld [smem:$0x3FB3]  }
0x2c: {  	s7 =	sld [smem:$0x3FB4]  }
0x2d: {  	s3 =	simm.s32 $0x108;
	s8 =	sld [smem:$0x3FB5]  }
0x2e: {  	s3 =	simm.s32 @!p0 $0x1082;
	s9 =	sld [smem:$0x3FB6]  }
0x2f: {  	lr =	sadd.s32 s0, s3;
	s0 =	sld [smem:$0x3FAD]  }
0x30: {  	s3 =	sld [smem:$0x3FB0]  }
0x31: {  	[smem:$0x3FB9] =	sst s10  }
0x32: {  	s10 =	sld [smem:$0x3FB7];
	_ =	sdelay $0x3  }
0x33: {  	p0 =	seq.s32 s10, $0x1;
	s10 =	sld [smem:$0x3FB9];
	_ =	sdelay $0x3  }
0x34: {  	[smem:$0x3FB9] =	sst s10  }
0x35: {  	s10 =	sld [smem:$0x3FB8];
	_ =	sdelay $0x3  }
0x36: {  	p1 =	seq.s32 s10, $0x1;
	s10 =	sld [smem:$0x3FB9];
	_ =	sdelay $0x3  }
0x37: {  	[smem:$0x3FB9] =	sst s10  }
0x38: {  	s10 =	sld [smem:$0x3FBA]  }
0x39: {  	_ = 	snop;
	(pc) =	sbr.ind lr, $3  }
0x3a: {  	_ = 	snop  }
0x3b: {  	_ = 	snop  }
0x3c: {  	p2 =	seq.s32 s10, $0x1;
	s10 =	sld [smem:$0x3FB9]  }
0x3d: {  	_ =	shalt  }
0x3e: {  	_ =	shalt  }
0x3f: {  	_ =	shalt  }
0x40: {  	_ =	shalt  }
0x41: {  	_ =	shalt  }
0x42: {  	_ =	shalt  }
0x43: {  	_ =	shalt  }
0x44: {  	_ =	shalt  }
0x45: {  	_ =	shalt  }
0x46: {  	_ =	shalt  }
0x47: {  	_ =	shalt  }
0x48: {  	_ =	shalt  }
0x49: {  	_ =	shalt  }
0x4a: {  	_ =	shalt  }
0x4b: {  	_ =	shalt  }
0x4c: {  	_ =	shalt  }
0x4d: {  	_ =	shalt  }
0x4e: {  	_ =	shalt  }
0x4f: {  	_ =	shalt  }
0x50: {  	_ =	shalt  }
0x51: {  	_ =	shalt  }
0x52: {  	_ =	shalt  }
0x53: {  	_ =	shalt  }
0x54: {  	_ =	shalt  }
0x55: {  	_ =	shalt  }
0x56: {  	_ =	shalt  }
0x57: {  	_ =	shalt  }
0x58: {  	_ =	shalt  }
0x59: {  	_ =	shalt  }
0x5a: {  	_ =	shalt  }
0x5b: {  	_ =	shalt  }
0x5c: {  	_ =	shalt  }
0x5d: {  	_ =	shalt  }
0x5e: {  	_ =	shalt  }
0x5f: {  	_ =	shalt  }
0x60: {  	_ =	shalt  }
0x61: {  	_ =	shalt  }
0x62: {  	_ =	shalt  }
0x63: {  	_ =	shalt  }
0x64: {  	_ =	shalt  }
0x65: {  	_ =	shalt  }
0x66: {  	_ =	shalt  }
0x67: {  	_ =	shalt  }
0x68: {  	_ =	shalt  }
0x69: {  	_ =	shalt  }
0x6a: {  	_ =	shalt  }
0x6b: {  	_ =	shalt  }
0x6c: {  	_ =	shalt  }
0x6d: {  	_ =	shalt  }
0x6e: {  	_ =	shalt  }
0x6f: {  	_ =	shalt  }
0x70: {  	_ =	shalt  }
0x71: {  	_ =	shalt  }
0x72: {  	_ =	shalt  }
0x73: {  	_ =	shalt  }
0x74: {  	_ =	shalt  }
0x75: {  	_ =	shalt  }
0x76: {  	_ =	shalt  }
0x77: {  	_ =	shalt  }
0x78: {  	_ =	shalt  }
0x79: {  	_ =	shalt  }
0x7a: {  	_ =	shalt  }
0x7b: {  	_ =	shalt  }
0x7c: {  	_ =	shalt  }
0x7d: {  	_ =	shalt  }
0x7e: {  	_ =	shalt  }
0x7f: {  	_ =	shalt  }
0x80: {  	_ =	shalt  }
0x81: {  	_ =	shalt  }
0x82: {  	_ =	shalt  }
0x83: {  	_ =	shalt  }
0x84: {  	_ =	shalt  }
0x85: {  	_ =	shalt  }
0x86: {  	_ =	shalt  }
0x87: {  	_ =	shalt  }
.Lfunc_end0:
.L_simem_size_0:
called_computation_lowered:
.L_overlay_start_0:
0x88: {  	s2 =	sld [smem:$0x3FD9]  }
0x89: {  	s3 =	sld [smem:$0x3FFE];
	_ =	sdelay $0x1  }
0x8a: {  	s1 =	srdreg.scid  }
0x8b: {  	s0 =	sand.u32 $0x1, s1  }
0x8c: {  	s17 =	sshll.u32 s0, $0xA;
	s2 =	sadd.s32 s3, s2  }
0x8d: {  	s2 =	sadd.s32 s2, s17  }
0x8e: {  	[smem:$0x3FC5] =	sst s2  }
0x8f: {  	_ = 	snop  }
0x90: {  	s2 =	sld [smem:$0x3FC9]  }
0x91: {  	s18 =	sld [smem:$0x3FC8]  }
0x92: {  	s4 =	sld [smem:$0x3FC7];
	(tm) =	ssettm $0x1  }
0x93: {  	s5 =	sld [smem:$0x3FFB];
	_ =	sdelay $0x3  }
0x94: {  	_ =	strace s5  }
0x95: {  	s5 =	sld [smem:$0x3FFC];
	_ =	sdelay $0x3  }
0x96: {  	_ =	strace s5  }
0x97: {  	s5 =	sld [smem:$0x3FFD];
	_ =	sdelay $0x3  }
0x98: {  	_ =	strace s5  }
0x99: {  	_ =	strace $0x8FFFFFFF  }
0x9a: {  	s19 =	sld [smem:$0x3FDB];
	_ =	sdelay $0x1  }
0x9b: {  	s6 =	simm.s32 $_scs_section_size  }
0x9c: {  	s7 =	simm.s32 $_size__tile_overlayer_lowered;
	s8 =	simm.s32 $_tile_overlayer_lowered  }
0x9d: {  	s22 =	simm.s32 $0x1BFF;
	s21 =	sshll.u32 s8, $0x1;
	s5 =	sadd.s32 s6, s19  }
0x9e: {  	s9 =	simm.s32 $0x0;
	s20 =	sshll.u32 s7, $0x1;
	s7 =	sadd.s32 s21, s5  }
0x9f: {  	[timem:s9], [sflag:s22] =	dma.local [hbm:s7], s20  }
0xa0: {  	_ =	swait.ge [sflag:s22], s20  }
0xa1: {  	s6 =	ssub.s32 $0x0, s20;
	[sflag:s22] =	ssyncset.done $0x0  }
0xa2: {  	[sflag:s22] =	ssyncadd.s32 s6;
	_ =	sdelay $0x1  }
0xa3: {  	s23 =	simm.s32 $0x1B8B  }
0xa4: {  	_ =	swait.ge [sflag:s23], $0x1  }
0xa5: {  	[sflag:s23] =	ssyncset.done $0x0  }
0xa6: {  	s25 =	simm.s32 $0x1B8E;
	s24 =	sld [smem:$0x3FFE];
	[sflag:s23] =	ssyncadd.s32 $0xFFFFFFFF  }
0xa7: {  	s26 =	simm.s32 $execute0_lowered;
	[smem:$0x3FD2] =	sst s25  }
0xa8: {  	s7 =	sshll.u32 s26, $0x1;
	_ =	strace $0x80000046;
	[dreg:$0x1] =	wrdreg $0xFFFFFFFF  }
0xa9: {  	s28 =	simm.s32 $_size_execute0_lowered;
	s5 =	sadd.s32 s5, s7;
	[dreg:$0x0] =	wrdreg $0x0  }
0xaa: {  	s7 =	sshll.u32 s28, $0x1;
	[dreg:$0x2] =	wrdreg s5  }
0xab: {  	[dreg:$0x3] =	wrdreg s7  }
0xac: {  	[dreg:$0x4] =	wrdreg $0xC0  }
0xad: {  	_ =	task [dreg:s9], $0x5FFFF  }
0xae: {  	[dreg:$0x1] =	wrdreg $0xFFFFFFFF  }
0xaf: {  	[dreg:$0x0] =	wrdreg $0x60  }
0xb0: {  	[dreg:$0x2] =	wrdreg s2  }
0xb1: {  	[dreg:$0x3] =	wrdreg s18  }
0xb2: {  	[dreg:$0x4] =	wrdreg s4  }
0xb3: {  	[dreg:$0x5] =	wrdreg s24  }
0xb4: {  	[dreg:$0x6] =	wrdreg $0x9  }
0xb5: {  	_ =	task.clear_ibuf [dreg:s9], $0x7FFFF;
	_ =	strace $0x90000046  }
0xb6: {  	s29 =	simm.s32 $0x9;
	_ =	strace $0x80000048  }
0xb7: {  	_ =	swait.ge [sflag:s29], $0x1  }
0xb8: {  	[sflag:s29] =	ssyncadd.s32 $0xFFFFFFFF  }
0xb9: {  	_ =	strace $0x90000048  }
0xba: {  	_ =	sfence  }
0xbb: {  	s30 =	sld [smem:$0x0];
	_ =	sdelay $0x2  }
0xbc: {  	s31 =	sshll.u32 s1, $0xD;
	s1 =	sshrl.u32 s1, $0x2  }
0xbd: {  	s3 =	sand.u32 $0x4000, s31;
	s1 =	sadd.s32 s1, s30  }
0xbe: {  	s0 =	sor.u32 s3, s0;
	s1 =	sshll.u32 s1, $0x11  }
0xbf: {  	s0 =	sor.u32 s1, s0  }
0xc0: {  	s0 =	sadd.s32 $0x8F2B, s0  }
0xc1: {  	[sflag:s0] =	ssyncadd.remote.s32 $0x1  }
0xc2: {  	_ =	sfence.sel $0xFFFF  }
0xc3: {  	[dreg:$0x0] =	wrdreg $0xFFFFFFFF;
	(pc) =	sbr.abs _section_cstart, $3  }
0xc4: {  	[dreg:$0x1] =	wrdreg $0xFFFFFFFF  }
0xc5: {  	_ =	task.clear_ibuf [dreg:s9], $0x2FFFF;
	_ =	strace $0x9FFFFFFF  }
0xc6: {  	(tm) =	ssettm $0x7FFFFFFF  }
0xc7: {  	_ =	shalt  }
tec
execute0_lowered:
.L_overlay_start_1:
0x0: {  	(tag) =	ssettag $0x1  }
0x1: {  	s0 =	rddreg [dreg:$0x0]  }
0x2: {  	s1 =	rddreg [dreg:$0x1]  }
0x3: {  	s4 =	rddreg [dreg:$0x2];
	s5 =	srdreg.scid  }
0x4: {  	s3 =	rddreg [dreg:$0x3];
	s6 =	stileid.u32;
	s5 =	sand.u32 $0x1, s5  }
0x5: {  	s2 =	simm.s32 $0x0;
	s6 =	sshll.u32 s6, $0x9;
	s7 =	sshll.u32 s5, $0x8  }
0x6: {  	[smem:$0x7FF] =	sst s2;
	s6 =	sor.u32 s7, s6  }
0x7: {  	s19 =	sadd.s32 $0x800, s3;
	_ =	strace $0x80000047;
	s16 =	sadd.s32 s1, s6  }
0x8: {  	s3 =	sadd.s32 s4, s6;
	s18 =	sadd.s32 s19, s6;
	[dreg:$0x13] =	wrdreg s16  }
0x9: {  	s20 =	sadd.s32 $0x8000, s3;
	[dreg:$0x17] =	wrdreg s18  }
0xa: {  	s21 =	sadd.s32 $0x10000, s3;
	[dreg:$0x5] =	wrdreg s20  }
0xb: {  	s22 =	sadd.s32 $0x18000, s3;
	[dreg:$0x6] =	wrdreg s21  }
0xc: {  	s23 =	sadd.s32 $0x20000, s3;
	[dreg:$0x7] =	wrdreg s22  }
0xd: {  	s24 =	sadd.s32 $0x28000, s3;
	[dreg:$0x8] =	wrdreg s23  }
0xe: {  	s25 =	sadd.s32 $0x30000, s3;
	[dreg:$0x9] =	wrdreg s24  }
0xf: {  	s26 =	sadd.s32 $0x38000, s3;
	[dreg:$0xa] =	wrdreg s25  }
0x10: {  	s9 =	sadd.s32 $0x40000, s3;
	[dreg:$0xb] =	wrdreg s26  }
0x11: {  	s10 =	sadd.s32 $0x48000, s3;
	[dreg:$0xc] =	wrdreg s9  }
0x12: {  	s11 =	sadd.s32 $0x50000, s3;
	[dreg:$0xd] =	wrdreg s10  }
0x13: {  	s12 =	sadd.s32 $0x58000, s3;
	[dreg:$0xe] =	wrdreg s11  }
0x14: {  	s13 =	sadd.s32 $0x60000, s3;
	[dreg:$0xf] =	wrdreg s12  }
0x15: {  	s15 =	sor.u32 $0x80, s6;
	s14 =	sadd.s32 $0x68000, s3;
	[dreg:$0x10] =	wrdreg s13  }
0x16: {  	s4 =	sadd.s32 s4, s15;
	[dreg:$0x11] =	wrdreg s14  }
0x17: {  	s17 =	sadd.s32 s1, s15;
	[dreg:$0x14] =	wrdreg s4  }
0x18: {  	s19 =	sadd.s32 s19, s15;
	[dreg:$0x16] =	wrdreg s17  }
0x19: {  	s5 =	ssub.s32 $0x2, s5;
	s1 =	sadd.s32 $0xA0000, s3;
	[dreg:$0x18] =	wrdreg s19  }
0x1a: {  	s8 =	sshrl.u32 s5, $0x1;
	s7 =	sadd.s32 $0xC0000, s3;
	[smem:$0x7E6] =	sst s1  }
0x1b: {  	s5 =	ssub.s32 s5, s8;
	s8 =	sadd.s32 $0xC8000, s3;
	[smem:$0x7EA] =	sst s7  }
0x1c: {  	s16 =	sadd.s32 $0x10080, s3;
	[smem:$0x7EB] =	sst s8  }
0x1d: {  	s18 =	sadd.s32 $0x20080, s3;
	[smem:$0x7F3] =	sst s16  }
0x1e: {  	s9 =	sadd.s32 s0, s6;
	[smem:$0x7F5] =	sst s18  }
0x1f: {  	s0 =	sadd.s32 s0, s15;
	[dreg:$0x12] =	wrdreg s9  }
0x20: {  	s20 =	sadd.s32 $0x70000, s3;
	[dreg:$0x15] =	wrdreg s0  }
0x21: {  	s21 =	smax.u32 s5, $0x1;
	[dreg:$0x19] =	wrdreg s20  }
0x22: {  	s22 =	sadd.s32 $0x78000, s3;
	[dreg:$0x1a] =	wrdreg s21  }
0x23: {  	s23 =	sadd.s32 $0x80000, s3;
	[dreg:$0x1b] =	wrdreg s22  }
0x24: {  	s24 =	sadd.s32 $0x88000, s3;
	[dreg:$0x1c] =	wrdreg s23  }
0x25: {  	s25 =	sadd.s32 $0x90000, s3;
	[dreg:$0x1d] =	wrdreg s24  }
0x26: {  	s26 =	sadd.s32 $0x98000, s3;
	[dreg:$0x1e] =	wrdreg s25  }
0x27: {  	s4 =	sadd.s32 $0xA8000, s3;
	[dreg:$0x1f] =	wrdreg s26  }
0x28: {  	s5 =	sadd.s32 $0xB0000, s3;
	[smem:$0x7E7] =	sst s4  }
0x29: {  	s6 =	sadd.s32 $0xB8000, s3;
	[smem:$0x7E8] =	sst s5  }
0x2a: {  	s28 =	sadd.s32 $0x70080, s3;
	s10 =	sadd.s32 $0xD8000, s3;
	[smem:$0x7E9] =	sst s6  }
0x2b: {  	s29 =	sadd.s32 $0x78080, s3;
	s11 =	sadd.s32 $0xE0000, s3;
	[smem:$0x7ED] =	sst s10  }
0x2c: {  	s30 =	sadd.s32 $0x80080, s3;
	s12 =	sadd.s32 $0xE8000, s3;
	[smem:$0x7EE] =	sst s11  }
0x2d: {  	s31 =	sadd.s32 $0x88080, s3;
	s13 =	sadd.s32 $0xF0000, s3;
	[smem:$0x7EF] =	sst s12  }
0x2e: {  	s14 =	sadd.s32 $0xF8000, s3;
	s15 =	sadd.s32 $0x8080, s3;
	[smem:$0x7F0] =	sst s13  }
0x2f: {  	s17 =	sadd.s32 $0x18080, s3;
	s19 =	sadd.s32 $0x28080, s3;
	[smem:$0x7F1] =	sst s14  }
0x30: {  	s1 =	sadd.s32 $0x98080, s3;
	s7 =	sadd.s32 $0xB8080, s3;
	[smem:$0x7F2] =	sst s15  }
0x31: {  	s8 =	sadd.s32 $0xC0080, s3;
	s16 =	simm.s32 $0x1;
	[smem:$0x7F4] =	sst s17  }
0x32: {  	s18 =	simm.s32 $0x3;
	s9 =	sadd.s32 $0xD0000, s3;
	[smem:$0x7F6] =	sst s19  }
0x33: {  	s20 =	sadd.s32 $0x30080, s3;
	s21 =	sadd.s32 $0x38080, s3;
	s22 =	sadd.s32 $0x40080, s3  }
0x34: {  	s23 =	sadd.s32 $0x48080, s3;
	s24 =	sadd.s32 $0x50080, s3;
	[smem:$0x7EC] =	sst s9  }
0x35: {  	s25 =	sadd.s32 $0x58080, s3;
	s26 =	sadd.s32 $0x60080, s3;
	[smem:$0x7F7] =	sst s20  }
0x36: {  	s0 =	sadd.s32 $0x90080, s3;
	s4 =	sadd.s32 $0xA0080, s3;
	[smem:$0x7F8] =	sst s21  }
0x37: {  	s5 =	sadd.s32 $0xA8080, s3;
	s6 =	sadd.s32 $0xB0080, s3;
	[smem:$0x7F9] =	sst s22  }
0x38: {  	s10 =	sadd.s32 $0xD0080, s3;
	s11 =	sadd.s32 $0xD8080, s3;
	[smem:$0x7FA] =	sst s23  }
0x39: {  	s12 =	sadd.s32 $0xE0080, s3;
	s13 =	sadd.s32 $0xE8080, s3;
	[smem:$0x7FB] =	sst s24  }
0x3a: {  	s14 =	sadd.s32 $0xF0080, s3;
	s15 =	sadd.s32 $0xF8080, s3;
	[smem:$0x7FC] =	sst s25  }
0x3b: {  	s17 =	simm.s32 $0x11000;
	s19 =	simm.s32 $0x2;
	[smem:$0x7FD] =	sst s26  }
0x3c: {  	s26 =	sadd.s32 $0x68080, s3;
	s9 =	sadd.s32 $0xC8080, s3;
	s20 =	simm.s32 $0x0  }
.LBB2_1:
0x3d: {  	[tilespmem:s2], [sflag:$0x1] =	stream.linear.gather [hbm4b:s3+s2], $0x400, $0x38;
	[tilespmem:$0x11400] =	vst v63  }
0x3e: {  	s21 =	rddreg [dreg:$0x5]  }
0x3f: {  	s22 =	simm.s32 $0x400;
	s24 =	rddreg [dreg:$0x7]  }
0x40: {  	[tilespmem:s22], [sflag:$0x1] =	stream.linear.gather [hbm4b:s21+s2], $0x400, $0x38;
	[tilespmem:$0x11400] =	vst v63  }
0x41: {  	s23 =	simm.s32 $0x800;
	s22 =	rddreg [dreg:$0x6]  }
0x42: {  	[tilespmem:s23], [sflag:$0x1] =	stream.linear.gather [hbm4b:s22+s2], $0x400, $0x38;
	[tilespmem:$0x11400] =	vst v63  }
0x43: {  	s25 =	simm.s32 $0xC00;
	s22 =	rddreg [dreg:$0x8]  }
0x44: {  	[tilespmem:s25], [sflag:$0x1] =	stream.linear.gather [hbm4b:s24+s2], $0x400, $0x38;
	[tilespmem:$0x11400] =	vst v63  }
0x45: {  	s23 =	simm.s32 $0x1000;
	s24 =	rddreg [dreg:$0x9]  }
0x46: {  	[tilespmem:s23], [sflag:$0x1] =	stream.linear.gather [hbm4b:s22+s2], $0x400, $0x38;
	[tilespmem:$0x11400] =	vst v63  }
0x47: {  	s25 =	simm.s32 $0x1400;
	s22 =	rddreg [dreg:$0xa]  }
0x48: {  	[tilespmem:s25], [sflag:$0x1] =	stream.linear.gather [hbm4b:s24+s2], $0x400, $0x38;
	[tilespmem:$0x11400] =	vst v63  }
0x49: {  	s23 =	simm.s32 $0x1800;
	s24 =	rddreg [dreg:$0xb]  }
0x4a: {  	[tilespmem:s23], [sflag:$0x1] =	stream.linear.gather [hbm4b:s22+s2], $0x400, $0x38;
	[tilespmem:$0x11400] =	vst v63  }
0x4b: {  	s25 =	simm.s32 $0x1C00;
	s22 =	rddreg [dreg:$0xc]  }
0x4c: {  	[tilespmem:s25], [sflag:$0x1] =	stream.linear.gather [hbm4b:s24+s2], $0x400, $0x38;
	[tilespmem:$0x11400] =	vst v63  }
0x4d: {  	s23 =	simm.s32 $0x2000;
	s24 =	rddreg [dreg:$0xd]  }
0x4e: {  	[tilespmem:s23], [sflag:$0x1] =	stream.linear.gather [hbm4b:s22+s2], $0x400, $0x38;
	[tilespmem:$0x11400] =	vst v63  }
0x4f: {  	s25 =	simm.s32 $0x2400;
	s22 =	rddreg [dreg:$0xe]  }
0x50: {  	[tilespmem:s25], [sflag:$0x1] =	stream.linear.gather [hbm4b:s24+s2], $0x400, $0x38;
	[tilespmem:$0x11400] =	vst v63  }
0x51: {  	s23 =	simm.s32 $0x2800;
	s24 =	rddreg [dreg:$0xf]  }
0x52: {  	[tilespmem:s23], [sflag:$0x1] =	stream.linear.gather [hbm4b:s22+s2], $0x400, $0x38;
	[tilespmem:$0x11400] =	vst v63  }
0x53: {  	s25 =	simm.s32 $0x2C00;
	s22 =	rddreg [dreg:$0x10]  }
0x54: {  	[tilespmem:s25], [sflag:$0x1] =	stream.linear.gather [hbm4b:s24+s2], $0x400, $0x38;
	[tilespmem:$0x11400] =	vst v63  }
0x55: {  	s23 =	simm.s32 $0x3000;
	s24 =	rddreg [dreg:$0x11]  }
0x56: {  	[tilespmem:s23], [sflag:$0x1] =	stream.linear.gather [hbm4b:s22+s2], $0x400, $0x38;
	[tilespmem:$0x11400] =	vst v63  }
0x57: {  	s25 =	simm.s32 $0x3400;
	s22 =	rddreg [dreg:$0x19]  }
0x58: {  	[tilespmem:s25], [sflag:$0x1] =	stream.linear.gather [hbm4b:s24+s2], $0x400, $0x38;
	[tilespmem:$0x11400] =	vst v63  }
0x59: {  	s23 =	simm.s32 $0x3800;
	s24 =	rddreg [dreg:$0x1b]  }
0x5a: {  	[tilespmem:s23], [sflag:$0x1] =	stream.linear.gather [hbm4b:s22+s2], $0x400, $0x38;
	[tilespmem:$0x11400] =	vst v63  }
0x5b: {  	s25 =	simm.s32 $0x3C00;
	s22 =	rddreg [dreg:$0x1c]  }
0x5c: {  	[tilespmem:s25], [sflag:$0x1] =	stream.linear.gather [hbm4b:s24+s2], $0x400, $0x38;
	[tilespmem:$0x11400] =	vst v63  }
0x5d: {  	s23 =	simm.s32 $0x4000;
	s24 =	rddreg [dreg:$0x1d]  }
0x5e: {  	[tilespmem:s23], [sflag:$0x1] =	stream.linear.gather [hbm4b:s22+s2], $0x400, $0x38;
	[tilespmem:$0x11400] =	vst v63  }
0x5f: {  	s25 =	simm.s32 $0x4400;
	s22 =	rddreg [dreg:$0x1e]  }
0x60: {  	[tilespmem:s25], [sflag:$0x1] =	stream.linear.gather [hbm4b:s24+s2], $0x400, $0x38;
	[tilespmem:$0x11400] =	vst v63  }
0x61: {  	s23 =	simm.s32 $0x4800;
	s24 =	rddreg [dreg:$0x1f]  }
0x62: {  	[tilespmem:s23], [sflag:$0x1] =	stream.linear.gather [hbm4b:s22+s2], $0x400, $0x38;
	[tilespmem:$0x11400] =	vst v63  }
0x63: {  	s25 =	simm.s32 $0x4C00;
	s22 =	sld [smem:$0x7E6]  }
0x64: {  	[tilespmem:s25], [sflag:$0x1] =	stream.linear.gather [hbm4b:s24+s2], $0x400, $0x38;
	[tilespmem:$0x11400] =	vst v63  }
0x65: {  	s23 =	simm.s32 $0x5000;
	s24 =	sld [smem:$0x7E7]  }
0x66: {  	[tilespmem:s23], [sflag:$0x1] =	stream.linear.gather [hbm4b:s22+s2], $0x400, $0x38;
	[tilespmem:$0x11400] =	vst v63  }
0x67: {  	s25 =	simm.s32 $0x5400;
	s22 =	sld [smem:$0x7E8]  }
0x68: {  	[tilespmem:s25], [sflag:$0x1] =	stream.linear.gather [hbm4b:s24+s2], $0x400, $0x38;
	[tilespmem:$0x11400] =	vst v63  }
0x69: {  	s23 =	simm.s32 $0x5800;
	s24 =	sld [smem:$0x7E9]  }
0x6a: {  	[tilespmem:s23], [sflag:$0x1] =	stream.linear.gather [hbm4b:s22+s2], $0x400, $0x38;
	[tilespmem:$0x11400] =	vst v63  }
0x6b: {  	s25 =	simm.s32 $0x5C00;
	s22 =	sld [smem:$0x7EA]  }
0x6c: {  	[tilespmem:s25], [sflag:$0x1] =	stream.linear.gather [hbm4b:s24+s2], $0x400, $0x38;
	[tilespmem:$0x11400] =	vst v63  }
0x6d: {  	s23 =	simm.s32 $0x6000;
	s24 =	sld [smem:$0x7EB]  }
0x6e: {  	[tilespmem:s23], [sflag:$0x1] =	stream.linear.gather [hbm4b:s22+s2], $0x400, $0x38;
	[tilespmem:$0x11400] =	vst v63  }
0x6f: {  	s25 =	simm.s32 $0x6400;
	s22 =	sld [smem:$0x7EC]  }
0x70: {  	[tilespmem:s25], [sflag:$0x1] =	stream.linear.gather [hbm4b:s24+s2], $0x400, $0x38;
	[tilespmem:$0x11400] =	vst v63  }
0x71: {  	s23 =	simm.s32 $0x6800;
	s24 =	sld [smem:$0x7ED]  }
0x72: {  	[tilespmem:s23], [sflag:$0x1] =	stream.linear.gather [hbm4b:s22+s2], $0x400, $0x38;
	[tilespmem:$0x11400] =	vst v63  }
0x73: {  	s25 =	simm.s32 $0x6C00;
	s22 =	sld [smem:$0x7EE]  }
0x74: {  	[tilespmem:s25], [sflag:$0x1] =	stream.linear.gather [hbm4b:s24+s2], $0x400, $0x38;
	[tilespmem:$0x11400] =	vst v63  }
0x75: {  	s23 =	simm.s32 $0x7000;
	s24 =	sld [smem:$0x7EF]  }
0x76: {  	[tilespmem:s23], [sflag:$0x1] =	stream.linear.gather [hbm4b:s22+s2], $0x400, $0x38;
	[tilespmem:$0x11400] =	vst v63  }
0x77: {  	s25 =	simm.s32 $0x7400;
	s22 =	sld [smem:$0x7F0]  }
0x78: {  	[tilespmem:s25], [sflag:$0x1] =	stream.linear.gather [hbm4b:s24+s2], $0x400, $0x38;
	[tilespmem:$0x11400] =	vst v63  }
0x79: {  	s23 =	simm.s32 $0x7800;
	s24 =	sld [smem:$0x7F1]  }
0x7a: {  	[tilespmem:s23], [sflag:$0x1] =	stream.linear.gather [hbm4b:s22+s2], $0x400, $0x38;
	[tilespmem:$0x11400] =	vst v63  }
0x7b: {  	s25 =	simm.s32 $0x7C00;
	s22 =	rddreg [dreg:$0x12]  }
0x7c: {  	[tilespmem:s25], [sflag:$0x1] =	stream.linear.gather [hbm4b:s24+s2], $0x400, $0x38;
	[tilespmem:$0x11400] =	vst v63  }
0x7d: {  	s23 =	simm.s32 $0x10000;
	s24 =	rddreg [dreg:$0x13]  }
0x7e: {  	[tilespmem:s23], [sflag:$0x1] =	stream.linear.gather [hbm4b:s22+s2], $0x400, $0x38;
	[tilespmem:$0x11400] =	vst v63  }
0x7f: {  	s25 =	simm.s32 $0x10800;
	s22 =	rddreg [dreg:$0x14]  }
0x80: {  	[tilespmem:s25], [sflag:$0x1] =	stream.linear.gather [hbm4b:s24+s2], $0x400, $0x38;
	[tilespmem:$0x11400] =	vst v63  }
0x81: {  	s23 =	simm.s32 $0x8000;
	s24 =	sld [smem:$0x7F2]  }
0x82: {  	[tilespmem:s23], [sflag:$0x2] =	stream.linear.gather [hbm4b:s22+s2], $0x400, $0x38;
	[tilespmem:$0x11400] =	vst v63  }
0x83: {  	s25 =	simm.s32 $0x8400;
	s22 =	sld [smem:$0x7F3]  }
0x84: {  	[tilespmem:s25], [sflag:$0x2] =	stream.linear.gather [hbm4b:s24+s2], $0x400, $0x38;
	[tilespmem:$0x11400] =	vst v63  }
0x85: {  	s23 =	simm.s32 $0x8800;
	s24 =	sld [smem:$0x7F4]  }
0x86: {  	[tilespmem:s23], [sflag:$0x2] =	stream.linear.gather [hbm4b:s22+s2], $0x400, $0x38;
	[tilespmem:$0x11400] =	vst v63  }
0x87: {  	s25 =	simm.s32 $0x8C00;
	s22 =	sld [smem:$0x7F5]  }
0x88: {  	[tilespmem:s25], [sflag:$0x2] =	stream.linear.gather [hbm4b:s24+s2], $0x400, $0x38;
	[tilespmem:$0x11400] =	vst v63  }
0x89: {  	s23 =	simm.s32 $0x9000;
	s24 =	sld [smem:$0x7F6]  }
0x8a: {  	[tilespmem:s23], [sflag:$0x2] =	stream.linear.gather [hbm4b:s22+s2], $0x400, $0x38;
	[tilespmem:$0x11400] =	vst v63  }
0x8b: {  	s25 =	simm.s32 $0x9400;
	s22 =	sld [smem:$0x7F7]  }
0x8c: {  	[tilespmem:s25], [sflag:$0x2] =	stream.linear.gather [hbm4b:s24+s2], $0x400, $0x38;
	[tilespmem:$0x11400] =	vst v63  }
0x8d: {  	s23 =	simm.s32 $0x9800;
	s24 =	sld [smem:$0x7F8]  }
0x8e: {  	[tilespmem:s23], [sflag:$0x2] =	stream.linear.gather [hbm4b:s22+s2], $0x400, $0x38;
	[tilespmem:$0x11400] =	vst v63  }
0x8f: {  	s25 =	simm.s32 $0x9C00;
	s22 =	sld [smem:$0x7F9]  }
0x90: {  	[tilespmem:s25], [sflag:$0x2] =	stream.linear.gather [hbm4b:s24+s2], $0x400, $0x38;
	[tilespmem:$0x11400] =	vst v63  }
0x91: {  	s23 =	simm.s32 $0xA000;
	s24 =	sld [smem:$0x7FA]  }
0x92: {  	[tilespmem:s23], [sflag:$0x2] =	stream.linear.gather [hbm4b:s22+s2], $0x400, $0x38;
	[tilespmem:$0x11400] =	vst v63  }
0x93: {  	s25 =	simm.s32 $0xA400;
	s22 =	sld [smem:$0x7FB]  }
0x94: {  	[tilespmem:s25], [sflag:$0x2] =	stream.linear.gather [hbm4b:s24+s2], $0x400, $0x38;
	[tilespmem:$0x11400] =	vst v63  }
0x95: {  	s23 =	simm.s32 $0xA800;
	s24 =	sld [smem:$0x7FC]  }
0x96: {  	[tilespmem:s23], [sflag:$0x2] =	stream.linear.gather [hbm4b:s22+s2], $0x400, $0x38;
	[tilespmem:$0x11400] =	vst v63  }
0x97: {  	s25 =	simm.s32 $0xAC00;
	s23 =	sld [smem:$0x7FD]  }
0x98: {  	[tilespmem:s25], [sflag:$0x2] =	stream.linear.gather [hbm4b:s24+s2], $0x400, $0x38;
	[tilespmem:$0x11400] =	vst v63  }
0x99: {  	s24 =	simm.s32 $0xB000  }
0x9a: {  	[tilespmem:s24], [sflag:$0x2] =	stream.linear.gather [hbm4b:s23+s2], $0x400, $0x38;
	[tilespmem:$0x11400] =	vst v63  }
0x9b: {  	s25 =	simm.s32 $0xB400  }
0x9c: {  	[tilespmem:s25], [sflag:$0x2] =	stream.linear.gather [hbm4b:s26+s2], $0x400, $0x38;
	[tilespmem:$0x11400] =	vst v63  }
0x9d: {  	s22 =	simm.s32 $0xB800  }
0x9e: {  	[tilespmem:s22], [sflag:$0x2] =	stream.linear.gather [hbm4b:s28+s2], $0x400, $0x38;
	[tilespmem:$0x11400] =	vst v63  }
0x9f: {  	s23 =	simm.s32 $0xBC00  }
0xa0: {  	[tilespmem:s23], [sflag:$0x2] =	stream.linear.gather [hbm4b:s29+s2], $0x400, $0x38;
	[tilespmem:$0x11400] =	vst v63  }
0xa1: {  	s24 =	simm.s32 $0xC000  }
0xa2: {  	[tilespmem:s24], [sflag:$0x2] =	stream.linear.gather [hbm4b:s30+s2], $0x400, $0x38;
	[tilespmem:$0x11400] =	vst v63  }
0xa3: {  	s25 =	simm.s32 $0xC400  }
0xa4: {  	[tilespmem:s25], [sflag:$0x2] =	stream.linear.gather [hbm4b:s31+s2], $0x400, $0x38;
	[tilespmem:$0x11400] =	vst v63  }
0xa5: {  	s22 =	simm.s32 $0xC800  }
0xa6: {  	[tilespmem:s22], [sflag:$0x2] =	stream.linear.gather [hbm4b:s0+s2], $0x400, $0x38;
	[tilespmem:$0x11400] =	vst v63  }
0xa7: {  	s23 =	simm.s32 $0xCC00  }
0xa8: {  	[tilespmem:s23], [sflag:$0x2] =	stream.linear.gather [hbm4b:s1+s2], $0x400, $0x38;
	[tilespmem:$0x11400] =	vst v63  }
0xa9: {  	s24 =	simm.s32 $0xD000  }
0xaa: {  	[tilespmem:s24], [sflag:$0x2] =	stream.linear.gather [hbm4b:s4+s2], $0x400, $0x38;
	[tilespmem:$0x11400] =	vst v63  }
0xab: {  	s25 =	simm.s32 $0xD400  }
0xac: {  	[tilespmem:s25], [sflag:$0x2] =	stream.linear.gather [hbm4b:s5+s2], $0x400, $0x38;
	[tilespmem:$0x11400] =	vst v63  }
0xad: {  	s22 =	simm.s32 $0xD800  }
0xae: {  	[tilespmem:s22], [sflag:$0x2] =	stream.linear.gather [hbm4b:s6+s2], $0x400, $0x38;
	[tilespmem:$0x11400] =	vst v63  }
0xaf: {  	s23 =	simm.s32 $0xDC00  }
0xb0: {  	[tilespmem:s23], [sflag:$0x2] =	stream.linear.gather [hbm4b:s7+s2], $0x400, $0x38;
	[tilespmem:$0x11400] =	vst v63  }
0xb1: {  	s24 =	simm.s32 $0xE000  }
0xb2: {  	[tilespmem:s24], [sflag:$0x2] =	stream.linear.gather [hbm4b:s8+s2], $0x400, $0x38;
	[tilespmem:$0x11400] =	vst v63  }
0xb3: {  	s25 =	simm.s32 $0xE400  }
0xb4: {  	[tilespmem:s25], [sflag:$0x2] =	stream.linear.gather [hbm4b:s9+s2], $0x400, $0x38;
	[tilespmem:$0x11400] =	vst v63  }
0xb5: {  	s22 =	simm.s32 $0xE800  }
0xb6: {  	[tilespmem:s22], [sflag:$0x2] =	stream.linear.gather [hbm4b:s10+s2], $0x400, $0x38;
	[tilespmem:$0x11400] =	vst v63  }
0xb7: {  	s23 =	simm.s32 $0xEC00  }
0xb8: {  	[tilespmem:s23], [sflag:$0x2] =	stream.linear.gather [hbm4b:s11+s2], $0x400, $0x38;
	[tilespmem:$0x11400] =	vst v63  }
0xb9: {  	s24 =	simm.s32 $0xF000  }
0xba: {  	[tilespmem:s24], [sflag:$0x2] =	stream.linear.gather [hbm4b:s12+s2], $0x400, $0x38;
	[tilespmem:$0x11400] =	vst v63  }
0xbb: {  	s25 =	simm.s32 $0xF400  }
0xbc: {  	[tilespmem:s25], [sflag:$0x2] =	stream.linear.gather [hbm4b:s13+s2], $0x400, $0x38;
	[tilespmem:$0x11400] =	vst v63  }
0xbd: {  	s22 =	simm.s32 $0xF800  }
0xbe: {  	[tilespmem:s22], [sflag:$0x2] =	stream.linear.gather [hbm4b:s14+s2], $0x400, $0x38;
	[tilespmem:$0x11400] =	vst v63  }
0xbf: {  	s23 =	simm.s32 $0xFC00  }
0xc0: {  	[tilespmem:s23], [sflag:$0x2] =	stream.linear.gather [hbm4b:s15+s2], $0x400, $0x38;
	[tilespmem:$0x11400] =	vst v63  }
0xc1: {  	s24 =	rddreg [dreg:$0x15];
	s25 =	simm.s32 $0x10400  }
0xc2: {  	[tilespmem:s25], [sflag:$0x2] =	stream.linear.gather [hbm4b:s24+s2], $0x400, $0x38;
	[tilespmem:$0x11400] =	vst v63  }
0xc3: {  	s23 =	rddreg [dreg:$0x16];
	s24 =	simm.s32 $0x10C00  }
0xc4: {  	[tilespmem:s24], [sflag:$0x2] =	stream.linear.gather [hbm4b:s23+s2], $0x400, $0x38;
	[tilespmem:$0x11400] =	vst v63  }
0xc5: {  	_ =	swait.ge [sflag:s16], $0x8000  }
0xc6: {  	[sflag:s16] =	ssyncset.done $0x0  }
0xc7: {  	[sflag:s16] =	ssyncadd.s32 $0xFFFF8000  }
0xc8: {  	_ =	swait.ge [sflag:s16], $0x400  }
0xc9: {  	[sflag:s16] =	ssyncset.done $0x0  }
0xca: {  	[sflag:s16] =	ssyncadd.s32 $0xFFFFFC00  }
0xcb: {  	_ =	swait.ge [sflag:s16], $0x400  }
0xcc: {  	[sflag:s16] =	ssyncset.done $0x0  }
0xcd: {  	s25 =	sand.u32 $0x3E0, s2;
	[sflag:s16] =	ssyncadd.s32 $0xFFFFFC00  }
0xce: {  	v11 =	vld [tilespmem:s25+$0x7C00]  }
0xcf: {  	v8 =	vld [tilespmem:s25+$0x5C00]  }
0xd0: {  	v25 =	vld [tilespmem:s25+$0x7800]  }
0xd1: {  	v10 =	vld [tilespmem:s25+$0x1C00]  }
0xd2: {  	v63 =	vld [tilespmem:s25+$0x3C00]  }
0xd3: {  	v32 =	vld [tilespmem:s25+$0x5800]  }
0xd4: {  	v26 =	vld [tilespmem:s25+$0x7400]  }
0xd5: {  	v14 =	vld [tilespmem:s25+$0x1800]  }
0xd6: {  	v9 =	vld [tilespmem:s25+$0x3800]  }
0xd7: {  	v27 =	vld [tilespmem:s25+$0x5400]  }
0xd8: {  	v28 =	vld [tilespmem:s25+$0x7000]  }
0xd9: {  	v62 =	vld [tilespmem:s25+$0x1400]  }
0xda: {  	v30 =	vld [tilespmem:s25+$0x3400]  }
0xdb: {  	v29 =	vld [tilespmem:s25+$0x5000]  }
0xdc: {  	v23 =	vld [tilespmem:s25+$0x6C00]  }
0xdd: {  	v0 =	vld [tilespmem:s25+$0x1000]  }
0xde: {  	v31 =	vld [tilespmem:s25+$0x3000]  }
0xdf: {  	v33 =	vld [tilespmem:s25+$0x4C00];
	v1 =	vmul.f32 v10, v10  }
0xe0: {  	v21 =	vld [tilespmem:s25+$0x6800]  }
0xe1: {  	v2 =	vld [tilespmem:s25+$0xC00];
	[tilespmem:$0x1FFA0] =	vst v1;
	v1 =	vmul.f32 v14, v14  }
0xe2: {  	v35 =	vmul.f32 v11, v11;
	v13 =	vmul.f32 v8, v8;
	v34 =	vld [tilespmem:s25+$0x2C00]  }
0xe3: {  	v36 =	vmul.f32 v25, v25;
	v22 =	vld [tilespmem:s25+$0x4800];
	[tilespmem:$0x1FFB0] =	vst v1;
	v1 =	vmul.f32 v62, v62  }
0xe4: {  	v12 =	vmul.f32 v63, v63;
	v37 =	vmul.f32 v32, v32;
	v19 =	vld [tilespmem:s25+$0x6000]  }
0xe5: {  	v38 =	vmul.f32 v26, v26;
	v39 =	vmul.f32 v9, v9;
	v20 =	vld [tilespmem:s25+$0x6400];
	[tilespmem:$0x1FFC0] =	vst v1  }
0xe6: {  	v40 =	vmul.f32 v27, v27;
	v41 =	vmul.f32 v28, v28;
	v24 =	vld [tilespmem:s25+$0x4000]  }
0xe7: {  	v42 =	vmul.f32 v30, v30;
	v43 =	vld [tilespmem:s25+$0x4400];
	[tilespmem:$0x1FFD0] =	vst v0;
	v0 =	vmul.f32 v0, v0  }
0xe8: {  	v44 =	vmul.f32 v29, v29;
	v46 =	vmul.f32 v23, v23  }
0xe9: {  	v47 =	vmul.f32 v31, v31;
	v49 =	vmul.f32 v33, v33;
	[tilespmem:$0x1FFE0] =	vst v0  }
0xea: {  	v16 =	vmul.f32 v2, v2;
	v50 =	vmul.f32 v21, v21;
	v45 =	vld [tilespmem:s25+$0x2000]  }
0xeb: {  	v48 =	vld [tilespmem:s25+$0x2400];
	[tilespmem:$0x1FFF0] =	vst v2;
	v18 =	vmul.f32 v19, v19;
	v54 =	vmul.f32 v20, v20  }
0xec: {  	v51 =	vmul.f32 v34, v34;
	v15 =	vld [tilespmem:s25+$0x800];
	v55 =	vmul.f32 v24, v24  }
0xed: {  	v17 =	vld [tilespmem:s25+$0x400];
	v56 =	vmul.f32 v43, v43;
	vm0 =	vlt.f32 v54, v18;
	v54 =	vmin.f32 v18, v54  }
0xee: {  	v53 =	vmul.f32 v22, v22;
	v60 =	vsel vm0, v20, v19;
	vm0 =	vlt.f32 v50, v54  }
0xef: {  	v52 =	vld [tilespmem:s25+$0x2800];
	vm1 =	vlt.f32 v56, v55;
	v55 =	vmin.f32 v55, v56;
	v59 =	vsel vm0, v21, v60  }
0xf0: {  	v57 =	vmul.f32 v45, v45;
	v58 =	vmul.f32 v48, v48;
	v24 =	vsel vm1, v43, v24  }
0xf1: {  	s21 =	simm.s32 $0x0;
	vm1 =	vlt.f32 v53, v55;
	v43 =	vmin.f32 v54, v50;
	v61 =	vmin.f32 v55, v53  }
0xf2: {  	v20 =	vld [tilespmem:s21+$0x7C10];
	v18 =	vmul.f32 v15, v15;
	v19 =	vmul.f32 v17, v17;
	vm0 =	vlt.f32 v46, v43  }
0xf3: {  	v21 =	vld [tilespmem:s21+$0x5C10];
	v60 =	vsel vm1, v22, v24;
	vm1 =	vlt.f32 v49, v61;
	v61 =	vmin.f32 v61, v49  }
0xf4: {  	v53 =	vld [tilespmem:s21+$0x6C10];
	vm2 =	vlt.f32 v58, v57;
	v56 =	vmin.f32 v57, v58;
	v57 =	vmul.f32 v52, v52  }
0xf5: {  	v43 =	vmin.f32 v43, v46;
	v24 =	vld [tilespmem:s21+$0x7810];
	v33 =	vsel vm1, v33, v60;
	vm1 =	vlt.f32 v44, v61  }
0xf6: {  	v22 =	vld [tilespmem:s21+$0x1C10];
	v45 =	vsel vm2, v48, v45;
	vm2 =	vlt.f32 v57, v56;
	v57 =	vmin.f32 v56, v57  }
0xf7: {  	v49 =	vld [tilespmem:s21+$0x10];
	v56 =	vsel vm0, v23, v59;
	vm0 =	vlt.f32 v41, v43;
	v41 =	vmin.f32 v43, v41  }
0xf8: {  	v48 =	vld [tilespmem:s21+$0x4410];
	v59 =	vsel vm1, v29, v33;
	v29 =	vmul.f32 v21, v21;
	v45 =	vsel vm2, v52, v45  }
0xf9: {  	v23 =	vld [tilespmem:s21+$0x3C10];
	vm2 =	vlt.f32 v51, v57;
	v55 =	vmin.f32 v57, v51;
	v57 =	vmin.f32 v61, v44  }
0xfa: {  	v43 =	vld [tilespmem:s21+$0x4010];
	v28 =	vsel vm0, v28, v56;
	vm0 =	vlt.f32 v38, v41;
	v38 =	vmin.f32 v41, v38  }
0xfb: {  	v51 =	vld [tilespmem:s21+$0x7010];
	v34 =	vsel vm2, v34, v45;
	vm2 =	vlt.f32 v47, v55;
	v58 =	vmin.f32 v55, v47  }
0xfc: {  	v41 =	vld [tilespmem:s21+$0x6410];
	vm1 =	vlt.f32 v40, v57;
	v40 =	vmin.f32 v57, v40;
	v26 =	vsel vm0, v26, v28  }
0xfd: {  	v52 =	vld [tilespmem:s21+$0x2010];
	v3 =	vmul.f32 v24, v24;
	vm0 =	vlt.f32 v36, v38;
	v0 =	vmin.f32 v38, v36  }
0xfe: {  	v45 =	vld [tilespmem:s21+$0x6010];
	v54 =	vmul.f32 v49, v49;
	v57 =	vmul.f32 v53, v53;
	v60 =	vsel vm2, v31, v34  }
0xff: {  	v38 =	vld [tilespmem:s21+$0x410];
	vm2 =	vlt.f32 v42, v58;
	v44 =	vmin.f32 v58, v42;
	v34 =	vmul.f32 v20, v20  }
0x100: {  	v47 =	vld [tilespmem:s21+$0x2810];
	v31 =	vmul.f32 v22, v22;
	v46 =	vsel vm1, v27, v59;
	vm3 =	vlt.f32 v37, v40  }
0x101: {  	v27 =	vmin.f32 v40, v37;
	v37 =	vld [tilespmem:s21+$0x2410];
	v25 =	vsel vm0, v25, v26;
	vm0 =	vlt.f32 v35, v0  }
0x102: {  	v40 =	vld [tilespmem:s21+$0x6810];
	v26 =	vmin.f32 v0, v35;
	v28 =	vsel vm2, v30, v60;
	v42 =	vmul.f32 v48, v48  }
0x103: {  	vm1 =	vlt.f32 v39, v44;
	v33 =	vmul.f32 v23, v23;
	v61 =	vmul.f32 v43, v43  }
0x104: {  	v30 =	vmin.f32 v44, v39;
	v50 =	vmul.f32 v51, v51;
	v44 =	vmul.f32 v41, v41  }
0x105: {  	v55 =	vld [tilespmem:s21+$0x4810];
	v36 =	vsel vm3, v32, v46;
	v46 =	vmul.f32 v52, v52;
	v39 =	vmul.f32 v45, v45  }
0x106: {  	v56 =	vld [tilespmem:s21+$0x810];
	v32 =	vmul.f32 v38, v38;
	vm2 =	vlt.f32 v42, v61;
	v59 =	vmul.f32 v47, v47  }
0x107: {  	v35 =	vmin.f32 v61, v42;
	v60 =	vmul.f32 v37, v37;
	v61 =	vmul.f32 v40, v40  }
0x108: {  	v43 =	vsel vm2, v48, v43;
	vm3 =	vlt.f32 v44, v39;
	v39 =	vmin.f32 v39, v44  }
0x109: {  	vm4 =	vlt.f32 v32, v54;
	v32 =	vmin.f32 v54, v32;
	vm5 =	vlt.f32 v60, v46  }
0x10a: {  	v58 =	vld [tilespmem:s21+$0x2C10];
	v46 =	vmin.f32 v46, v60;
	v41 =	vsel vm3, v41, v45;
	v60 =	vmul.f32 v55, v55  }
0x10b: {  	v1 =	vld [tilespmem:s21+$0x7410];
	vm2 =	vlt.f32 v61, v39;
	v39 =	vmin.f32 v39, v61;
	v61 =	vmul.f32 v56, v56  }
0x10c: {  	v48 =	vld [tilespmem:s21+$0x1010];
	v38 =	vsel vm4, v38, v49;
	v37 =	vsel vm5, v37, v52;
	vm5 =	vlt.f32 v59, v46  }
0x10d: {  	v54 =	vld [tilespmem:s21+$0x4C10];
	v46 =	vmin.f32 v46, v59;
	v40 =	vsel vm2, v40, v41;
	vm2 =	vlt.f32 v57, v39  }
0x10e: {  	v45 =	vld [tilespmem:s21+$0xC10];
	v39 =	vmin.f32 v39, v57;
	vm3 =	vlt.f32 v60, v35;
	v35 =	vmin.f32 v35, v60  }
0x10f: {  	vm4 =	vlt.f32 v61, v32;
	v44 =	vmin.f32 v32, v61;
	v61 =	vmul.f32 v58, v58  }
0x110: {  	v52 =	vld [tilespmem:s21+$0x5010];
	v37 =	vsel vm5, v47, v37;
	v40 =	vsel vm2, v53, v40;
	vm2 =	vlt.f32 v50, v39  }
0x111: {  	v7 =	vld [tilespmem:s21+$0x3410];
	v47 =	vmul.f32 v1, v1;
	v55 =	vsel vm3, v55, v43;
	v56 =	vsel vm4, v56, v38  }
0x112: {  	v59 =	vld [tilespmem:s21+$0x3010];
	v43 =	vmul.f32 v48, v48;
	v51 =	vsel vm2, v51, v40;
	v49 =	vmul.f32 v54, v54  }
0x113: {  	v32 =	vld [tilespmem:s21+$0x5810];
	vm2 =	vlt.f32 v13, v27;
	vm5 =	vlt.f32 v61, v46;
	v60 =	vmul.f32 v45, v45  }
0x114: {  	v38 =	vld [tilespmem:s21+$0x1810];
	v57 =	vmin.f32 v46, v61;
	v58 =	vsel vm5, v58, v37;
	vm3 =	vlt.f32 v49, v35  }
0x115: {  	v46 =	vld [tilespmem:s21+$0x1410];
	v35 =	vmin.f32 v35, v49;
	v49 =	vmul.f32 v52, v52;
	vm4 =	vlt.f32 v60, v44  }
0x116: {  	v2 =	vld [tilespmem:s21+$0x5410];
	v41 =	vmin.f32 v44, v60;
	v54 =	vsel vm3, v54, v55;
	v44 =	vmin.f32 v39, v50  }
0x117: {  	v60 =	vsel vm4, v45, v56;
	v45 =	vmul.f32 v59, v59;
	vm3 =	vlt.f32 v49, v35  }
0x118: {  	v35 =	vmin.f32 v35, v49;
	v49 =	vmul.f32 v32, v32;
	vm4 =	vlt.f32 v43, v41  }
0x119: {  	v61 =	vmin.f32 v41, v43;
	v41 =	vld [tilespmem:s21+$0x3810];
	v50 =	vmul.f32 v38, v38;
	v56 =	vmul.f32 v7, v7  }
0x11a: {  	v40 =	vsel vm3, v52, v54;
	v43 =	vmul.f32 v46, v46;
	vm3 =	vlt.f32 v47, v44  }
0x11b: {  	vm6 =	vlt.f32 v45, v57;
	v39 =	vmin.f32 v57, v45;
	v57 =	vmul.f32 v2, v2  }
0x11c: {  	v37 =	vld [tilespmem:s21+$0x10800];
	v52 =	vmin.f32 v44, v47;
	v53 =	vsel vm4, v48, v60;
	vm4 =	vlt.f32 v43, v61  }
0x11d: {  	v47 =	vld [tilespmem:s21+$0x0];
	v54 =	vsel vm6, v59, v58;
	vm6 =	vlt.f32 v56, v39;
	vm5 =	vlt.f32 v57, v35  }
0x11e: {  	s22 =	simm.s32 $0x0;
	s23 =	simm.s32 $0x20;
	s24 =	simm.s32 $0x0;
	v55 =	vmin.f32 v35, v57;
	v57 =	vmin.f32 v61, v43;
	v35 =	vld [tilespmem:s21+$0x10000];
	v48 =	vmul.f32 v41, v41  }
.LBB2_2:
0x11f: {  	v39 =	vmin.f32 v39, v56;
	v46 =	vsel vm4, v46, v53  }
0x120: {  	v60 =	vmin.f32 v55, v49;
	vm4 =	vlt.f32 v50, v57;
	v61 =	vmin.f32 v57, v50  }
0x121: {  	v38 =	vsel vm4, v38, v46;
	vm4 =	vlt.f32 v31, v61;
	v31 =	vmin.f32 v61, v31  }
0x122: {  	v22 =	vsel vm4, v22, v38;
	v51 =	vsel vm3, v1, v51;
	vm3 =	vlt.f32 v3, v52  }
0x123: {  	v44 =	vsel vm5, v2, v40;
	vm5 =	vlt.f32 v49, v55;
	v42 =	vmin.f32 v52, v3  }
0x124: {  	v45 =	vsel vm6, v7, v54;
	vm6 =	vlt.f32 v48, v39;
	v55 =	vmin.f32 v39, v48  }
0x125: {  	v24 =	vsel vm3, v24, v51;
	vm3 =	vlt.f32 v34, v42;
	v32 =	vsel vm5, v32, v44  }
0x126: {  	vm5 =	vlt.f32 v29, v60;
	v57 =	vmin.f32 v42, v34;
	v29 =	vmin.f32 v60, v29  }
0x127: {  	v41 =	vsel vm6, v41, v45;
	vm6 =	vlt.f32 v33, v55;
	v58 =	vmin.f32 v55, v33  }
0x128: {  	v23 =	vsel vm6, v23, v41;
	vm4 =	vlt.f32 v58, v31;
	v31 =	vmin.f32 v58, v31  }
0x129: {  	v21 =	vsel vm5, v21, v32;
	v22 =	vsel vm4, v23, v22;
	vm4 =	vlt.f32 v29, v31  }
0x12a: {  	v23 =	vmin.f32 v29, v31;
	v21 =	vsel vm4, v21, v22;
	v22 =	vmul.f32 v47, v47  }
0x12b: {  	v0 =	vld [tilespmem:$0x1FFF0];
	v20 =	vsel vm3, v20, v24;
	vm3 =	vlt.f32 v57, v23  }
0x12c: {  	v20 =	vsel vm3, v20, v21;
	vm3 =	vlt.f32 v19, v22;
	v19 =	vmin.f32 v22, v19  }
0x12d: {  	v17 =	vsel vm3, v17, v47;
	vm3 =	vlt.f32 v18, v19  }
0x12e: {  	v2 =	vsel vm3, v15, v17;
	v17 =	vmin.f32 v19, v18  }
0x12f: {  	v18 =	vsel vm2, v8, v36;
	vm2 =	vlt.f32 v16, v17  }
0x130: {  	v8 =	vsel vm2, v0, v2;
	v0 =	vld [tilespmem:$0x1FFE0]  }
0x131: {  	s25 =	sand.u32 $0x3E0, s23;
	v59 =	vld [tilespmem:s21+$0x10810]  }
0x132: {  	v43 =	vld [tilespmem:s25+$0x7C00]  }
0x133: {  	v53 =	vld [tilespmem:s25+$0x1C00]  }
0x134: {  	v56 =	vld [tilespmem:s25+$0x3C00];
	v9 =	vsel vm1, v9, v28;
	vm1 =	vlt.f32 v12, v30;
	v16 =	vmin.f32 v17, v16  }
0x135: {  	v17 =	vsel vm1, v63, v9;
	vm1 =	vlt.f32 v0, v16;
	v2 =	vmin.f32 v16, v0;
	v0 =	vld [tilespmem:$0x1FFD0]  }
0x136: {  	v61 =	vld [tilespmem:s25+$0x3800]  }
0x137: {  	v46 =	vld [tilespmem:s25+$0x6400]  }
0x138: {  	v52 =	vld [tilespmem:s25+$0x5C00]  }
0x139: {  	v40 =	vld [tilespmem:s25+$0x7800]  }
0x13a: {  	v6 =	vsel vm1, v0, v8;
	v0 =	vld [tilespmem:$0x1FFC0]  }
0x13b: {  	v39 =	vld [tilespmem:s25+$0x5800]  }
0x13c: {  	v48 =	vld [tilespmem:s25+$0x5400]  }
0x13d: {  	v28 =	vld [tilespmem:s25+$0x3400]  }
0x13e: {  	v12 =	vmin.f32 v30, v12;
	v30 =	vld [tilespmem:s25+$0x3000]  }
0x13f: {  	vm1 =	vlt.f32 v0, v2;
	v8 =	vmin.f32 v2, v0;
	v0 =	vld [tilespmem:$0x1FFB0]  }
0x140: {  	v49 =	vld [tilespmem:s25+$0x2800]  }
0x141: {  	v42 =	vld [tilespmem:s25+$0x7400]  }
0x142: {  	v60 =	vld [tilespmem:s25+$0x1800]  }
0x143: {  	v33 =	vld [tilespmem:s25+$0x4C00]  }
0x144: {  	v6 =	vsel vm1, v62, v6;
	vm1 =	vlt.f32 v0, v8;
	v8 =	vmin.f32 v8, v0;
	v0 =	vld [tilespmem:$0x1FFA0]  }
0x145: {  	v45 =	vld [tilespmem:s25+$0x6800]  }
0x146: {  	v34 =	vld [tilespmem:s25+$0x2C00];
	v4 =	vmov v53  }
0x147: {  	v13 =	vmin.f32 v27, v13;
	v11 =	vsel vm0, v11, v25;
	v29 =	vld [tilespmem:s21+$0x10010];
	v3 =	vmov v61;
	[tilespmem:$0x1FF80] =	vst v4  }
0x148: {  	v44 =	vld [tilespmem:s25+$0x6000];
	v41 =	vmul.f32 v46, v46;
	[tilespmem:$0x1FF70] =	vst v3;
	v1 =	vmov v52;
	v20 =	vmul.f32 v20, v59  }
0x149: {  	v21 =	vld [tilespmem:s25+$0x1400];
	[tilespmem:$0x1FF40] =	vst v1;
	v6 =	vsel vm1, v14, v6;
	vm1 =	vlt.f32 v0, v8;
	v7 =	vmin.f32 v8, v0  }
0x14a: {  	v51 =	vld [tilespmem:s25+$0x4400];
	v5 =	vmovc v60;
	v8 =	vsel vm1, v10, v6;
	vm1 =	vlt.f32 v12, v7;
	v7 =	vmin.f32 v12, v7  }
0x14b: {  	v31 =	vld [tilespmem:s25+$0x6C00];
	[tilespmem:$0x1FED0] =	vst v5;
	v10 =	vsel vm1, v17, v8;
	vm1 =	vlt.f32 v13, v7;
	v7 =	vmin.f32 v13, v7  }
0x14c: {  	v23 =	vld [tilespmem:s25+$0x7000];
	v20 =	vadd.f32 v20, v29;
	v15 =	vmovc v56;
	v10 =	vsel vm1, v18, v10;
	vm0 =	vlt.f32 v26, v7  }
0x14d: {  	v25 =	vmul.f32 v61, v3;
	v58 =	vmul.f32 v30, v30;
	v22 =	vld [tilespmem:s25+$0x5000];
	[tilespmem:$0x1FE30] =	vst v15;
	v7 =	vsel vm0, v11, v10  }
0x14e: {  	v50 =	vmul.f32 v42, v42;
	v19 =	vld [tilespmem:s25+$0x1000];
	[tilespmem:s21+$0x11010] =	vst v20;
	v9 =	vmov v21;
	v10 =	vmul.f32 v7, v37  }
0x14f: {  	v47 =	vld [tilespmem:s25+$0x4800];
	[tilespmem:$0x1FE40] =	vst v9;
	v6 =	vmov v43;
	v13 =	vmul.f32 v52, v1;
	v1 =	vmul.f32 v53, v4  }
0x150: {  	v59 =	vmul.f32 v33, v33;
	v61 =	vmul.f32 v45, v45;
	v2 =	vld [tilespmem:s25+$0xC00];
	[tilespmem:$0x1FEC0] =	vst v6;
	v11 =	vadd.f32 v10, v35  }
0x151: {  	v26 =	vmul.f32 v43, v6;
	v6 =	vld [tilespmem:s25+$0x800];
	[tilespmem:$0x1FFA0] =	vst v1;
	v1 =	vmul.f32 v56, v15  }
0x152: {  	v38 =	vmul.f32 v44, v44;
	v36 =	vmul.f32 v39, v39;
	v35 =	vld [tilespmem:s25+$0x4000];
	[tilespmem:s21+$0x11000] =	vst v11  }
0x153: {  	v55 =	vmul.f32 v31, v31;
	v0 =	vmov v19;
	[tilespmem:$0x1FEB0] =	vst v1;
	v1 =	vmul.f32 v60, v5;
	v5 =	vld [tilespmem:s25+$0x400]  }
0x154: {  	s24 =	sadd.s32 $0x80, s24;
	v54 =	vmul.f32 v23, v23;
	[tilespmem:$0x1FFD0] =	vst v0;
	v0 =	vmul.f32 v19, v0;
	v52 =	vld [tilespmem:s25+$0x2000]  }
0x155: {  	v57 =	vmul.f32 v22, v22;
	v63 =	vmul.f32 v47, v47;
	[tilespmem:$0x1FFF0] =	vst v2;
	s21 =	sshra.s32 s24, $0x2;
	v53 =	vld [tilespmem:s25+$0x2400]  }
0x156: {  	v62 =	vmul.f32 v34, v34;
	[tilespmem:$0x1FFE0] =	vst v0;
	v0 =	vmul.f32 v2, v2;
	v7 =	vld [tilespmem:s21+$0x7C10]  }
0x157: {  	v2 =	vmul.f32 v51, v51;
	[tilespmem:$0x1FFB0] =	vst v1;
	v1 =	vmul.f32 v21, v9;
	v32 =	vld [tilespmem:s21+$0x5C10]  }
0x158: {  	v56 =	vmul.f32 v48, v48;
	[tilespmem:$0x1FE80] =	vst v0;
	v0 =	vmul.f32 v6, v6;
	v9 =	vld [tilespmem:s21+$0x7810]  }
0x159: {  	v37 =	vmul.f32 v40, v40;
	v60 =	vmul.f32 v28, v28;
	[tilespmem:$0x1FFC0] =	vst v1  }
0x15a: {  	[tilespmem:$0x1FE70] =	vst v0;
	v0 =	vmul.f32 v49, v49;
	v8 =	vld [tilespmem:s21+$0x7410];
	v1 =	vmul.f32 v35, v35  }
0x15b: {  	vm0 =	vlt.f32 v41, v38;
	[tilespmem:$0x1FE60] =	vst v6;
	v15 =	vld [tilespmem:s21+$0x5010];
	v3 =	vmul.f32 v52, v52;
	v4 =	vmul.f32 v53, v53  }
0x15c: {  	vm2 =	vlt.f32 v2, v1;
	[tilespmem:$0x1FEF0] =	vst v5;
	v5 =	vmul.f32 v5, v5;
	v20 =	vmul.f32 v32, v32  }
0x15d: {  	v11 =	vld [tilespmem:s21+$0x1C10];
	v1 =	vmin.f32 v1, v2;
	[tilespmem:$0x1FEA0] =	vst v7;
	v29 =	vmul.f32 v7, v7;
	v7 =	vmul.f32 v9, v9  }
0x15e: {  	v6 =	vld [tilespmem:s21+$0x3C10];
	[tilespmem:$0x1FE90] =	vst v5;
	v5 =	vmin.f32 v38, v41;
	vm1 =	vlt.f32 v4, v3;
	v2 =	vmin.f32 v3, v4  }
0x15f: {  	v14 =	vld [tilespmem:s21+$0x7010];
	v3 =	vsel vm0, v46, v44;
	v4 =	vsel vm2, v51, v35;
	vm2 =	vlt.f32 v63, v1  }
0x160: {  	v12 =	vld [tilespmem:s21+$0x5810];
	v1 =	vmin.f32 v1, v63;
	[tilespmem:$0x1FF60] =	vst v7;
	v7 =	vmul.f32 v8, v8;
	v44 =	vmul.f32 v15, v15  }
0x161: {  	v16 =	vld [tilespmem:s21+$0x1010];
	vm0 =	vlt.f32 v61, v5;
	v5 =	vmin.f32 v5, v61;
	v53 =	vsel vm1, v53, v52  }
0x162: {  	v17 =	vld [tilespmem:s21+$0x3810];
	vm1 =	vlt.f32 v0, v2;
	v0 =	vmin.f32 v2, v0;
	v2 =	vsel vm0, v45, v3  }
0x163: {  	v19 =	vld [tilespmem:s21+$0x3410];
	[tilespmem:$0x1FF20] =	vst v8;
	vm0 =	vlt.f32 v55, v5;
	v3 =	vsel vm2, v47, v4;
	vm2 =	vlt.f32 v59, v1  }
0x164: {  	v18 =	vld [tilespmem:s21+$0x3010];
	[tilespmem:$0x1FF00] =	vst v14;
	v4 =	vmin.f32 v5, v55;
	v5 =	vsel vm1, v49, v53;
	vm1 =	vlt.f32 v62, v0  }
0x165: {  	v63 =	vld [tilespmem:s21+$0x6410];
	v52 =	vmovc v32;
	v1 =	vmin.f32 v1, v59;
	v0 =	vmin.f32 v0, v62;
	v49 =	vmul.f32 v12, v12  }
0x166: {  	v8 =	vld [tilespmem:s21+$0x2810];
	v32 =	vmovc v12;
	v12 =	vmul.f32 v14, v14;
	v14 =	vmul.f32 v16, v16;
	v2 =	vsel vm0, v31, v2  }
0x167: {  	v61 =	vld [tilespmem:s21+$0x6810];
	vm0 =	vlt.f32 v54, v4;
	v3 =	vsel vm2, v33, v3;
	vm2 =	vlt.f32 v57, v1  }
0x168: {  	v55 =	vld [tilespmem:s21+$0x6C10];
	v4 =	vmin.f32 v4, v54;
	v5 =	vsel vm1, v34, v5;
	vm1 =	vlt.f32 v58, v0  }
0x169: {  	v59 =	vld [tilespmem:s21+$0xC10];
	v1 =	vmin.f32 v1, v57;
	v0 =	vmin.f32 v0, v58;
	v34 =	vmul.f32 v11, v11  }
0x16a: {  	v62 =	vld [tilespmem:s21+$0x6010];
	v33 =	vmul.f32 v6, v6;
	v2 =	vsel vm0, v23, v2;
	vm0 =	vlt.f32 v50, v4  }
0x16b: {  	[tilespmem:$0x1FF50] =	vst v16;
	v16 =	vld [tilespmem:s21+$0x410];
	v3 =	vsel vm2, v22, v3;
	vm2 =	vlt.f32 v56, v1;
	v4 =	vmin.f32 v4, v50  }
0x16c: {  	v57 =	vld [tilespmem:s21+$0x4C10];
	v5 =	vsel vm1, v30, v5;
	vm1 =	vlt.f32 v60, v0;
	v1 =	vmin.f32 v1, v56  }
0x16d: {  	v58 =	vld [tilespmem:s21+$0x2C10];
	v0 =	vmin.f32 v0, v60;
	v56 =	vmul.f32 v19, v19;
	v2 =	vsel vm0, v42, v2  }
0x16e: {  	v51 =	vmovc v6;
	v6 =	vld [tilespmem:s21+$0x810];
	vm0 =	vlt.f32 v37, v4;
	v4 =	vmin.f32 v4, v37;
	v3 =	vsel vm2, v48, v3  }
0x16f: {  	v45 =	vmovc v17;
	v60 =	vld [tilespmem:s21+$0x4810];
	v48 =	vmul.f32 v17, v17;
	vm2 =	vlt.f32 v36, v1;
	v27 =	vmin.f32 v1, v36  }
0x170: {  	v53 =	vmovc v11;
	v11 =	vld [tilespmem:s21+$0x4010];
	v31 =	vsel vm1, v28, v5;
	vm1 =	vlt.f32 v25, v0;
	v17 =	vmul.f32 v18, v18  }
0x171: {  	[tilespmem:$0x1FF30] =	vst v19;
	v1 =	vld [tilespmem:s21+$0x4410];
	v22 =	vmul.f32 v63, v63;
	v19 =	vmul.f32 v61, v61;
	v43 =	vsel vm0, v40, v2  }
0x172: {  	v5 =	vld [tilespmem:s21+$0x10];
	vm0 =	vlt.f32 v26, v4;
	v42 =	vmin.f32 v4, v26;
	v26 =	vmul.f32 v8, v8  }
0x173: {  	[tilespmem:$0x1FF10] =	vst v15;
	v30 =	vmin.f32 v0, v25;
	v25 =	vld [tilespmem:s21+$0x2010];
	v15 =	vmul.f32 v55, v55;
	v0 =	vmul.f32 v59, v59  }
0x174: {  	v40 =	vld [tilespmem:s21+$0x2410];
	v21 =	vmul.f32 v62, v62;
	v24 =	vmul.f32 v16, v16  }
0x175: {  	[tilespmem:$0x1FF90] =	vst v18;
	v18 =	vmul.f32 v57, v57;
	v2 =	vmul.f32 v58, v58  }
0x176: {  	v10 =	vld [tilespmem:s21+$0x5410];
	[tilespmem:$0x1FE50] =	vst v20;
	v36 =	vsel vm2, v39, v3;
	v4 =	vmul.f32 v6, v6;
	v20 =	vmul.f32 v60, v60  }
0x177: {  	v38 =	vld [tilespmem:s21+$0x1810];
	v3 =	vmul.f32 v11, v11;
	vm3 =	vlt.f32 v22, v21;
	v39 =	vmul.f32 v1, v1  }
0x178: {  	v46 =	vld [tilespmem:s21+$0x1410];
	v21 =	vmin.f32 v21, v22;
	v23 =	vmul.f32 v5, v5;
	v28 =	vmul.f32 v25, v25  }
0x179: {  	v41 =	vld [tilespmem:s21+$0x10000];
	v35 =	vmul.f32 v40, v40;
	vm4 =	vlt.f32 v39, v3;
	v3 =	vmin.f32 v3, v39  }
0x17a: {  	v47 =	vld [tilespmem:s21+$0x0];
	vm5 =	vlt.f32 v24, v23;
	v22 =	vmin.f32 v23, v24;
	v24 =	vsel vm3, v63, v62  }
0x17b: {  	v37 =	vld [tilespmem:s21+$0x10800];
	vm3 =	vlt.f32 v19, v21;
	vm6 =	vlt.f32 v35, v28;
	v23 =	vmin.f32 v28, v35  }
0x17c: {  	v63 =	vld [tilespmem:$0x1FE30];
	v1 =	vsel vm4, v1, v11;
	vm4 =	vlt.f32 v20, v3;
	v11 =	vmin.f32 v21, v19  }
0x17d: {  	v62 =	vld [tilespmem:$0x1FE40];
	v5 =	vsel vm5, v16, v5;
	vm5 =	vlt.f32 v4, v22;
	v3 =	vmin.f32 v3, v20  }
0x17e: {  	v4 =	vmin.f32 v22, v4;
	v20 =	vsel vm3, v61, v24;
	v61 =	vld [tilespmem:$0x1FF00];
	v28 =	vmovc v31;
	v31 =	vmov v34  }
0x17f: {  	v34 =	vmovc v29;
	v16 =	vsel vm6, v40, v25;
	vm6 =	vlt.f32 v26, v23;
	v19 =	vmin.f32 v23, v26;
	v29 =	vld [tilespmem:$0x1FE50]  }
0x180: {  	vm3 =	vlt.f32 v15, v11;
	v1 =	vsel vm4, v60, v1;
	v11 =	vmin.f32 v11, v15;
	v15 =	vld [tilespmem:$0x1FE60]  }
0x181: {  	vm4 =	vlt.f32 v18, v3;
	v5 =	vsel vm5, v6, v5;
	v3 =	vmin.f32 v3, v18;
	v18 =	vld [tilespmem:$0x1FE70]  }
0x182: {  	vm5 =	vlt.f32 v0, v4;
	v0 =	vmin.f32 v4, v0;
	v4 =	vsel vm6, v8, v16;
	v16 =	vld [tilespmem:$0x1FE80]  }
0x183: {  	vm6 =	vlt.f32 v2, v19;
	v2 =	vmin.f32 v19, v2;
	v19 =	vld [tilespmem:$0x1FE90]  }
0x184: {  	v6 =	vsel vm3, v55, v20;
	v20 =	vld [tilespmem:$0x1FEA0]  }
0x185: {  	vm3 =	vlt.f32 v12, v11;
	v8 =	vmin.f32 v11, v12;
	v12 =	vld [tilespmem:$0x1FEB0]  }
0x186: {  	v11 =	vld [tilespmem:$0x1FEC0]  }
0x187: {  	v54 =	vmovc v9;
	v9 =	vmul.f32 v10, v10;
	v23 =	vmov v51;
	v51 =	vsel vm3, v61, v6;
	v6 =	vld [tilespmem:$0x1FF10]  }
0x188: {  	[tilespmem:$0x1FEE0] =	vst v10;
	v10 =	vmul.f32 v46, v46;
	vm7 =	vlt.f32 v14, v0;
	v0 =	vmin.f32 v0, v14;
	v14 =	vld [tilespmem:$0x1FED0]  }
0x189: {  	v4 =	vsel vm6, v58, v4;
	vm6 =	vlt.f32 v17, v2;
	v39 =	vmin.f32 v2, v17;
	v2 =	vld [tilespmem:$0x1FEE0]  }
0x18a: {  	v1 =	vsel vm4, v57, v1;
	vm4 =	vlt.f32 v44, v3;
	v3 =	vmin.f32 v3, v44;
	v17 =	vld [tilespmem:$0x1FEF0]  }
0x18b: {  	v5 =	vsel vm5, v59, v5;
	vm5 =	vlt.f32 v9, v3;
	v55 =	vmin.f32 v3, v9;
	v3 =	vld [tilespmem:$0x1FF60]  }
0x18c: {  	s22 =	sadd.s32 $0x2, s22;
	v40 =	vsel vm4, v6, v1;
	v6 =	vld [tilespmem:$0x1FF50]  }
0x18d: {  	p0 =	slt.u32 s22, $0x3E;
	v57 =	vmin.f32 v0, v10;
	vm4 =	vlt.f32 v10, v0;
	v0 =	vld [tilespmem:$0x1FF90]  }
.Ltmp0:
0x18e: {  	v9 =	vld [tilespmem:$0x1FF70];
	(pc) =	sbr.rel @p0 .LBB2_2-.Ltmp0, $4  }
0x18f: {  	v21 =	vmov v52;
	v52 =	vmin.f32 v8, v7;
	vm3 =	vlt.f32 v7, v8;
	v7 =	vld [tilespmem:$0x1FF30]  }
0x190: {  	v50 =	vmul.f32 v38, v38;
	vm2 =	vlt.f32 v13, v27;
	v8 =	vld [tilespmem:$0x1FF40]  }
0x191: {  	v25 =	vmovc v43;
	v26 =	vmovc v42;
	v35 =	vmov v41;
	v41 =	vmov v45;
	v22 =	vmov v53;
	v1 =	vld [tilespmem:$0x1FF20]  }
0x192: {  	s23 =	sadd.s32 $0x20, s23;
	v24 =	vmovc v54;
	v10 =	vld [tilespmem:$0x1FF80];
	v53 =	vsel vm7, v6, v5;
	v54 =	vsel vm6, v0, v4;
	vm6 =	vlt.f32 v56, v39  }
0x193: {  	v0 =	vmin.f32 v39, v56;
	v2 =	vsel vm5, v2, v40;
	vm5 =	vlt.f32 v49, v55  }
0x194: {  	v4 =	vsel vm4, v46, v53;
	vm4 =	vlt.f32 v50, v57;
	v5 =	vmin.f32 v55, v49  }
0x195: {  	v6 =	vmin.f32 v57, v50;
	v7 =	vsel vm6, v7, v54;
	vm6 =	vlt.f32 v48, v0  }
0x196: {  	v0 =	vmin.f32 v0, v48;
	v2 =	vsel vm5, v32, v2;
	vm5 =	vlt.f32 v29, v5  }
0x197: {  	v4 =	vsel vm4, v38, v4;
	vm4 =	vlt.f32 v31, v6;
	v5 =	vmin.f32 v5, v29  }
0x198: {  	v6 =	vmin.f32 v6, v31;
	v7 =	vsel vm6, v41, v7;
	vm6 =	vlt.f32 v33, v0  }
0x199: {  	v0 =	vmin.f32 v0, v33;
	v4 =	vsel vm4, v22, v4;
	v2 =	vsel vm5, v21, v2  }
0x19a: {  	v1 =	vsel vm3, v1, v51;
	vm3 =	vlt.f32 v3, v52;
	v3 =	vmin.f32 v52, v3  }
0x19b: {  	v7 =	vsel vm6, v23, v7;
	vm4 =	vlt.f32 v0, v6;
	v0 =	vmin.f32 v0, v6  }
0x19c: {  	v1 =	vsel vm3, v24, v1;
	vm3 =	vlt.f32 v34, v3;
	v3 =	vmin.f32 v3, v34  }
0x19d: {  	v4 =	vsel vm4, v7, v4;
	vm4 =	vlt.f32 v5, v0;
	v0 =	vmin.f32 v5, v0  }
0x19e: {  	v7 =	vld [tilespmem:$0x1FFF0];
	v1 =	vsel vm3, v20, v1;
	vm3 =	vlt.f32 v3, v0;
	v0 =	vmul.f32 v47, v47  }
0x19f: {  	v2 =	vsel vm4, v2, v4  }
0x1a0: {  	v1 =	vsel vm3, v1, v2;
	vm3 =	vlt.f32 v19, v0;
	v0 =	vmin.f32 v0, v19  }
0x1a1: {  	v5 =	vsel vm3, v17, v47;
	vm3 =	vlt.f32 v18, v0;
	v0 =	vmin.f32 v0, v18  }
0x1a2: {  	v6 =	vsel vm2, v8, v36;
	v5 =	vsel vm3, v15, v5;
	vm2 =	vlt.f32 v16, v0  }
0x1a3: {  	v5 =	vsel vm2, v7, v5;
	v7 =	vld [tilespmem:$0x1FFE0];
	_ =	sdelay $0x3  }
0x1a4: {  	v2 =	vsel vm1, v9, v28;
	vm1 =	vlt.f32 v12, v30;
	v0 =	vmin.f32 v0, v16  }
0x1a5: {  	v2 =	vsel vm1, v63, v2;
	vm1 =	vlt.f32 v7, v0;
	v0 =	vmin.f32 v0, v7;
	v7 =	vld [tilespmem:$0x1FFD0];
	_ =	sdelay $0x4  }
0x1a6: {  	v5 =	vsel vm1, v7, v5;
	v7 =	vld [tilespmem:$0x1FFC0]  }
0x1a7: {  	v8 =	vld [tilespmem:$0x1FFB0];
	_ =	sdelay $0x3  }
0x1a8: {  	vm1 =	vlt.f32 v7, v0;
	v0 =	vmin.f32 v0, v7  }
0x1a9: {  	v5 =	vsel vm1, v62, v5;
	vm1 =	vlt.f32 v8, v0;
	v0 =	vmin.f32 v0, v8;
	v8 =	vld [tilespmem:$0x1FFA0];
	_ =	sdelay $0x3  }
0x1aa: {  	v3 =	vmin.f32 v27, v13;
	v4 =	vmin.f32 v30, v12;
	v7 =	vld [tilespmem:s21+$0x10810]  }
0x1ab: {  	v5 =	vsel vm1, v14, v5;
	vm1 =	vlt.f32 v8, v0;
	v0 =	vmin.f32 v0, v8  }
0x1ac: {  	v8 =	vld [tilespmem:s21+$0x10010];
	v5 =	vsel vm1, v10, v5;
	vm1 =	vlt.f32 v4, v0;
	v0 =	vmin.f32 v4, v0  }
0x1ad: {  	v2 =	vsel vm1, v2, v5;
	vm1 =	vlt.f32 v3, v0;
	v0 =	vmin.f32 v3, v0  }
0x1ae: {  	v3 =	vsel vm0, v11, v25;
	v2 =	vsel vm1, v6, v2;
	vm0 =	vlt.f32 v26, v0  }
0x1af: {  	v0 =	vmul.f32 v1, v7;
	v1 =	vsel vm0, v3, v2  }
0x1b0: {  	v1 =	vmul.f32 v1, v37  }
0x1b1: {  	v0 =	vadd.f32 v0, v8  }
0x1b2: {  	v1 =	vadd.f32 v1, v35  }
0x1b3: {  	[tilespmem:s21+$0x11010] =	vst v0  }
0x1b4: {  	[tilespmem:s21+$0x11000] =	vst v1  }
0x1b5: {  	s21 =	simm.s32 $0x0;
	s22 =	rddreg [dreg:$0x17]  }
0x1b6: {  	[hbm4b:s22+s21] =	stream.linear.scatter [tilespmem:s17], [sflag:$0x3], $0x400, $0x38;
	[tilespmem:$0x11400] =	vst v63  }
0x1b7: {  	_ =	swait.ge [sflag:s18], $0x400  }
0x1b8: {  	[sflag:s18] =	ssyncset.done $0x0  }
0x1b9: {  	[sflag:s18] =	ssyncadd.s32 $0xFFFFFC00  }
0x1ba: {  	_ =	swait.ge [sflag:s19], $0x8000  }
0x1bb: {  	[sflag:s19] =	ssyncset.done $0x0  }
0x1bc: {  	[sflag:s19] =	ssyncadd.s32 $0xFFFF8000  }
0x1bd: {  	_ =	swait.ge [sflag:s19], $0x400  }
0x1be: {  	[sflag:s19] =	ssyncset.done $0x0  }
0x1bf: {  	[sflag:s19] =	ssyncadd.s32 $0xFFFFFC00  }
0x1c0: {  	_ =	swait.ge [sflag:s19], $0x400  }
0x1c1: {  	[sflag:s19] =	ssyncset.done $0x0  }
0x1c2: {  	s25 =	sand.u32 $0x3E0, s21;
	[sflag:s19] =	ssyncadd.s32 $0xFFFFFC00  }
0x1c3: {  	v11 =	vld [tilespmem:s25+$0xFC00]  }
0x1c4: {  	v8 =	vld [tilespmem:s25+$0xDC00]  }
0x1c5: {  	v25 =	vld [tilespmem:s25+$0xF800]  }
0x1c6: {  	v10 =	vld [tilespmem:s25+$0x9C00]  }
0x1c7: {  	v63 =	vld [tilespmem:s25+$0xBC00]  }
0x1c8: {  	v32 =	vld [tilespmem:s25+$0xD800]  }
0x1c9: {  	v26 =	vld [tilespmem:s25+$0xF400]  }
0x1ca: {  	v14 =	vld [tilespmem:s25+$0x9800]  }
0x1cb: {  	v9 =	vld [tilespmem:s25+$0xB800]  }
0x1cc: {  	v27 =	vld [tilespmem:s25+$0xD400]  }
0x1cd: {  	v28 =	vld [tilespmem:s25+$0xF000]  }
0x1ce: {  	v62 =	vld [tilespmem:s25+$0x9400]  }
0x1cf: {  	v30 =	vld [tilespmem:s25+$0xB400]  }
0x1d0: {  	v29 =	vld [tilespmem:s25+$0xD000]  }
0x1d1: {  	v23 =	vld [tilespmem:s25+$0xEC00]  }
0x1d2: {  	v0 =	vld [tilespmem:s25+$0x9000]  }
0x1d3: {  	v31 =	vld [tilespmem:s25+$0xB000]  }
0x1d4: {  	v33 =	vld [tilespmem:s25+$0xCC00];
	v1 =	vmul.f32 v10, v10  }
0x1d5: {  	v21 =	vld [tilespmem:s25+$0xE800]  }
0x1d6: {  	v2 =	vld [tilespmem:s25+$0x8C00];
	[tilespmem:$0x1FDD0] =	vst v1;
	v1 =	vmul.f32 v14, v14  }
0x1d7: {  	v34 =	vld [tilespmem:s25+$0xAC00]  }
0x1d8: {  	v35 =	vmul.f32 v11, v11;
	v22 =	vld [tilespmem:s25+$0xC800];
	[tilespmem:$0x1FDE0] =	vst v1;
	v1 =	vmul.f32 v62, v62  }
0x1d9: {  	v13 =	vmul.f32 v8, v8;
	v36 =	vmul.f32 v25, v25;
	v19 =	vld [tilespmem:s25+$0xE000]  }
0x1da: {  	v12 =	vmul.f32 v63, v63;
	v37 =	vmul.f32 v32, v32;
	v20 =	vld [tilespmem:s25+$0xE400];
	[tilespmem:$0x1FDF0] =	vst v1  }
0x1db: {  	v38 =	vmul.f32 v26, v26;
	v39 =	vmul.f32 v9, v9;
	v24 =	vld [tilespmem:s25+$0xC000]  }
0x1dc: {  	v40 =	vmul.f32 v27, v27;
	v43 =	vld [tilespmem:s25+$0xC400];
	[tilespmem:$0x1FE00] =	vst v0;
	v0 =	vmul.f32 v0, v0  }
0x1dd: {  	v41 =	vmul.f32 v28, v28;
	v42 =	vmul.f32 v30, v30  }
0x1de: {  	v44 =	vmul.f32 v29, v29;
	v46 =	vmul.f32 v23, v23;
	[tilespmem:$0x1FE10] =	vst v0  }
0x1df: {  	v47 =	vmul.f32 v31, v31;
	v49 =	vmul.f32 v33, v33;
	v45 =	vld [tilespmem:s25+$0xA000]  }
0x1e0: {  	v16 =	vmul.f32 v2, v2;
	v50 =	vmul.f32 v21, v21;
	v48 =	vld [tilespmem:s25+$0xA400];
	[tilespmem:$0x1FE20] =	vst v2  }
0x1e1: {  	v18 =	vmul.f32 v19, v19;
	v54 =	vmul.f32 v20, v20;
	v15 =	vld [tilespmem:s25+$0x8800]  }
0x1e2: {  	v52 =	vld [tilespmem:s25+$0xA800];
	v55 =	vmul.f32 v24, v24;
	v60 =	vmul.f32 v43, v43  }
0x1e3: {  	v51 =	vmul.f32 v34, v34;
	v53 =	vmul.f32 v22, v22;
	v17 =	vld [tilespmem:s25+$0x8400];
	vm0 =	vlt.f32 v54, v18  }
0x1e4: {  	v54 =	vmin.f32 v18, v54;
	vm1 =	vlt.f32 v60, v55;
	v55 =	vmin.f32 v55, v60  }
0x1e5: {  	v60 =	vsel vm0, v20, v19;
	vm0 =	vlt.f32 v50, v54;
	v61 =	vmul.f32 v45, v45  }
0x1e6: {  	v58 =	vmul.f32 v48, v48;
	v24 =	vsel vm1, v43, v24;
	vm1 =	vlt.f32 v53, v55  }
0x1e7: {  	s22 =	simm.s32 $0x0;
	v43 =	vmin.f32 v54, v50;
	v59 =	vsel vm0, v21, v60;
	v18 =	vmul.f32 v15, v15  }
0x1e8: {  	v20 =	vld [tilespmem:s22+$0xFC10];
	v57 =	vmul.f32 v52, v52;
	v19 =	vmul.f32 v17, v17;
	vm0 =	vlt.f32 v46, v43  }
0x1e9: {  	v21 =	vld [tilespmem:s22+$0xDC10];
	v60 =	vsel vm1, v22, v24;
	v43 =	vmin.f32 v43, v46;
	vm2 =	vlt.f32 v58, v61  }
0x1ea: {  	v24 =	vld [tilespmem:s22+$0xF810];
	v56 =	vmin.f32 v61, v58;
	v61 =	vmin.f32 v55, v53;
	v45 =	vsel vm2, v48, v45  }
0x1eb: {  	v22 =	vld [tilespmem:s22+$0x9C10];
	vm2 =	vlt.f32 v57, v56;
	v57 =	vmin.f32 v56, v57;
	vm1 =	vlt.f32 v49, v61  }
0x1ec: {  	v53 =	vld [tilespmem:s22+$0xEC10];
	v61 =	vmin.f32 v61, v49;
	v56 =	vsel vm0, v23, v59;
	vm0 =	vlt.f32 v41, v43  }
0x1ed: {  	v23 =	vld [tilespmem:s22+$0xBC10];
	v41 =	vmin.f32 v43, v41;
	v45 =	vsel vm2, v52, v45;
	vm2 =	vlt.f32 v51, v57  }
0x1ee: {  	v43 =	vld [tilespmem:s22+$0xC010];
	v55 =	vmin.f32 v57, v51;
	v33 =	vsel vm1, v33, v60;
	vm1 =	vlt.f32 v44, v61  }
0x1ef: {  	v48 =	vld [tilespmem:s22+$0xC410];
	v57 =	vmin.f32 v61, v44;
	v28 =	vsel vm0, v28, v56;
	vm0 =	vlt.f32 v38, v41  }
0x1f0: {  	v49 =	vld [tilespmem:s22+$0x8010];
	v38 =	vmin.f32 v41, v38;
	v34 =	vsel vm2, v34, v45;
	vm2 =	vlt.f32 v47, v55  }
0x1f1: {  	v51 =	vld [tilespmem:s22+$0xF010];
	v58 =	vmin.f32 v55, v47;
	v59 =	vsel vm1, v29, v33;
	vm1 =	vlt.f32 v40, v57  }
0x1f2: {  	v41 =	vld [tilespmem:s22+$0xE410];
	v40 =	vmin.f32 v57, v40;
	v29 =	vmul.f32 v21, v21;
	v26 =	vsel vm0, v26, v28  }
0x1f3: {  	v52 =	vld [tilespmem:s22+$0xA010];
	vm0 =	vlt.f32 v36, v38;
	v0 =	vmin.f32 v38, v36;
	v60 =	vsel vm2, v31, v34  }
0x1f4: {  	v45 =	vld [tilespmem:s22+$0xE010];
	vm2 =	vlt.f32 v42, v58;
	v44 =	vmin.f32 v58, v42;
	v34 =	vmul.f32 v20, v20  }
0x1f5: {  	v38 =	vld [tilespmem:s22+$0x8410];
	v31 =	vmul.f32 v22, v22;
	v3 =	vmul.f32 v24, v24;
	v46 =	vsel vm1, v27, v59  }
0x1f6: {  	v47 =	vld [tilespmem:s22+$0xA810];
	vm3 =	vlt.f32 v37, v40;
	v27 =	vmin.f32 v40, v37;
	v25 =	vsel vm0, v25, v26  }
0x1f7: {  	v37 =	vld [tilespmem:s22+$0xA410];
	vm0 =	vlt.f32 v35, v0;
	v26 =	vmin.f32 v0, v35;
	v57 =	vmul.f32 v53, v53  }
0x1f8: {  	v40 =	vld [tilespmem:s22+$0xE810];
	v28 =	vsel vm2, v30, v60;
	v33 =	vmul.f32 v23, v23;
	v61 =	vmul.f32 v43, v43  }
0x1f9: {  	vm1 =	vlt.f32 v39, v44;
	v42 =	vmul.f32 v48, v48;
	v54 =	vmul.f32 v49, v49  }
0x1fa: {  	v30 =	vmin.f32 v44, v39;
	v50 =	vmul.f32 v51, v51;
	v44 =	vmul.f32 v41, v41  }
0x1fb: {  	v55 =	vld [tilespmem:s22+$0xC810];
	v36 =	vsel vm3, v32, v46;
	v46 =	vmul.f32 v52, v52;
	v39 =	vmul.f32 v45, v45  }
0x1fc: {  	v56 =	vld [tilespmem:s22+$0x8810];
	v32 =	vmul.f32 v38, v38;
	vm2 =	vlt.f32 v42, v61;
	v59 =	vmul.f32 v47, v47  }
0x1fd: {  	v35 =	vmin.f32 v61, v42;
	v60 =	vmul.f32 v37, v37;
	v61 =	vmul.f32 v40, v40  }
0x1fe: {  	v43 =	vsel vm2, v48, v43;
	vm3 =	vlt.f32 v44, v39;
	v39 =	vmin.f32 v39, v44  }
0x1ff: {  	vm4 =	vlt.f32 v32, v54;
	v32 =	vmin.f32 v54, v32;
	vm5 =	vlt.f32 v60, v46  }
0x200: {  	v58 =	vld [tilespmem:s22+$0xAC10];
	v46 =	vmin.f32 v46, v60;
	v41 =	vsel vm3, v41, v45;
	v60 =	vmul.f32 v55, v55  }
0x201: {  	v1 =	vld [tilespmem:s22+$0xF410];
	vm2 =	vlt.f32 v61, v39;
	v39 =	vmin.f32 v39, v61;
	v61 =	vmul.f32 v56, v56  }
0x202: {  	v48 =	vld [tilespmem:s22+$0x9010];
	v38 =	vsel vm4, v38, v49;
	v37 =	vsel vm5, v37, v52;
	vm5 =	vlt.f32 v59, v46  }
0x203: {  	v54 =	vld [tilespmem:s22+$0xCC10];
	v46 =	vmin.f32 v46, v59;
	v40 =	vsel vm2, v40, v41;
	vm2 =	vlt.f32 v57, v39  }
0x204: {  	v45 =	vld [tilespmem:s22+$0x8C10];
	v39 =	vmin.f32 v39, v57;
	vm3 =	vlt.f32 v60, v35;
	v35 =	vmin.f32 v35, v60  }
0x205: {  	vm4 =	vlt.f32 v61, v32;
	v44 =	vmin.f32 v32, v61;
	v61 =	vmul.f32 v58, v58  }
0x206: {  	v52 =	vld [tilespmem:s22+$0xD010];
	v37 =	vsel vm5, v47, v37;
	v40 =	vsel vm2, v53, v40;
	vm2 =	vlt.f32 v50, v39  }
0x207: {  	v7 =	vld [tilespmem:s22+$0xB410];
	v47 =	vmul.f32 v1, v1;
	v55 =	vsel vm3, v55, v43;
	v56 =	vsel vm4, v56, v38  }
0x208: {  	v59 =	vld [tilespmem:s22+$0xB010];
	v43 =	vmul.f32 v48, v48;
	v51 =	vsel vm2, v51, v40;
	v49 =	vmul.f32 v54, v54  }
0x209: {  	v32 =	vld [tilespmem:s22+$0xD810];
	vm2 =	vlt.f32 v13, v27;
	vm5 =	vlt.f32 v61, v46;
	v60 =	vmul.f32 v45, v45  }
0x20a: {  	v38 =	vld [tilespmem:s22+$0x9810];
	v57 =	vmin.f32 v46, v61;
	v58 =	vsel vm5, v58, v37;
	vm3 =	vlt.f32 v49, v35  }
0x20b: {  	v46 =	vld [tilespmem:s22+$0x9410];
	v35 =	vmin.f32 v35, v49;
	v49 =	vmul.f32 v52, v52;
	vm4 =	vlt.f32 v60, v44  }
0x20c: {  	v2 =	vld [tilespmem:s22+$0xD410];
	v41 =	vmin.f32 v44, v60;
	v54 =	vsel vm3, v54, v55;
	v44 =	vmin.f32 v39, v50  }
0x20d: {  	v60 =	vsel vm4, v45, v56;
	v45 =	vmul.f32 v59, v59;
	vm3 =	vlt.f32 v49, v35  }
0x20e: {  	v35 =	vmin.f32 v35, v49;
	v49 =	vmul.f32 v32, v32;
	vm4 =	vlt.f32 v43, v41  }
0x20f: {  	v61 =	vmin.f32 v41, v43;
	v41 =	vld [tilespmem:s22+$0xB810];
	v50 =	vmul.f32 v38, v38;
	v56 =	vmul.f32 v7, v7  }
0x210: {  	v40 =	vsel vm3, v52, v54;
	v43 =	vmul.f32 v46, v46;
	vm3 =	vlt.f32 v47, v44  }
0x211: {  	vm6 =	vlt.f32 v45, v57;
	v39 =	vmin.f32 v57, v45;
	v57 =	vmul.f32 v2, v2  }
0x212: {  	v37 =	vld [tilespmem:s22+$0x10C00];
	v52 =	vmin.f32 v44, v47;
	v53 =	vsel vm4, v48, v60;
	vm4 =	vlt.f32 v43, v61  }
0x213: {  	v47 =	vld [tilespmem:s22+$0x8000];
	v54 =	vsel vm6, v59, v58;
	vm6 =	vlt.f32 v56, v39;
	vm5 =	vlt.f32 v57, v35  }
0x214: {  	s23 =	simm.s32 $0x0;
	s24 =	simm.s32 $0x20;
	v55 =	vmin.f32 v35, v57;
	v57 =	vmin.f32 v61, v43;
	v35 =	vld [tilespmem:s22+$0x10400];
	v48 =	vmul.f32 v41, v41  }
.LBB2_4:
0x215: {  	v39 =	vmin.f32 v39, v56;
	v46 =	vsel vm4, v46, v53  }
0x216: {  	v60 =	vmin.f32 v55, v49;
	vm4 =	vlt.f32 v50, v57;
	v61 =	vmin.f32 v57, v50  }
0x217: {  	v38 =	vsel vm4, v38, v46;
	vm4 =	vlt.f32 v31, v61;
	v31 =	vmin.f32 v61, v31  }
0x218: {  	v22 =	vsel vm4, v22, v38;
	v51 =	vsel vm3, v1, v51;
	vm3 =	vlt.f32 v3, v52  }
0x219: {  	v44 =	vsel vm5, v2, v40;
	vm5 =	vlt.f32 v49, v55;
	v42 =	vmin.f32 v52, v3  }
0x21a: {  	v45 =	vsel vm6, v7, v54;
	vm6 =	vlt.f32 v48, v39;
	v55 =	vmin.f32 v39, v48  }
0x21b: {  	v24 =	vsel vm3, v24, v51;
	vm3 =	vlt.f32 v34, v42;
	v32 =	vsel vm5, v32, v44  }
0x21c: {  	vm5 =	vlt.f32 v29, v60;
	v57 =	vmin.f32 v42, v34;
	v29 =	vmin.f32 v60, v29  }
0x21d: {  	v41 =	vsel vm6, v41, v45;
	vm6 =	vlt.f32 v33, v55;
	v58 =	vmin.f32 v55, v33  }
0x21e: {  	v23 =	vsel vm6, v23, v41;
	vm4 =	vlt.f32 v58, v31;
	v31 =	vmin.f32 v58, v31  }
0x21f: {  	v21 =	vsel vm5, v21, v32;
	v22 =	vsel vm4, v23, v22;
	vm4 =	vlt.f32 v29, v31  }
0x220: {  	v23 =	vmin.f32 v29, v31;
	v21 =	vsel vm4, v21, v22;
	v22 =	vmul.f32 v47, v47  }
0x221: {  	v0 =	vld [tilespmem:$0x1FE20];
	v20 =	vsel vm3, v20, v24;
	vm3 =	vlt.f32 v57, v23  }
0x222: {  	v20 =	vsel vm3, v20, v21;
	vm3 =	vlt.f32 v19, v22;
	v19 =	vmin.f32 v22, v19  }
0x223: {  	v17 =	vsel vm3, v17, v47;
	vm3 =	vlt.f32 v18, v19  }
0x224: {  	v2 =	vsel vm3, v15, v17;
	v17 =	vmin.f32 v19, v18  }
0x225: {  	v18 =	vsel vm2, v8, v36;
	vm2 =	vlt.f32 v16, v17  }
0x226: {  	v8 =	vsel vm2, v0, v2;
	v0 =	vld [tilespmem:$0x1FE10]  }
0x227: {  	s25 =	sand.u32 $0x3E0, s24;
	v59 =	vld [tilespmem:s22+$0x10C10]  }
0x228: {  	v43 =	vld [tilespmem:s25+$0xFC00]  }
0x229: {  	v53 =	vld [tilespmem:s25+$0x9C00]  }
0x22a: {  	v56 =	vld [tilespmem:s25+$0xBC00];
	v9 =	vsel vm1, v9, v28;
	vm1 =	vlt.f32 v12, v30;
	v16 =	vmin.f32 v17, v16  }
0x22b: {  	v17 =	vsel vm1, v63, v9;
	vm1 =	vlt.f32 v0, v16;
	v2 =	vmin.f32 v16, v0;
	v0 =	vld [tilespmem:$0x1FE00]  }
0x22c: {  	v61 =	vld [tilespmem:s25+$0xB800]  }
0x22d: {  	v46 =	vld [tilespmem:s25+$0xE400]  }
0x22e: {  	v52 =	vld [tilespmem:s25+$0xDC00]  }
0x22f: {  	v40 =	vld [tilespmem:s25+$0xF800]  }
0x230: {  	v6 =	vsel vm1, v0, v8;
	v0 =	vld [tilespmem:$0x1FDF0]  }
0x231: {  	v39 =	vld [tilespmem:s25+$0xD800]  }
0x232: {  	v48 =	vld [tilespmem:s25+$0xD400]  }
0x233: {  	v28 =	vld [tilespmem:s25+$0xB400]  }
0x234: {  	v12 =	vmin.f32 v30, v12;
	v30 =	vld [tilespmem:s25+$0xB000]  }
0x235: {  	vm1 =	vlt.f32 v0, v2;
	v8 =	vmin.f32 v2, v0;
	v0 =	vld [tilespmem:$0x1FDE0]  }
0x236: {  	v49 =	vld [tilespmem:s25+$0xA800]  }
0x237: {  	v42 =	vld [tilespmem:s25+$0xF400]  }
0x238: {  	v60 =	vld [tilespmem:s25+$0x9800]  }
0x239: {  	v33 =	vld [tilespmem:s25+$0xCC00]  }
0x23a: {  	v6 =	vsel vm1, v62, v6;
	vm1 =	vlt.f32 v0, v8;
	v8 =	vmin.f32 v8, v0;
	v0 =	vld [tilespmem:$0x1FDD0]  }
0x23b: {  	v45 =	vld [tilespmem:s25+$0xE800]  }
0x23c: {  	v34 =	vld [tilespmem:s25+$0xAC00];
	v4 =	vmov v53  }
0x23d: {  	v13 =	vmin.f32 v27, v13;
	v11 =	vsel vm0, v11, v25;
	v29 =	vld [tilespmem:s22+$0x10410];
	v3 =	vmov v61;
	[tilespmem:$0x1FDB0] =	vst v4  }
0x23e: {  	v44 =	vld [tilespmem:s25+$0xE000];
	v41 =	vmul.f32 v46, v46;
	[tilespmem:$0x1FDA0] =	vst v3;
	v1 =	vmov v52;
	v20 =	vmul.f32 v20, v59  }
0x23f: {  	v21 =	vld [tilespmem:s25+$0x9400];
	[tilespmem:$0x1FD70] =	vst v1;
	v6 =	vsel vm1, v14, v6;
	vm1 =	vlt.f32 v0, v8;
	v7 =	vmin.f32 v8, v0  }
0x240: {  	v51 =	vld [tilespmem:s25+$0xC400];
	v5 =	vmovc v60;
	v8 =	vsel vm1, v10, v6;
	vm1 =	vlt.f32 v12, v7;
	v7 =	vmin.f32 v12, v7  }
0x241: {  	v31 =	vld [tilespmem:s25+$0xEC00];
	[tilespmem:$0x1FD00] =	vst v5;
	v10 =	vsel vm1, v17, v8;
	vm1 =	vlt.f32 v13, v7;
	v7 =	vmin.f32 v13, v7  }
0x242: {  	v23 =	vld [tilespmem:s25+$0xF000];
	v20 =	vadd.f32 v20, v29;
	v15 =	vmovc v56;
	v10 =	vsel vm1, v18, v10;
	vm0 =	vlt.f32 v26, v7  }
0x243: {  	v25 =	vmul.f32 v61, v3;
	v58 =	vmul.f32 v30, v30;
	v22 =	vld [tilespmem:s25+$0xD000];
	[tilespmem:$0x1FC60] =	vst v15;
	v7 =	vsel vm0, v11, v10  }
0x244: {  	v50 =	vmul.f32 v42, v42;
	v19 =	vld [tilespmem:s25+$0x9000];
	[tilespmem:s22+$0x11010] =	vst v20;
	v9 =	vmov v21;
	v10 =	vmul.f32 v7, v37  }
0x245: {  	v47 =	vld [tilespmem:s25+$0xC800];
	[tilespmem:$0x1FC70] =	vst v9;
	v6 =	vmov v43;
	v13 =	vmul.f32 v52, v1;
	v1 =	vmul.f32 v53, v4  }
0x246: {  	v59 =	vmul.f32 v33, v33;
	v61 =	vmul.f32 v45, v45;
	v2 =	vld [tilespmem:s25+$0x8C00];
	[tilespmem:$0x1FCF0] =	vst v6;
	v11 =	vadd.f32 v10, v35  }
0x247: {  	v26 =	vmul.f32 v43, v6;
	v6 =	vld [tilespmem:s25+$0x8800];
	[tilespmem:$0x1FDD0] =	vst v1;
	v1 =	vmul.f32 v56, v15  }
0x248: {  	v38 =	vmul.f32 v44, v44;
	v36 =	vmul.f32 v39, v39;
	v35 =	vld [tilespmem:s25+$0xC000];
	[tilespmem:s22+$0x11000] =	vst v11  }
0x249: {  	v55 =	vmul.f32 v31, v31;
	v0 =	vmov v19;
	[tilespmem:$0x1FCE0] =	vst v1;
	v1 =	vmul.f32 v60, v5;
	v5 =	vld [tilespmem:s25+$0x8400]  }
0x24a: {  	s21 =	sadd.s32 $0x80, s21;
	v54 =	vmul.f32 v23, v23;
	[tilespmem:$0x1FE00] =	vst v0;
	v0 =	vmul.f32 v19, v0;
	v52 =	vld [tilespmem:s25+$0xA000]  }
0x24b: {  	v57 =	vmul.f32 v22, v22;
	v63 =	vmul.f32 v47, v47;
	[tilespmem:$0x1FE20] =	vst v2;
	s22 =	sshra.s32 s21, $0x2;
	v53 =	vld [tilespmem:s25+$0xA400]  }
0x24c: {  	v62 =	vmul.f32 v34, v34;
	[tilespmem:$0x1FE10] =	vst v0;
	v0 =	vmul.f32 v2, v2;
	v7 =	vld [tilespmem:s22+$0xFC10]  }
0x24d: {  	v2 =	vmul.f32 v51, v51;
	[tilespmem:$0x1FDE0] =	vst v1;
	v1 =	vmul.f32 v21, v9;
	v32 =	vld [tilespmem:s22+$0xDC10]  }
0x24e: {  	v56 =	vmul.f32 v48, v48;
	[tilespmem:$0x1FCB0] =	vst v0;
	v0 =	vmul.f32 v6, v6;
	v9 =	vld [tilespmem:s22+$0xF810]  }
0x24f: {  	v37 =	vmul.f32 v40, v40;
	v60 =	vmul.f32 v28, v28;
	[tilespmem:$0x1FDF0] =	vst v1  }
0x250: {  	[tilespmem:$0x1FCA0] =	vst v0;
	v0 =	vmul.f32 v49, v49;
	v8 =	vld [tilespmem:s22+$0xF410];
	v1 =	vmul.f32 v35, v35  }
0x251: {  	vm0 =	vlt.f32 v41, v38;
	[tilespmem:$0x1FC90] =	vst v6;
	v15 =	vld [tilespmem:s22+$0xD010];
	v3 =	vmul.f32 v52, v52;
	v4 =	vmul.f32 v53, v53  }
0x252: {  	vm2 =	vlt.f32 v2, v1;
	[tilespmem:$0x1FD20] =	vst v5;
	v5 =	vmul.f32 v5, v5;
	v20 =	vmul.f32 v32, v32  }
0x253: {  	v11 =	vld [tilespmem:s22+$0x9C10];
	v1 =	vmin.f32 v1, v2;
	[tilespmem:$0x1FCD0] =	vst v7;
	v29 =	vmul.f32 v7, v7;
	v7 =	vmul.f32 v9, v9  }
0x254: {  	v6 =	vld [tilespmem:s22+$0xBC10];
	[tilespmem:$0x1FCC0] =	vst v5;
	v5 =	vmin.f32 v38, v41;
	vm1 =	vlt.f32 v4, v3;
	v2 =	vmin.f32 v3, v4  }
0x255: {  	v14 =	vld [tilespmem:s22+$0xF010];
	v3 =	vsel vm0, v46, v44;
	v4 =	vsel vm2, v51, v35;
	vm2 =	vlt.f32 v63, v1  }
0x256: {  	v12 =	vld [tilespmem:s22+$0xD810];
	v1 =	vmin.f32 v1, v63;
	[tilespmem:$0x1FD90] =	vst v7;
	v7 =	vmul.f32 v8, v8;
	v44 =	vmul.f32 v15, v15  }
0x257: {  	v16 =	vld [tilespmem:s22+$0x9010];
	vm0 =	vlt.f32 v61, v5;
	v5 =	vmin.f32 v5, v61;
	v53 =	vsel vm1, v53, v52  }
0x258: {  	v17 =	vld [tilespmem:s22+$0xB810];
	vm1 =	vlt.f32 v0, v2;
	v0 =	vmin.f32 v2, v0;
	v2 =	vsel vm0, v45, v3  }
0x259: {  	v19 =	vld [tilespmem:s22+$0xB410];
	[tilespmem:$0x1FD50] =	vst v8;
	vm0 =	vlt.f32 v55, v5;
	v3 =	vsel vm2, v47, v4;
	vm2 =	vlt.f32 v59, v1  }
0x25a: {  	v18 =	vld [tilespmem:s22+$0xB010];
	[tilespmem:$0x1FD30] =	vst v14;
	v4 =	vmin.f32 v5, v55;
	v5 =	vsel vm1, v49, v53;
	vm1 =	vlt.f32 v62, v0  }
0x25b: {  	v63 =	vld [tilespmem:s22+$0xE410];
	v52 =	vmovc v32;
	v1 =	vmin.f32 v1, v59;
	v0 =	vmin.f32 v0, v62;
	v49 =	vmul.f32 v12, v12  }
0x25c: {  	v8 =	vld [tilespmem:s22+$0xA810];
	v32 =	vmovc v12;
	v12 =	vmul.f32 v14, v14;
	v14 =	vmul.f32 v16, v16;
	v2 =	vsel vm0, v31, v2  }
0x25d: {  	v61 =	vld [tilespmem:s22+$0xE810];
	vm0 =	vlt.f32 v54, v4;
	v3 =	vsel vm2, v33, v3;
	vm2 =	vlt.f32 v57, v1  }
0x25e: {  	v55 =	vld [tilespmem:s22+$0xEC10];
	v4 =	vmin.f32 v4, v54;
	v5 =	vsel vm1, v34, v5;
	vm1 =	vlt.f32 v58, v0  }
0x25f: {  	v59 =	vld [tilespmem:s22+$0x8C10];
	v1 =	vmin.f32 v1, v57;
	v0 =	vmin.f32 v0, v58;
	v34 =	vmul.f32 v11, v11  }
0x260: {  	v62 =	vld [tilespmem:s22+$0xE010];
	v33 =	vmul.f32 v6, v6;
	v2 =	vsel vm0, v23, v2;
	vm0 =	vlt.f32 v50, v4  }
0x261: {  	[tilespmem:$0x1FD80] =	vst v16;
	v16 =	vld [tilespmem:s22+$0x8410];
	v3 =	vsel vm2, v22, v3;
	vm2 =	vlt.f32 v56, v1;
	v4 =	vmin.f32 v4, v50  }
0x262: {  	v57 =	vld [tilespmem:s22+$0xCC10];
	v5 =	vsel vm1, v30, v5;
	vm1 =	vlt.f32 v60, v0;
	v1 =	vmin.f32 v1, v56  }
0x263: {  	v58 =	vld [tilespmem:s22+$0xAC10];
	v0 =	vmin.f32 v0, v60;
	v56 =	vmul.f32 v19, v19;
	v2 =	vsel vm0, v42, v2  }
0x264: {  	v51 =	vmovc v6;
	v6 =	vld [tilespmem:s22+$0x8810];
	vm0 =	vlt.f32 v37, v4;
	v4 =	vmin.f32 v4, v37;
	v3 =	vsel vm2, v48, v3  }
0x265: {  	v45 =	vmovc v17;
	v60 =	vld [tilespmem:s22+$0xC810];
	v48 =	vmul.f32 v17, v17;
	vm2 =	vlt.f32 v36, v1;
	v27 =	vmin.f32 v1, v36  }
0x266: {  	v53 =	vmovc v11;
	v11 =	vld [tilespmem:s22+$0xC010];
	v31 =	vsel vm1, v28, v5;
	vm1 =	vlt.f32 v25, v0;
	v17 =	vmul.f32 v18, v18  }
0x267: {  	[tilespmem:$0x1FD60] =	vst v19;
	v1 =	vld [tilespmem:s22+$0xC410];
	v22 =	vmul.f32 v63, v63;
	v19 =	vmul.f32 v61, v61;
	v43 =	vsel vm0, v40, v2  }
0x268: {  	v5 =	vld [tilespmem:s22+$0x8010];
	vm0 =	vlt.f32 v26, v4;
	v42 =	vmin.f32 v4, v26;
	v26 =	vmul.f32 v8, v8  }
0x269: {  	[tilespmem:$0x1FD40] =	vst v15;
	v30 =	vmin.f32 v0, v25;
	v25 =	vld [tilespmem:s22+$0xA010];
	v15 =	vmul.f32 v55, v55;
	v0 =	vmul.f32 v59, v59  }
0x26a: {  	v40 =	vld [tilespmem:s22+$0xA410];
	v21 =	vmul.f32 v62, v62;
	v24 =	vmul.f32 v16, v16  }
0x26b: {  	[tilespmem:$0x1FDC0] =	vst v18;
	v18 =	vmul.f32 v57, v57;
	v2 =	vmul.f32 v58, v58  }
0x26c: {  	v10 =	vld [tilespmem:s22+$0xD410];
	[tilespmem:$0x1FC80] =	vst v20;
	v36 =	vsel vm2, v39, v3;
	v4 =	vmul.f32 v6, v6;
	v20 =	vmul.f32 v60, v60  }
0x26d: {  	v38 =	vld [tilespmem:s22+$0x9810];
	v3 =	vmul.f32 v11, v11;
	vm3 =	vlt.f32 v22, v21;
	v39 =	vmul.f32 v1, v1  }
0x26e: {  	v46 =	vld [tilespmem:s22+$0x9410];
	v21 =	vmin.f32 v21, v22;
	v23 =	vmul.f32 v5, v5;
	v28 =	vmul.f32 v25, v25  }
0x26f: {  	v41 =	vld [tilespmem:s22+$0x10400];
	v35 =	vmul.f32 v40, v40;
	vm4 =	vlt.f32 v39, v3;
	v3 =	vmin.f32 v3, v39  }
0x270: {  	v47 =	vld [tilespmem:s22+$0x8000];
	vm5 =	vlt.f32 v24, v23;
	v22 =	vmin.f32 v23, v24;
	v24 =	vsel vm3, v63, v62  }
0x271: {  	v37 =	vld [tilespmem:s22+$0x10C00];
	vm3 =	vlt.f32 v19, v21;
	vm6 =	vlt.f32 v35, v28;
	v23 =	vmin.f32 v28, v35  }
0x272: {  	v63 =	vld [tilespmem:$0x1FC60];
	v1 =	vsel vm4, v1, v11;
	vm4 =	vlt.f32 v20, v3;
	v11 =	vmin.f32 v21, v19  }
0x273: {  	v62 =	vld [tilespmem:$0x1FC70];
	v5 =	vsel vm5, v16, v5;
	vm5 =	vlt.f32 v4, v22;
	v3 =	vmin.f32 v3, v20  }
0x274: {  	v4 =	vmin.f32 v22, v4;
	v20 =	vsel vm3, v61, v24;
	v61 =	vld [tilespmem:$0x1FD30];
	v28 =	vmovc v31;
	v31 =	vmov v34  }
0x275: {  	v34 =	vmovc v29;
	v16 =	vsel vm6, v40, v25;
	vm6 =	vlt.f32 v26, v23;
	v19 =	vmin.f32 v23, v26;
	v29 =	vld [tilespmem:$0x1FC80]  }
0x276: {  	vm3 =	vlt.f32 v15, v11;
	v1 =	vsel vm4, v60, v1;
	v11 =	vmin.f32 v11, v15;
	v15 =	vld [tilespmem:$0x1FC90]  }
0x277: {  	vm4 =	vlt.f32 v18, v3;
	v5 =	vsel vm5, v6, v5;
	v3 =	vmin.f32 v3, v18;
	v18 =	vld [tilespmem:$0x1FCA0]  }
0x278: {  	vm5 =	vlt.f32 v0, v4;
	v0 =	vmin.f32 v4, v0;
	v4 =	vsel vm6, v8, v16;
	v16 =	vld [tilespmem:$0x1FCB0]  }
0x279: {  	vm6 =	vlt.f32 v2, v19;
	v2 =	vmin.f32 v19, v2;
	v19 =	vld [tilespmem:$0x1FCC0]  }
0x27a: {  	v6 =	vsel vm3, v55, v20;
	v20 =	vld [tilespmem:$0x1FCD0]  }
0x27b: {  	vm3 =	vlt.f32 v12, v11;
	v8 =	vmin.f32 v11, v12;
	v12 =	vld [tilespmem:$0x1FCE0]  }
0x27c: {  	v11 =	vld [tilespmem:$0x1FCF0]  }
0x27d: {  	v54 =	vmovc v9;
	v9 =	vmul.f32 v10, v10;
	v23 =	vmov v51;
	v51 =	vsel vm3, v61, v6;
	v6 =	vld [tilespmem:$0x1FD40]  }
0x27e: {  	[tilespmem:$0x1FD10] =	vst v10;
	v10 =	vmul.f32 v46, v46;
	vm7 =	vlt.f32 v14, v0;
	v0 =	vmin.f32 v0, v14;
	v14 =	vld [tilespmem:$0x1FD00]  }
0x27f: {  	v4 =	vsel vm6, v58, v4;
	vm6 =	vlt.f32 v17, v2;
	v39 =	vmin.f32 v2, v17;
	v2 =	vld [tilespmem:$0x1FD10]  }
0x280: {  	v1 =	vsel vm4, v57, v1;
	vm4 =	vlt.f32 v44, v3;
	v3 =	vmin.f32 v3, v44;
	v17 =	vld [tilespmem:$0x1FD20]  }
0x281: {  	v5 =	vsel vm5, v59, v5;
	vm5 =	vlt.f32 v9, v3;
	v55 =	vmin.f32 v3, v9;
	v3 =	vld [tilespmem:$0x1FD90]  }
0x282: {  	s23 =	sadd.s32 $0x2, s23;
	v40 =	vsel vm4, v6, v1;
	v6 =	vld [tilespmem:$0x1FD80]  }
0x283: {  	p0 =	slt.u32 s23, $0x3E;
	v57 =	vmin.f32 v0, v10;
	vm4 =	vlt.f32 v10, v0;
	v0 =	vld [tilespmem:$0x1FDC0]  }
.Ltmp1:
0x284: {  	v9 =	vld [tilespmem:$0x1FDA0];
	(pc) =	sbr.rel @p0 .LBB2_4-.Ltmp1, $4  }
0x285: {  	v21 =	vmov v52;
	v52 =	vmin.f32 v8, v7;
	vm3 =	vlt.f32 v7, v8;
	v7 =	vld [tilespmem:$0x1FD60]  }
0x286: {  	v50 =	vmul.f32 v38, v38;
	vm2 =	vlt.f32 v13, v27;
	v8 =	vld [tilespmem:$0x1FD70]  }
0x287: {  	v25 =	vmovc v43;
	v26 =	vmovc v42;
	v35 =	vmov v41;
	v41 =	vmov v45;
	v22 =	vmov v53;
	v1 =	vld [tilespmem:$0x1FD50]  }
0x288: {  	s24 =	sadd.s32 $0x20, s24;
	v24 =	vmovc v54;
	v10 =	vld [tilespmem:$0x1FDB0];
	v53 =	vsel vm7, v6, v5;
	v54 =	vsel vm6, v0, v4;
	vm6 =	vlt.f32 v56, v39  }
0x289: {  	v0 =	vmin.f32 v39, v56  }
0x28a: {  	vm11 =	vlt.f32 v3, v52;
	v2 =	vsel vm5, v2, v40;
	vm12 =	vlt.f32 v49, v55  }
0x28b: {  	v45 =	vmin.f32 v52, v3;
	v4 =	vsel vm4, v46, v53;
	vm13 =	vlt.f32 v50, v57  }
0x28c: {  	v5 =	vmin.f32 v55, v49;
	v6 =	vmin.f32 v57, v50;
	v46 =	vmul.f32 v47, v47  }
0x28d: {  	v49 =	vsel vm1, v9, v28;
	v50 =	vmin.f32 v30, v12;
	v7 =	vsel vm6, v7, v54  }
0x28e: {  	vm14 =	vlt.f32 v48, v0;
	v0 =	vmin.f32 v0, v48;
	vm15 =	vlt.f32 v34, v45  }
0x28f: {  	v2 =	vsel vm12, v32, v2;
	vm9 =	vlt.f32 v29, v5;
	v3 =	vmin.f32 v45, v34  }
0x290: {  	v4 =	vsel vm13, v38, v4;
	vm10 =	vlt.f32 v31, v6;
	v5 =	vmin.f32 v5, v29  }
0x291: {  	v6 =	vmin.f32 v6, v31;
	v48 =	vmin.f32 v27, v13;
	v7 =	vsel vm14, v41, v7  }
0x292: {  	v4 =	vsel vm10, v22, v4;
	v2 =	vsel vm9, v21, v2;
	vm6 =	vlt.f32 v19, v46  }
0x293: {  	v52 =	vsel vm2, v8, v36;
	v1 =	vsel vm3, v1, v51;
	v51 =	vsel vm6, v17, v47  }
0x294: {  	v53 =	vld [tilespmem:$0x1FE20];
	v1 =	vsel vm11, v24, v1;
	vm11 =	vlt.f32 v33, v0;
	v0 =	vmin.f32 v0, v33  }
0x295: {  	v55 =	vld [tilespmem:$0x1FE00];
	v7 =	vsel vm11, v23, v7;
	vm12 =	vlt.f32 v0, v6;
	v0 =	vmin.f32 v0, v6  }
0x296: {  	v54 =	vld [tilespmem:$0x1FE10];
	v4 =	vsel vm12, v7, v4;
	vm13 =	vlt.f32 v5, v0;
	v0 =	vmin.f32 v5, v0  }
0x297: {  	v56 =	vld [tilespmem:$0x1FDF0];
	v1 =	vsel vm15, v20, v1;
	v2 =	vsel vm13, v2, v4;
	vm14 =	vlt.f32 v3, v0  }
0x298: {  	v58 =	vld [tilespmem:$0x1FDE0];
	vm15 =	vlt.f32 v12, v30;
	v0 =	vmin.f32 v46, v19;
	v1 =	vsel vm14, v1, v2  }
0x299: {  	v59 =	vld [tilespmem:$0x1FDD0];
	vm7 =	vlt.f32 v18, v0;
	v0 =	vmin.f32 v0, v18;
	v2 =	vsel vm15, v63, v49  }
0x29a: {  	v5 =	vsel vm7, v15, v51;
	vm8 =	vlt.f32 v16, v0;
	v0 =	vmin.f32 v0, v16  }
0x29b: {  	v5 =	vsel vm8, v53, v5;
	vm9 =	vlt.f32 v54, v0;
	v0 =	vmin.f32 v0, v54  }
0x29c: {  	v5 =	vsel vm9, v55, v5;
	vm10 =	vlt.f32 v56, v0;
	v0 =	vmin.f32 v0, v56  }
0x29d: {  	v57 =	vld [tilespmem:s22+$0x10C10];
	v5 =	vsel vm10, v62, v5;
	vm11 =	vlt.f32 v58, v0;
	v0 =	vmin.f32 v0, v58  }
0x29e: {  	v5 =	vsel vm11, v14, v5;
	vm12 =	vlt.f32 v59, v0;
	v0 =	vmin.f32 v0, v59  }
0x29f: {  	v60 =	vld [tilespmem:s22+$0x10410];
	v5 =	vsel vm12, v10, v5;
	vm13 =	vlt.f32 v50, v0;
	v0 =	vmin.f32 v50, v0  }
0x2a0: {  	v2 =	vsel vm13, v2, v5;
	vm14 =	vlt.f32 v48, v0;
	v0 =	vmin.f32 v48, v0  }
0x2a1: {  	v61 =	vsel vm0, v11, v25;
	v2 =	vsel vm14, v52, v2;
	vm15 =	vlt.f32 v26, v0  }
0x2a2: {  	v62 =	vmul.f32 v1, v57;
	v63 =	vsel vm15, v61, v2  }
0x2a3: {  	v1 =	vmul.f32 v63, v37  }
0x2a4: {  	v0 =	vadd.f32 v62, v60  }
0x2a5: {  	v1 =	vadd.f32 v1, v35  }
0x2a6: {  	[tilespmem:s22+$0x11010] =	vst v0  }
0x2a7: {  	[tilespmem:s22+$0x11000] =	vst v1  }
0x2a8: {  	s21 =	rddreg [dreg:$0x18]  }
0x2a9: {  	[hbm4b:s21+s2] =	stream.linear.scatter [tilespmem:s17], [sflag:$0x3], $0x400, $0x38;
	[tilespmem:$0x11400] =	vst v63  }
0x2aa: {  	_ =	swait.ge [sflag:s18], $0x400  }
0x2ab: {  	s20 =	sadd.s32 $0x1, s20;
	s25 =	rddreg [dreg:$0x1a]  }
0x2ac: {  	p0 =	sne.s32 s20, s25  }
.Ltmp2:
0x2ad: {  	_ = 	snop;
	(pc) =	sbr.rel @p0 .LBB2_1-.Ltmp2, $3  }
0x2ae: {  	_ =	sdelay $0x1  }
0x2af: {  	[sflag:s18] =	ssyncset.done $0x0  }
0x2b0: {  	[sflag:s18] =	ssyncadd.s32 $0xFFFFFC00  }
0x2b1: {  	_ =	sfence.sel $0x180000  }
0x2b2: {  	[bflag:$0x0] =	sbarrier.arrive $0xFFFF  }
0x2b3: {  	_ =	strace $0x90000047  }
0x2b4: {  	s0 =	stileid.u32;
	[bflag:$0x2] =	sbarrier.arrive $0xFFFF  }
0x2b5: {  	p0 =	sne.s32 s0, $0x0;
	s0 =	rddreg [dreg:$0x4]  }
0x2b6: {  	s0 =	sadd.s32 @!p0 $0x100000, s0  }
0x2b7: {  	[sflag:s0] =	ssyncadd.tile.s32 @!p0 $0x1;
	_ =	shalt  }
.Lfunc_end2:
_tile_overlayer_lowered:
.L_overlay_start_2:
0x2b8: {  	(tag) =	ssettag $0x2  }
0x2b9: {  	s0 =	rddreg [dreg:$0x0];
	s2 =	stileid.u32  }
0x2ba: {  	s1 =	rddreg [dreg:$0x1];
	p0 =	sne.s32 s2, $0x0  }
0x2bb: {  	s3 =	rddreg [dreg:$0x2];
	[bflag:$0x3] =	sbarrier.arrive $0xFFFF;
	s2 =	simm.s32 @!p0 $0x1C03  }
0x2bc: {  	[timem:s3], [sflag:s2] =	dma.local @!p0 [hbm:s0], s1  }
0x2bd: {  	s0 =	simm.s32 @!p0 $0x3  }
0x2be: {  	_ =	swait.ge @!p0 [sflag:s0], s1  }
0x2bf: {  	s1 =	ssub.s32 @!p0 $0x0, s1;
	[sflag:s0] =	ssyncset.done @!p0 $0x0  }
0x2c0: {  	[sflag:s0] =	ssyncadd.s32 @!p0 s1  }
0x2c1: {  	[bflag:$0x3] =	sbarrier.arrive $0xFFFF  }
0x2c2: {  	_ =	shalt  }

</sc_bundles>
